<compile_context>
chip_gen: v7x
topology: tpu7x:2x2x1
jax: 0.10.2.dev20260603
libtpu: 0.0.44.dev20260713+nightly
codegen_flags: <defaults>
</compile_context>

<pallas_src>
import functools

import jax
import jax.numpy as jnp
from jax import lax
from jax.experimental import pallas as pl
from jax.experimental.pallas import tpu as pltpu
from jax.experimental.pallas import tpu_sc as plsc

B = 16384
N_NUM = 13
N_CAT = 26
VOCAB = 100001
EMB = 50
PITCH = 56
OUT_W = N_NUM + N_CAT * EMB
OUT_PAD = 1328

_INFO = plsc.get_sparse_core_info()
NC = _INFO.num_cores
NS = _INFO.num_subcores
NW = NC * NS

CB = 16
N_CHUNK_TOT = B // CB
N_CHUNKS = N_CHUNK_TOT // NW
DESC_PER_CHUNK = CB * N_CAT * 2
G = 13
GW = DESC_PER_CHUNK // G


def _project(idx3, q3, x3, flat_tables):
    mesh = plsc.VectorSubcoreMesh(core_axis_name="c", subcore_axis_name="s")

    @functools.partial(
        pl.kernel,
        mesh=mesh,
        out_type=jax.ShapeDtypeStruct((B, OUT_PAD), jnp.float32),
        scratch_types=[
            pltpu.VMEM((G, GW), jnp.int32),
            pltpu.VMEM((CB * N_CAT, 16), jnp.int32),
            pltpu.VMEM((CB, 16), jnp.float32),
            pltpu.VMEM((DESC_PER_CHUNK + 2, EMB), jnp.float32),
            pltpu.VMEM((CB, OUT_PAD), jnp.float32),
            pltpu.SemaphoreType.DMA,
        ],
        compiler_params=pltpu.CompilerParams(
            use_tc_tiling_on_sc=False, needs_layout_passes=False
        ),
    )
    def k(idx_hbm, q_hbm, x_hbm, table_hbm, out_hbm,
          idx_v, q_v, x_v, rows_v, outbuf, sem):
        wid = lax.axis_index("s") * NC + lax.axis_index("c")
        lanes = lax.iota(jnp.int32, 16)
        zeros = lanes - lanes

        def body(ci, _):
            c = wid * N_CHUNKS + ci
            pltpu.sync_copy(idx_hbm.at[c], idx_v)
            pltpu.sync_copy(q_hbm.at[c], q_v)
            pltpu.sync_copy(x_hbm.at[c], x_v)
            copies = [
                pltpu.async_copy(
                    table_hbm.at[idx_v.at[j]],
                    rows_v.at[pl.ds(j * GW, GW)],
                    sem,
                )
                for j in range(G)
            ]
            for cp in copies:
                cp.wait()

            def row_body(m, _):
                outbuf[m, pl.ds(0, 16)] = x_v[m]
                pbase = m * N_CAT
                for f in range(N_CAT):
                    q0 = q_v[pbase + f] + lanes
                    d0 = N_NUM + EMB * f
                    for kk in range(4):
                        v = plsc.load_gather(rows_v, [zeros, q0 + 16 * kk])
                        outbuf[m, pl.ds(d0 + 16 * kk, 16)] = v
                return 0

            lax.fori_loop(0, CB, row_body, 0)
            pltpu.sync_copy(outbuf, out_hbm.at[pl.ds(c * CB, CB)])
            return 0

        lax.fori_loop(0, N_CHUNKS, body, 0)

    return k(idx3, q3, x3, flat_tables)


def kernel(x_num, x_cat, tables):
    flat_tables = tables.reshape(N_CAT * VOCAB, EMB)
    r = x_cat + jnp.arange(N_CAT, dtype=jnp.int32) * VOCAB
    i0 = (PITCH * r) // EMB
    ph = PITCH * r - EMB * i0
    idx2 = jnp.stack([i0, i0 + 1], axis=-1)
    idx3 = idx2.reshape(N_CHUNK_TOT, G, GW)
    m_in_chunk = (jnp.arange(B, dtype=jnp.int32) % CB)[:, None]
    fcol = jnp.arange(N_CAT, dtype=jnp.int32)[None, :]
    qbase = EMB * (2 * N_CAT * m_in_chunk + 2 * fcol) + ph
    q3 = jnp.broadcast_to(qbase[:, :, None], (B, N_CAT, 16))
    q3 = q3.reshape(N_CHUNK_TOT, CB * N_CAT, 16)
    x3 = jnp.pad(x_num, ((0, 0), (0, 3))).reshape(N_CHUNK_TOT, CB, 16)
    out = _project(idx3, q3, x3, flat_tables)
    return out[:, :OUT_W]

# --- scband reference (transcript-rebuilt; emitter-appended) ---
"""Pipeline reference for scband-feature-projector-48473000902821 (READ-ONLY COPY).

The authoritative reference and input builder live on the scoring server;
editing this copy changes nothing except your own understanding.
"""

import jax, jax.numpy as jnp
import numpy as np

B = 16384
N_NUM = 13
N_CAT = 26
VOCAB = 100001  # cardinality + 1
EMB = 50        # min(50, int(1.6 * 100001**0.56))


def setup_inputs(seed: int = 0) -> dict:
    key = jax.random.key(seed)
    k1, k2, k3 = jax.random.split(key, 3)
    x_num = jax.random.normal(k1, (B, N_NUM), dtype=jnp.float32)
    x_cat = jax.random.randint(k2, (B, N_CAT), 0, 100000, dtype=jnp.int32)
    # xavier_uniform init for each embedding table, stacked: [N_CAT, VOCAB, EMB]
    bound = float(np.sqrt(6.0 / (VOCAB + EMB)))
    tables = jax.random.uniform(k3, (N_CAT, VOCAB, EMB), dtype=jnp.float32,
                                minval=-bound, maxval=bound)
    return {"x_num": x_num, "x_cat": x_cat, "tables": tables}


def reference(x_num, x_cat, tables):
    # per-field embedding lookup: tables[i][x_cat[:, i]] for i in range(N_CAT)
    emb = jax.vmap(lambda t, idx: jnp.take(t, idx, axis=0),
                   in_axes=(0, 1), out_axes=1)(tables, x_cat)  # [B, N_CAT, EMB]
    emb = emb.reshape(emb.shape[0], N_CAT * EMB)
    # concat order matches torch module: x_num first, then embeddings in field order
    return jnp.concatenate([x_num, emb], axis=-1)

if __name__ == "__main__":
    import jax
    _d = setup_inputs()
    print(jax.jit(kernel)(*tuple(_d.values())))

</pallas_src>

<mosaic_0001>
#map = affine_map<(d0, d1) -> (0, 0, 0)>
#map1 = affine_map<(d0, d1) -> (0, 0)>
module attributes {stable_mosaic.version = 14 : i64} {
  func.func @k(%arg0: i32, %arg1: i32, %arg2: memref<1024x13x64xi32, #tpu.memory_space<hbm>>, %arg3: memref<1024x416x16xi32, #tpu.memory_space<hbm>>, %arg4: memref<1024x16x16xf32, #tpu.memory_space<hbm>>, %arg5: memref<2600026x50xf32, #tpu.memory_space<hbm>>, %arg6: memref<16384x1328xf32, #tpu.memory_space<hbm>>, %arg7: memref<13x64xi32, #tpu.memory_space<vmem>>, %arg8: memref<416x16xi32, #tpu.memory_space<vmem>>, %arg9: memref<16x16xf32, #tpu.memory_space<vmem>>, %arg10: memref<834x50xf32, #tpu.memory_space<vmem>>, %arg11: memref<16x1328xf32, #tpu.memory_space<vmem>>, %arg12: memref<!tpu.dma_semaphore, #tpu.memory_space<semaphore_mem>>) attributes {dimension_semantics = [#tpu.dimension_semantics<core_parallel>, #tpu.dimension_semantics<subcore_parallel>], iteration_bounds = array<i64: 2, 16>, scalar_prefetch = 0 : i64, scratch_operands = 6 : i64, tpu.core_type = #tpu.core_type<sc_vector_subcore>, window_params = [{transform_indices = #map}, {transform_indices = #map}, {transform_indices = #map}, {transform_indices = #map1}, {transform_indices = #map1}]} {
    %mul3A = arith.constant 2 : i32
    %mul3A_0 = arith.muli %arg1, %mul3A : i32
    %add3A = arith.addi %mul3A_0, %arg0 : i32
    %iota3A = tpu.iota {dimensions = array<i32: 0>} : vector<16xi32>
    %sub3A = arith.subi %iota3A, %iota3A : vector<16xi32>
    %scan3A = arith.constant 0 : i32
    %scan3A_1 = arith.constant 0 : i32
    %scan3A_2 = arith.constant 32 : i32
    %scan3A_3 = arith.addi %scan3A_1, %scan3A_2 : i32
    %scan3A_4 = arith.constant 1 : i32
    %scan3A_5 = scf.for %scan3A_7 = %scan3A_1 to %scan3A_3 step %scan3A_4 iter_args(%scan3A_8 = %scan3A) -> (i32)  : i32 {
      %mul3A_9 = arith.constant 32 : i32
      %mul3A_10 = arith.muli %add3A, %mul3A_9 : i32
      %add3A_11 = arith.addi %mul3A_10, %scan3A_7 : i32
      "tpu.region"() ({
        %run_scoped3A = tpu.sem_alloc : memref<!tpu.dma_semaphore, #tpu.memory_space<semaphore_mem>>
        %dma_start3A_280 = arith.constant 0 : i32
        %dma_start3A_281 = arith.constant 0 : i32
        %dma_start3A_282 = tpu.memref_slice %arg2[%add3A_11, %dma_start3A_280, %dma_start3A_281] : memref<1024x13x64xi32, #tpu.memory_space<hbm>> -> memref<1x13x64xi32, #tpu.memory_space<hbm>>
        %dma_start3A_283 = tpu.memref_squeeze %dma_start3A_282 : memref<1x13x64xi32, #tpu.memory_space<hbm>> -> memref<13x64xi32, #tpu.memory_space<hbm>>
        %dma_start3A_284 = arith.constant 0 : i32
        %dma_start3A_285 = arith.constant 0 : i32
        %dma_start3A_286 = tpu.memref_slice %arg2[%add3A_11, %dma_start3A_284, %dma_start3A_285] : memref<1024x13x64xi32, #tpu.memory_space<hbm>> -> memref<1x13x64xi32, #tpu.memory_space<hbm>>
        %dma_start3A_287 = tpu.memref_squeeze %dma_start3A_286 : memref<1x13x64xi32, #tpu.memory_space<hbm>> -> memref<13x64xi32, #tpu.memory_space<hbm>>
        tpu.enqueue_dma source(%dma_start3A_287 : memref<13x64xi32, #tpu.memory_space<hbm>>) target(%arg7 : memref<13x64xi32, #tpu.memory_space<vmem>>) target_semaphore(%run_scoped3A : memref<!tpu.dma_semaphore, #tpu.memory_space<semaphore_mem>>)
        %dma_wait3A_288 = arith.constant 0 : i32
        %dma_wait3A_289 = arith.constant 0 : i32
        %dma_wait3A_290 = tpu.memref_slice %arg2[%add3A_11, %dma_wait3A_288, %dma_wait3A_289] : memref<1024x13x64xi32, #tpu.memory_space<hbm>> -> memref<1x13x64xi32, #tpu.memory_space<hbm>>
        %dma_wait3A_291 = tpu.memref_squeeze %dma_wait3A_290 : memref<1x13x64xi32, #tpu.memory_space<hbm>> -> memref<13x64xi32, #tpu.memory_space<hbm>>
        %dma_wait3A_292 = arith.constant 0 : i32
        %dma_wait3A_293 = arith.constant 0 : i32
        %dma_wait3A_294 = tpu.memref_slice %arg2[%add3A_11, %dma_wait3A_292, %dma_wait3A_293] : memref<1024x13x64xi32, #tpu.memory_space<hbm>> -> memref<1x13x64xi32, #tpu.memory_space<hbm>>
        %dma_wait3A_295 = tpu.memref_squeeze %dma_wait3A_294 : memref<1x13x64xi32, #tpu.memory_space<hbm>> -> memref<13x64xi32, #tpu.memory_space<hbm>>
        tpu.wait_dma2 semaphore(%run_scoped3A : memref<!tpu.dma_semaphore, #tpu.memory_space<semaphore_mem>>) src(%dma_wait3A_295 : memref<13x64xi32, #tpu.memory_space<hbm>>) dst(%arg7 : memref<13x64xi32, #tpu.memory_space<vmem>>)
        tpu.yield
      }) : () -> ()
      "tpu.region"() ({
        %run_scoped3A = tpu.sem_alloc : memref<!tpu.dma_semaphore, #tpu.memory_space<semaphore_mem>>
        %dma_start3A_280 = arith.constant 0 : i32
        %dma_start3A_281 = arith.constant 0 : i32
        %dma_start3A_282 = tpu.memref_slice %arg3[%add3A_11, %dma_start3A_280, %dma_start3A_281] : memref<1024x416x16xi32, #tpu.memory_space<hbm>> -> memref<1x416x16xi32, #tpu.memory_space<hbm>>
        %dma_start3A_283 = tpu.memref_squeeze %dma_start3A_282 : memref<1x416x16xi32, #tpu.memory_space<hbm>> -> memref<416x16xi32, #tpu.memory_space<hbm>>
        %dma_start3A_284 = arith.constant 0 : i32
        %dma_start3A_285 = arith.constant 0 : i32
        %dma_start3A_286 = tpu.memref_slice %arg3[%add3A_11, %dma_start3A_284, %dma_start3A_285] : memref<1024x416x16xi32, #tpu.memory_space<hbm>> -> memref<1x416x16xi32, #tpu.memory_space<hbm>>
        %dma_start3A_287 = tpu.memref_squeeze %dma_start3A_286 : memref<1x416x16xi32, #tpu.memory_space<hbm>> -> memref<416x16xi32, #tpu.memory_space<hbm>>
        tpu.enqueue_dma source(%dma_start3A_287 : memref<416x16xi32, #tpu.memory_space<hbm>>) target(%arg8 : memref<416x16xi32, #tpu.memory_space<vmem>>) target_semaphore(%run_scoped3A : memref<!tpu.dma_semaphore, #tpu.memory_space<semaphore_mem>>)
        %dma_wait3A_288 = arith.constant 0 : i32
        %dma_wait3A_289 = arith.constant 0 : i32
        %dma_wait3A_290 = tpu.memref_slice %arg3[%add3A_11, %dma_wait3A_288, %dma_wait3A_289] : memref<1024x416x16xi32, #tpu.memory_space<hbm>> -> memref<1x416x16xi32, #tpu.memory_space<hbm>>
        %dma_wait3A_291 = tpu.memref_squeeze %dma_wait3A_290 : memref<1x416x16xi32, #tpu.memory_space<hbm>> -> memref<416x16xi32, #tpu.memory_space<hbm>>
        %dma_wait3A_292 = arith.constant 0 : i32
        %dma_wait3A_293 = arith.constant 0 : i32
        %dma_wait3A_294 = tpu.memref_slice %arg3[%add3A_11, %dma_wait3A_292, %dma_wait3A_293] : memref<1024x416x16xi32, #tpu.memory_space<hbm>> -> memref<1x416x16xi32, #tpu.memory_space<hbm>>
        %dma_wait3A_295 = tpu.memref_squeeze %dma_wait3A_294 : memref<1x416x16xi32, #tpu.memory_space<hbm>> -> memref<416x16xi32, #tpu.memory_space<hbm>>
        tpu.wait_dma2 semaphore(%run_scoped3A : memref<!tpu.dma_semaphore, #tpu.memory_space<semaphore_mem>>) src(%dma_wait3A_295 : memref<416x16xi32, #tpu.memory_space<hbm>>) dst(%arg8 : memref<416x16xi32, #tpu.memory_space<vmem>>)
        tpu.yield
      }) : () -> ()
      "tpu.region"() ({
        %run_scoped3A = tpu.sem_alloc : memref<!tpu.dma_semaphore, #tpu.memory_space<semaphore_mem>>
        %dma_start3A_280 = arith.constant 0 : i32
        %dma_start3A_281 = arith.constant 0 : i32
        %dma_start3A_282 = tpu.memref_slice %arg4[%add3A_11, %dma_start3A_280, %dma_start3A_281] : memref<1024x16x16xf32, #tpu.memory_space<hbm>> -> memref<1x16x16xf32, #tpu.memory_space<hbm>>
        %dma_start3A_283 = tpu.memref_squeeze %dma_start3A_282 : memref<1x16x16xf32, #tpu.memory_space<hbm>> -> memref<16x16xf32, #tpu.memory_space<hbm>>
        %dma_start3A_284 = arith.constant 0 : i32
        %dma_start3A_285 = arith.constant 0 : i32
        %dma_start3A_286 = tpu.memref_slice %arg4[%add3A_11, %dma_start3A_284, %dma_start3A_285] : memref<1024x16x16xf32, #tpu.memory_space<hbm>> -> memref<1x16x16xf32, #tpu.memory_space<hbm>>
        %dma_start3A_287 = tpu.memref_squeeze %dma_start3A_286 : memref<1x16x16xf32, #tpu.memory_space<hbm>> -> memref<16x16xf32, #tpu.memory_space<hbm>>
        tpu.enqueue_dma source(%dma_start3A_287 : memref<16x16xf32, #tpu.memory_space<hbm>>) target(%arg9 : memref<16x16xf32, #tpu.memory_space<vmem>>) target_semaphore(%run_scoped3A : memref<!tpu.dma_semaphore, #tpu.memory_space<semaphore_mem>>)
        %dma_wait3A_288 = arith.constant 0 : i32
        %dma_wait3A_289 = arith.constant 0 : i32
        %dma_wait3A_290 = tpu.memref_slice %arg4[%add3A_11, %dma_wait3A_288, %dma_wait3A_289] : memref<1024x16x16xf32, #tpu.memory_space<hbm>> -> memref<1x16x16xf32, #tpu.memory_space<hbm>>
        %dma_wait3A_291 = tpu.memref_squeeze %dma_wait3A_290 : memref<1x16x16xf32, #tpu.memory_space<hbm>> -> memref<16x16xf32, #tpu.memory_space<hbm>>
        %dma_wait3A_292 = arith.constant 0 : i32
        %dma_wait3A_293 = arith.constant 0 : i32
        %dma_wait3A_294 = tpu.memref_slice %arg4[%add3A_11, %dma_wait3A_292, %dma_wait3A_293] : memref<1024x16x16xf32, #tpu.memory_space<hbm>> -> memref<1x16x16xf32, #tpu.memory_space<hbm>>
        %dma_wait3A_295 = tpu.memref_squeeze %dma_wait3A_294 : memref<1x16x16xf32, #tpu.memory_space<hbm>> -> memref<16x16xf32, #tpu.memory_space<hbm>>
        tpu.wait_dma2 semaphore(%run_scoped3A : memref<!tpu.dma_semaphore, #tpu.memory_space<semaphore_mem>>) src(%dma_wait3A_295 : memref<16x16xf32, #tpu.memory_space<hbm>>) dst(%arg9 : memref<16x16xf32, #tpu.memory_space<vmem>>)
        tpu.yield
      }) : () -> ()
      %dma_start3A = arith.constant 0 : i32
      %dma_start3A_12 = arith.constant 0 : i32
      %dma_start3A_13 = arith.constant 0 : i32
      %dma_start3A_14 = tpu.memref_slice %arg10[%dma_start3A_12, %dma_start3A_13] : memref<834x50xf32, #tpu.memory_space<vmem>> -> memref<64x50xf32, #tpu.memory_space<vmem>>
      %dma_start3A_15 = arith.constant 0 : i32
      %dma_start3A_16 = tpu.memref_slice %arg7[%dma_start3A, %dma_start3A_15] : memref<13x64xi32, #tpu.memory_space<vmem>> -> memref<1x64xi32, #tpu.memory_space<vmem>>
      %dma_start3A_17 = tpu.memref_squeeze %dma_start3A_16 : memref<1x64xi32, #tpu.memory_space<vmem>> -> memref<64xi32, #tpu.memory_space<vmem>>
      %dma_start3A_18 = arith.constant 0 : i32
      %dma_start3A_19 = arith.constant 0 : i32
      %dma_start3A_20 = tpu.memref_slice %arg5[%dma_start3A_18, %dma_start3A_19] : memref<2600026x50xf32, #tpu.memory_space<hbm>> -> memref<2600026x50xf32, #tpu.memory_space<hbm>>
      tpu.enqueue_indirect_dma source(%dma_start3A_20 : memref<2600026x50xf32, #tpu.memory_space<hbm>>) target(%dma_start3A_14 : memref<64x50xf32, #tpu.memory_space<vmem>>) offsets(%dma_start3A_17 : memref<64xi32, #tpu.memory_space<vmem>>) semaphore(%arg12 : memref<!tpu.dma_semaphore, #tpu.memory_space<semaphore_mem>>)
      %dma_start3A_21 = arith.constant 1 : i32
      %dma_start3A_22 = arith.constant 64 : i32
      %dma_start3A_23 = arith.constant 0 : i32
      %dma_start3A_24 = tpu.memref_slice %arg10[%dma_start3A_22, %dma_start3A_23] : memref<834x50xf32, #tpu.memory_space<vmem>> -> memref<64x50xf32, #tpu.memory_space<vmem>>
      %dma_start3A_25 = arith.constant 0 : i32
      %dma_start3A_26 = tpu.memref_slice %arg7[%dma_start3A_21, %dma_start3A_25] : memref<13x64xi32, #tpu.memory_space<vmem>> -> memref<1x64xi32, #tpu.memory_space<vmem>>
      %dma_start3A_27 = tpu.memref_squeeze %dma_start3A_26 : memref<1x64xi32, #tpu.memory_space<vmem>> -> memref<64xi32, #tpu.memory_space<vmem>>
      %dma_start3A_28 = arith.constant 0 : i32
      %dma_start3A_29 = arith.constant 0 : i32
      %dma_start3A_30 = tpu.memref_slice %arg5[%dma_start3A_28, %dma_start3A_29] : memref<2600026x50xf32, #tpu.memory_space<hbm>> -> memref<2600026x50xf32, #tpu.memory_space<hbm>>
      tpu.enqueue_indirect_dma source(%dma_start3A_30 : memref<2600026x50xf32, #tpu.memory_space<hbm>>) target(%dma_start3A_24 : memref<64x50xf32, #tpu.memory_space<vmem>>) offsets(%dma_start3A_27 : memref<64xi32, #tpu.memory_space<vmem>>) semaphore(%arg12 : memref<!tpu.dma_semaphore, #tpu.memory_space<semaphore_mem>>)
      %dma_start3A_31 = arith.constant 2 : i32
      %dma_start3A_32 = arith.constant 128 : i32
      %dma_start3A_33 = arith.constant 0 : i32
      %dma_start3A_34 = tpu.memref_slice %arg10[%dma_start3A_32, %dma_start3A_33] : memref<834x50xf32, #tpu.memory_space<vmem>> -> memref<64x50xf32, #tpu.memory_space<vmem>>
      %dma_start3A_35 = arith.constant 0 : i32
      %dma_start3A_36 = tpu.memref_slice %arg7[%dma_start3A_31, %dma_start3A_35] : memref<13x64xi32, #tpu.memory_space<vmem>> -> memref<1x64xi32, #tpu.memory_space<vmem>>
      %dma_start3A_37 = tpu.memref_squeeze %dma_start3A_36 : memref<1x64xi32, #tpu.memory_space<vmem>> -> memref<64xi32, #tpu.memory_space<vmem>>
      %dma_start3A_38 = arith.constant 0 : i32
      %dma_start3A_39 = arith.constant 0 : i32
      %dma_start3A_40 = tpu.memref_slice %arg5[%dma_start3A_38, %dma_start3A_39] : memref<2600026x50xf32, #tpu.memory_space<hbm>> -> memref<2600026x50xf32, #tpu.memory_space<hbm>>
      tpu.enqueue_indirect_dma source(%dma_start3A_40 : memref<2600026x50xf32, #tpu.memory_space<hbm>>) target(%dma_start3A_34 : memref<64x50xf32, #tpu.memory_space<vmem>>) offsets(%dma_start3A_37 : memref<64xi32, #tpu.memory_space<vmem>>) semaphore(%arg12 : memref<!tpu.dma_semaphore, #tpu.memory_space<semaphore_mem>>)
      %dma_start3A_41 = arith.constant 3 : i32
      %dma_start3A_42 = arith.constant 192 : i32
      %dma_start3A_43 = arith.constant 0 : i32
      %dma_start3A_44 = tpu.memref_slice %arg10[%dma_start3A_42, %dma_start3A_43] : memref<834x50xf32, #tpu.memory_space<vmem>> -> memref<64x50xf32, #tpu.memory_space<vmem>>
      %dma_start3A_45 = arith.constant 0 : i32
      %dma_start3A_46 = tpu.memref_slice %arg7[%dma_start3A_41, %dma_start3A_45] : memref<13x64xi32, #tpu.memory_space<vmem>> -> memref<1x64xi32, #tpu.memory_space<vmem>>
      %dma_start3A_47 = tpu.memref_squeeze %dma_start3A_46 : memref<1x64xi32, #tpu.memory_space<vmem>> -> memref<64xi32, #tpu.memory_space<vmem>>
      %dma_start3A_48 = arith.constant 0 : i32
      %dma_start3A_49 = arith.constant 0 : i32
      %dma_start3A_50 = tpu.memref_slice %arg5[%dma_start3A_48, %dma_start3A_49] : memref<2600026x50xf32, #tpu.memory_space<hbm>> -> memref<2600026x50xf32, #tpu.memory_space<hbm>>
      tpu.enqueue_indirect_dma source(%dma_start3A_50 : memref<2600026x50xf32, #tpu.memory_space<hbm>>) target(%dma_start3A_44 : memref<64x50xf32, #tpu.memory_space<vmem>>) offsets(%dma_start3A_47 : memref<64xi32, #tpu.memory_space<vmem>>) semaphore(%arg12 : memref<!tpu.dma_semaphore, #tpu.memory_space<semaphore_mem>>)
      %dma_start3A_51 = arith.constant 4 : i32
      %dma_start3A_52 = arith.constant 256 : i32
      %dma_start3A_53 = arith.constant 0 : i32
      %dma_start3A_54 = tpu.memref_slice %arg10[%dma_start3A_52, %dma_start3A_53] : memref<834x50xf32, #tpu.memory_space<vmem>> -> memref<64x50xf32, #tpu.memory_space<vmem>>
      %dma_start3A_55 = arith.constant 0 : i32
      %dma_start3A_56 = tpu.memref_slice %arg7[%dma_start3A_51, %dma_start3A_55] : memref<13x64xi32, #tpu.memory_space<vmem>> -> memref<1x64xi32, #tpu.memory_space<vmem>>
      %dma_start3A_57 = tpu.memref_squeeze %dma_start3A_56 : memref<1x64xi32, #tpu.memory_space<vmem>> -> memref<64xi32, #tpu.memory_space<vmem>>
      %dma_start3A_58 = arith.constant 0 : i32
      %dma_start3A_59 = arith.constant 0 : i32
      %dma_start3A_60 = tpu.memref_slice %arg5[%dma_start3A_58, %dma_start3A_59] : memref<2600026x50xf32, #tpu.memory_space<hbm>> -> memref<2600026x50xf32, #tpu.memory_space<hbm>>
      tpu.enqueue_indirect_dma source(%dma_start3A_60 : memref<2600026x50xf32, #tpu.memory_space<hbm>>) target(%dma_start3A_54 : memref<64x50xf32, #tpu.memory_space<vmem>>) offsets(%dma_start3A_57 : memref<64xi32, #tpu.memory_space<vmem>>) semaphore(%arg12 : memref<!tpu.dma_semaphore, #tpu.memory_space<semaphore_mem>>)
      %dma_start3A_61 = arith.constant 5 : i32
      %dma_start3A_62 = arith.constant 320 : i32
      %dma_start3A_63 = arith.constant 0 : i32
      %dma_start3A_64 = tpu.memref_slice %arg10[%dma_start3A_62, %dma_start3A_63] : memref<834x50xf32, #tpu.memory_space<vmem>> -> memref<64x50xf32, #tpu.memory_space<vmem>>
      %dma_start3A_65 = arith.constant 0 : i32
      %dma_start3A_66 = tpu.memref_slice %arg7[%dma_start3A_61, %dma_start3A_65] : memref<13x64xi32, #tpu.memory_space<vmem>> -> memref<1x64xi32, #tpu.memory_space<vmem>>
      %dma_start3A_67 = tpu.memref_squeeze %dma_start3A_66 : memref<1x64xi32, #tpu.memory_space<vmem>> -> memref<64xi32, #tpu.memory_space<vmem>>
      %dma_start3A_68 = arith.constant 0 : i32
      %dma_start3A_69 = arith.constant 0 : i32
      %dma_start3A_70 = tpu.memref_slice %arg5[%dma_start3A_68, %dma_start3A_69] : memref<2600026x50xf32, #tpu.memory_space<hbm>> -> memref<2600026x50xf32, #tpu.memory_space<hbm>>
      tpu.enqueue_indirect_dma source(%dma_start3A_70 : memref<2600026x50xf32, #tpu.memory_space<hbm>>) target(%dma_start3A_64 : memref<64x50xf32, #tpu.memory_space<vmem>>) offsets(%dma_start3A_67 : memref<64xi32, #tpu.memory_space<vmem>>) semaphore(%arg12 : memref<!tpu.dma_semaphore, #tpu.memory_space<semaphore_mem>>)
      %dma_start3A_71 = arith.constant 6 : i32
      %dma_start3A_72 = arith.constant 384 : i32
      %dma_start3A_73 = arith.constant 0 : i32
      %dma_start3A_74 = tpu.memref_slice %arg10[%dma_start3A_72, %dma_start3A_73] : memref<834x50xf32, #tpu.memory_space<vmem>> -> memref<64x50xf32, #tpu.memory_space<vmem>>
      %dma_start3A_75 = arith.constant 0 : i32
      %dma_start3A_76 = tpu.memref_slice %arg7[%dma_start3A_71, %dma_start3A_75] : memref<13x64xi32, #tpu.memory_space<vmem>> -> memref<1x64xi32, #tpu.memory_space<vmem>>
      %dma_start3A_77 = tpu.memref_squeeze %dma_start3A_76 : memref<1x64xi32, #tpu.memory_space<vmem>> -> memref<64xi32, #tpu.memory_space<vmem>>
      %dma_start3A_78 = arith.constant 0 : i32
      %dma_start3A_79 = arith.constant 0 : i32
      %dma_start3A_80 = tpu.memref_slice %arg5[%dma_start3A_78, %dma_start3A_79] : memref<2600026x50xf32, #tpu.memory_space<hbm>> -> memref<2600026x50xf32, #tpu.memory_space<hbm>>
      tpu.enqueue_indirect_dma source(%dma_start3A_80 : memref<2600026x50xf32, #tpu.memory_space<hbm>>) target(%dma_start3A_74 : memref<64x50xf32, #tpu.memory_space<vmem>>) offsets(%dma_start3A_77 : memref<64xi32, #tpu.memory_space<vmem>>) semaphore(%arg12 : memref<!tpu.dma_semaphore, #tpu.memory_space<semaphore_mem>>)
      %dma_start3A_81 = arith.constant 7 : i32
      %dma_start3A_82 = arith.constant 448 : i32
      %dma_start3A_83 = arith.constant 0 : i32
      %dma_start3A_84 = tpu.memref_slice %arg10[%dma_start3A_82, %dma_start3A_83] : memref<834x50xf32, #tpu.memory_space<vmem>> -> memref<64x50xf32, #tpu.memory_space<vmem>>
      %dma_start3A_85 = arith.constant 0 : i32
      %dma_start3A_86 = tpu.memref_slice %arg7[%dma_start3A_81, %dma_start3A_85] : memref<13x64xi32, #tpu.memory_space<vmem>> -> memref<1x64xi32, #tpu.memory_space<vmem>>
      %dma_start3A_87 = tpu.memref_squeeze %dma_start3A_86 : memref<1x64xi32, #tpu.memory_space<vmem>> -> memref<64xi32, #tpu.memory_space<vmem>>
      %dma_start3A_88 = arith.constant 0 : i32
      %dma_start3A_89 = arith.constant 0 : i32
      %dma_start3A_90 = tpu.memref_slice %arg5[%dma_start3A_88, %dma_start3A_89] : memref<2600026x50xf32, #tpu.memory_space<hbm>> -> memref<2600026x50xf32, #tpu.memory_space<hbm>>
      tpu.enqueue_indirect_dma source(%dma_start3A_90 : memref<2600026x50xf32, #tpu.memory_space<hbm>>) target(%dma_start3A_84 : memref<64x50xf32, #tpu.memory_space<vmem>>) offsets(%dma_start3A_87 : memref<64xi32, #tpu.memory_space<vmem>>) semaphore(%arg12 : memref<!tpu.dma_semaphore, #tpu.memory_space<semaphore_mem>>)
      %dma_start3A_91 = arith.constant 8 : i32
      %dma_start3A_92 = arith.constant 512 : i32
      %dma_start3A_93 = arith.constant 0 : i32
      %dma_start3A_94 = tpu.memref_slice %arg10[%dma_start3A_92, %dma_start3A_93] : memref<834x50xf32, #tpu.memory_space<vmem>> -> memref<64x50xf32, #tpu.memory_space<vmem>>
      %dma_start3A_95 = arith.constant 0 : i32
      %dma_start3A_96 = tpu.memref_slice %arg7[%dma_start3A_91, %dma_start3A_95] : memref<13x64xi32, #tpu.memory_space<vmem>> -> memref<1x64xi32, #tpu.memory_space<vmem>>
      %dma_start3A_97 = tpu.memref_squeeze %dma_start3A_96 : memref<1x64xi32, #tpu.memory_space<vmem>> -> memref<64xi32, #tpu.memory_space<vmem>>
      %dma_start3A_98 = arith.constant 0 : i32
      %dma_start3A_99 = arith.constant 0 : i32
      %dma_start3A_100 = tpu.memref_slice %arg5[%dma_start3A_98, %dma_start3A_99] : memref<2600026x50xf32, #tpu.memory_space<hbm>> -> memref<2600026x50xf32, #tpu.memory_space<hbm>>
      tpu.enqueue_indirect_dma source(%dma_start3A_100 : memref<2600026x50xf32, #tpu.memory_space<hbm>>) target(%dma_start3A_94 : memref<64x50xf32, #tpu.memory_space<vmem>>) offsets(%dma_start3A_97 : memref<64xi32, #tpu.memory_space<vmem>>) semaphore(%arg12 : memref<!tpu.dma_semaphore, #tpu.memory_space<semaphore_mem>>)
      %dma_start3A_101 = arith.constant 9 : i32
      %dma_start3A_102 = arith.constant 576 : i32
      %dma_start3A_103 = arith.constant 0 : i32
      %dma_start3A_104 = tpu.memref_slice %arg10[%dma_start3A_102, %dma_start3A_103] : memref<834x50xf32, #tpu.memory_space<vmem>> -> memref<64x50xf32, #tpu.memory_space<vmem>>
      %dma_start3A_105 = arith.constant 0 : i32
      %dma_start3A_106 = tpu.memref_slice %arg7[%dma_start3A_101, %dma_start3A_105] : memref<13x64xi32, #tpu.memory_space<vmem>> -> memref<1x64xi32, #tpu.memory_space<vmem>>
      %dma_start3A_107 = tpu.memref_squeeze %dma_start3A_106 : memref<1x64xi32, #tpu.memory_space<vmem>> -> memref<64xi32, #tpu.memory_space<vmem>>
      %dma_start3A_108 = arith.constant 0 : i32
      %dma_start3A_109 = arith.constant 0 : i32
      %dma_start3A_110 = tpu.memref_slice %arg5[%dma_start3A_108, %dma_start3A_109] : memref<2600026x50xf32, #tpu.memory_space<hbm>> -> memref<2600026x50xf32, #tpu.memory_space<hbm>>
      tpu.enqueue_indirect_dma source(%dma_start3A_110 : memref<2600026x50xf32, #tpu.memory_space<hbm>>) target(%dma_start3A_104 : memref<64x50xf32, #tpu.memory_space<vmem>>) offsets(%dma_start3A_107 : memref<64xi32, #tpu.memory_space<vmem>>) semaphore(%arg12 : memref<!tpu.dma_semaphore, #tpu.memory_space<semaphore_mem>>)
      %dma_start3A_111 = arith.constant 10 : i32
      %dma_start3A_112 = arith.constant 640 : i32
      %dma_start3A_113 = arith.constant 0 : i32
      %dma_start3A_114 = tpu.memref_slice %arg10[%dma_start3A_112, %dma_start3A_113] : memref<834x50xf32, #tpu.memory_space<vmem>> -> memref<64x50xf32, #tpu.memory_space<vmem>>
      %dma_start3A_115 = arith.constant 0 : i32
      %dma_start3A_116 = tpu.memref_slice %arg7[%dma_start3A_111, %dma_start3A_115] : memref<13x64xi32, #tpu.memory_space<vmem>> -> memref<1x64xi32, #tpu.memory_space<vmem>>
      %dma_start3A_117 = tpu.memref_squeeze %dma_start3A_116 : memref<1x64xi32, #tpu.memory_space<vmem>> -> memref<64xi32, #tpu.memory_space<vmem>>
      %dma_start3A_118 = arith.constant 0 : i32
      %dma_start3A_119 = arith.constant 0 : i32
      %dma_start3A_120 = tpu.memref_slice %arg5[%dma_start3A_118, %dma_start3A_119] : memref<2600026x50xf32, #tpu.memory_space<hbm>> -> memref<2600026x50xf32, #tpu.memory_space<hbm>>
      tpu.enqueue_indirect_dma source(%dma_start3A_120 : memref<2600026x50xf32, #tpu.memory_space<hbm>>) target(%dma_start3A_114 : memref<64x50xf32, #tpu.memory_space<vmem>>) offsets(%dma_start3A_117 : memref<64xi32, #tpu.memory_space<vmem>>) semaphore(%arg12 : memref<!tpu.dma_semaphore, #tpu.memory_space<semaphore_mem>>)
      %dma_start3A_121 = arith.constant 11 : i32
      %dma_start3A_122 = arith.constant 704 : i32
      %dma_start3A_123 = arith.constant 0 : i32
      %dma_start3A_124 = tpu.memref_slice %arg10[%dma_start3A_122, %dma_start3A_123] : memref<834x50xf32, #tpu.memory_space<vmem>> -> memref<64x50xf32, #tpu.memory_space<vmem>>
      %dma_start3A_125 = arith.constant 0 : i32
      %dma_start3A_126 = tpu.memref_slice %arg7[%dma_start3A_121, %dma_start3A_125] : memref<13x64xi32, #tpu.memory_space<vmem>> -> memref<1x64xi32, #tpu.memory_space<vmem>>
      %dma_start3A_127 = tpu.memref_squeeze %dma_start3A_126 : memref<1x64xi32, #tpu.memory_space<vmem>> -> memref<64xi32, #tpu.memory_space<vmem>>
      %dma_start3A_128 = arith.constant 0 : i32
      %dma_start3A_129 = arith.constant 0 : i32
      %dma_start3A_130 = tpu.memref_slice %arg5[%dma_start3A_128, %dma_start3A_129] : memref<2600026x50xf32, #tpu.memory_space<hbm>> -> memref<2600026x50xf32, #tpu.memory_space<hbm>>
      tpu.enqueue_indirect_dma source(%dma_start3A_130 : memref<2600026x50xf32, #tpu.memory_space<hbm>>) target(%dma_start3A_124 : memref<64x50xf32, #tpu.memory_space<vmem>>) offsets(%dma_start3A_127 : memref<64xi32, #tpu.memory_space<vmem>>) semaphore(%arg12 : memref<!tpu.dma_semaphore, #tpu.memory_space<semaphore_mem>>)
      %dma_start3A_131 = arith.constant 12 : i32
      %dma_start3A_132 = arith.constant 768 : i32
      %dma_start3A_133 = arith.constant 0 : i32
      %dma_start3A_134 = tpu.memref_slice %arg10[%dma_start3A_132, %dma_start3A_133] : memref<834x50xf32, #tpu.memory_space<vmem>> -> memref<64x50xf32, #tpu.memory_space<vmem>>
      %dma_start3A_135 = arith.constant 0 : i32
      %dma_start3A_136 = tpu.memref_slice %arg7[%dma_start3A_131, %dma_start3A_135] : memref<13x64xi32, #tpu.memory_space<vmem>> -> memref<1x64xi32, #tpu.memory_space<vmem>>
      %dma_start3A_137 = tpu.memref_squeeze %dma_start3A_136 : memref<1x64xi32, #tpu.memory_space<vmem>> -> memref<64xi32, #tpu.memory_space<vmem>>
      %dma_start3A_138 = arith.constant 0 : i32
      %dma_start3A_139 = arith.constant 0 : i32
      %dma_start3A_140 = tpu.memref_slice %arg5[%dma_start3A_138, %dma_start3A_139] : memref<2600026x50xf32, #tpu.memory_space<hbm>> -> memref<2600026x50xf32, #tpu.memory_space<hbm>>
      tpu.enqueue_indirect_dma source(%dma_start3A_140 : memref<2600026x50xf32, #tpu.memory_space<hbm>>) target(%dma_start3A_134 : memref<64x50xf32, #tpu.memory_space<vmem>>) offsets(%dma_start3A_137 : memref<64xi32, #tpu.memory_space<vmem>>) semaphore(%arg12 : memref<!tpu.dma_semaphore, #tpu.memory_space<semaphore_mem>>)
      %dma_wait3A = arith.constant 0 : i32
      %dma_wait3A_141 = arith.constant 0 : i32
      %dma_wait3A_142 = arith.constant 0 : i32
      %dma_wait3A_143 = tpu.memref_slice %arg10[%dma_wait3A_141, %dma_wait3A_142] : memref<834x50xf32, #tpu.memory_space<vmem>> -> memref<64x50xf32, #tpu.memory_space<vmem>>
      %dma_wait3A_144 = arith.constant 0 : i32
      %dma_wait3A_145 = tpu.memref_slice %arg7[%dma_wait3A, %dma_wait3A_144] : memref<13x64xi32, #tpu.memory_space<vmem>> -> memref<1x64xi32, #tpu.memory_space<vmem>>
      %dma_wait3A_146 = tpu.memref_squeeze %dma_wait3A_145 : memref<1x64xi32, #tpu.memory_space<vmem>> -> memref<64xi32, #tpu.memory_space<vmem>>
      %dma_wait3A_147 = arith.constant 0 : i32
      %dma_wait3A_148 = arith.constant 0 : i32
      %dma_wait3A_149 = tpu.memref_slice %arg5[%dma_wait3A_147, %dma_wait3A_148] : memref<2600026x50xf32, #tpu.memory_space<hbm>> -> memref<2600026x50xf32, #tpu.memory_space<hbm>>
      tpu.wait_indirect_dma semaphore(%arg12 : memref<!tpu.dma_semaphore, #tpu.memory_space<semaphore_mem>>) src(%dma_wait3A_149 : memref<2600026x50xf32, #tpu.memory_space<hbm>>) dst(%dma_wait3A_143 : memref<64x50xf32, #tpu.memory_space<vmem>>)
      %dma_wait3A_150 = arith.constant 1 : i32
      %dma_wait3A_151 = arith.constant 64 : i32
      %dma_wait3A_152 = arith.constant 0 : i32
      %dma_wait3A_153 = tpu.memref_slice %arg10[%dma_wait3A_151, %dma_wait3A_152] : memref<834x50xf32, #tpu.memory_space<vmem>> -> memref<64x50xf32, #tpu.memory_space<vmem>>
      %dma_wait3A_154 = arith.constant 0 : i32
      %dma_wait3A_155 = tpu.memref_slice %arg7[%dma_wait3A_150, %dma_wait3A_154] : memref<13x64xi32, #tpu.memory_space<vmem>> -> memref<1x64xi32, #tpu.memory_space<vmem>>
      %dma_wait3A_156 = tpu.memref_squeeze %dma_wait3A_155 : memref<1x64xi32, #tpu.memory_space<vmem>> -> memref<64xi32, #tpu.memory_space<vmem>>
      %dma_wait3A_157 = arith.constant 0 : i32
      %dma_wait3A_158 = arith.constant 0 : i32
      %dma_wait3A_159 = tpu.memref_slice %arg5[%dma_wait3A_157, %dma_wait3A_158] : memref<2600026x50xf32, #tpu.memory_space<hbm>> -> memref<2600026x50xf32, #tpu.memory_space<hbm>>
      tpu.wait_indirect_dma semaphore(%arg12 : memref<!tpu.dma_semaphore, #tpu.memory_space<semaphore_mem>>) src(%dma_wait3A_159 : memref<2600026x50xf32, #tpu.memory_space<hbm>>) dst(%dma_wait3A_153 : memref<64x50xf32, #tpu.memory_space<vmem>>)
      %dma_wait3A_160 = arith.constant 2 : i32
      %dma_wait3A_161 = arith.constant 128 : i32
      %dma_wait3A_162 = arith.constant 0 : i32
      %dma_wait3A_163 = tpu.memref_slice %arg10[%dma_wait3A_161, %dma_wait3A_162] : memref<834x50xf32, #tpu.memory_space<vmem>> -> memref<64x50xf32, #tpu.memory_space<vmem>>
      %dma_wait3A_164 = arith.constant 0 : i32
      %dma_wait3A_165 = tpu.memref_slice %arg7[%dma_wait3A_160, %dma_wait3A_164] : memref<13x64xi32, #tpu.memory_space<vmem>> -> memref<1x64xi32, #tpu.memory_space<vmem>>
      %dma_wait3A_166 = tpu.memref_squeeze %dma_wait3A_165 : memref<1x64xi32, #tpu.memory_space<vmem>> -> memref<64xi32, #tpu.memory_space<vmem>>
      %dma_wait3A_167 = arith.constant 0 : i32
      %dma_wait3A_168 = arith.constant 0 : i32
      %dma_wait3A_169 = tpu.memref_slice %arg5[%dma_wait3A_167, %dma_wait3A_168] : memref<2600026x50xf32, #tpu.memory_space<hbm>> -> memref<2600026x50xf32, #tpu.memory_space<hbm>>
      tpu.wait_indirect_dma semaphore(%arg12 : memref<!tpu.dma_semaphore, #tpu.memory_space<semaphore_mem>>) src(%dma_wait3A_169 : memref<2600026x50xf32, #tpu.memory_space<hbm>>) dst(%dma_wait3A_163 : memref<64x50xf32, #tpu.memory_space<vmem>>)
      %dma_wait3A_170 = arith.constant 3 : i32
      %dma_wait3A_171 = arith.constant 192 : i32
      %dma_wait3A_172 = arith.constant 0 : i32
      %dma_wait3A_173 = tpu.memref_slice %arg10[%dma_wait3A_171, %dma_wait3A_172] : memref<834x50xf32, #tpu.memory_space<vmem>> -> memref<64x50xf32, #tpu.memory_space<vmem>>
      %dma_wait3A_174 = arith.constant 0 : i32
      %dma_wait3A_175 = tpu.memref_slice %arg7[%dma_wait3A_170, %dma_wait3A_174] : memref<13x64xi32, #tpu.memory_space<vmem>> -> memref<1x64xi32, #tpu.memory_space<vmem>>
      %dma_wait3A_176 = tpu.memref_squeeze %dma_wait3A_175 : memref<1x64xi32, #tpu.memory_space<vmem>> -> memref<64xi32, #tpu.memory_space<vmem>>
      %dma_wait3A_177 = arith.constant 0 : i32
      %dma_wait3A_178 = arith.constant 0 : i32
      %dma_wait3A_179 = tpu.memref_slice %arg5[%dma_wait3A_177, %dma_wait3A_178] : memref<2600026x50xf32, #tpu.memory_space<hbm>> -> memref<2600026x50xf32, #tpu.memory_space<hbm>>
      tpu.wait_indirect_dma semaphore(%arg12 : memref<!tpu.dma_semaphore, #tpu.memory_space<semaphore_mem>>) src(%dma_wait3A_179 : memref<2600026x50xf32, #tpu.memory_space<hbm>>) dst(%dma_wait3A_173 : memref<64x50xf32, #tpu.memory_space<vmem>>)
      %dma_wait3A_180 = arith.constant 4 : i32
      %dma_wait3A_181 = arith.constant 256 : i32
      %dma_wait3A_182 = arith.constant 0 : i32
      %dma_wait3A_183 = tpu.memref_slice %arg10[%dma_wait3A_181, %dma_wait3A_182] : memref<834x50xf32, #tpu.memory_space<vmem>> -> memref<64x50xf32, #tpu.memory_space<vmem>>
      %dma_wait3A_184 = arith.constant 0 : i32
      %dma_wait3A_185 = tpu.memref_slice %arg7[%dma_wait3A_180, %dma_wait3A_184] : memref<13x64xi32, #tpu.memory_space<vmem>> -> memref<1x64xi32, #tpu.memory_space<vmem>>
      %dma_wait3A_186 = tpu.memref_squeeze %dma_wait3A_185 : memref<1x64xi32, #tpu.memory_space<vmem>> -> memref<64xi32, #tpu.memory_space<vmem>>
      %dma_wait3A_187 = arith.constant 0 : i32
      %dma_wait3A_188 = arith.constant 0 : i32
      %dma_wait3A_189 = tpu.memref_slice %arg5[%dma_wait3A_187, %dma_wait3A_188] : memref<2600026x50xf32, #tpu.memory_space<hbm>> -> memref<2600026x50xf32, #tpu.memory_space<hbm>>
      tpu.wait_indirect_dma semaphore(%arg12 : memref<!tpu.dma_semaphore, #tpu.memory_space<semaphore_mem>>) src(%dma_wait3A_189 : memref<2600026x50xf32, #tpu.memory_space<hbm>>) dst(%dma_wait3A_183 : memref<64x50xf32, #tpu.memory_space<vmem>>)
      %dma_wait3A_190 = arith.constant 5 : i32
      %dma_wait3A_191 = arith.constant 320 : i32
      %dma_wait3A_192 = arith.constant 0 : i32
      %dma_wait3A_193 = tpu.memref_slice %arg10[%dma_wait3A_191, %dma_wait3A_192] : memref<834x50xf32, #tpu.memory_space<vmem>> -> memref<64x50xf32, #tpu.memory_space<vmem>>
      %dma_wait3A_194 = arith.constant 0 : i32
      %dma_wait3A_195 = tpu.memref_slice %arg7[%dma_wait3A_190, %dma_wait3A_194] : memref<13x64xi32, #tpu.memory_space<vmem>> -> memref<1x64xi32, #tpu.memory_space<vmem>>
      %dma_wait3A_196 = tpu.memref_squeeze %dma_wait3A_195 : memref<1x64xi32, #tpu.memory_space<vmem>> -> memref<64xi32, #tpu.memory_space<vmem>>
      %dma_wait3A_197 = arith.constant 0 : i32
      %dma_wait3A_198 = arith.constant 0 : i32
      %dma_wait3A_199 = tpu.memref_slice %arg5[%dma_wait3A_197, %dma_wait3A_198] : memref<2600026x50xf32, #tpu.memory_space<hbm>> -> memref<2600026x50xf32, #tpu.memory_space<hbm>>
      tpu.wait_indirect_dma semaphore(%arg12 : memref<!tpu.dma_semaphore, #tpu.memory_space<semaphore_mem>>) src(%dma_wait3A_199 : memref<2600026x50xf32, #tpu.memory_space<hbm>>) dst(%dma_wait3A_193 : memref<64x50xf32, #tpu.memory_space<vmem>>)
      %dma_wait3A_200 = arith.constant 6 : i32
      %dma_wait3A_201 = arith.constant 384 : i32
      %dma_wait3A_202 = arith.constant 0 : i32
      %dma_wait3A_203 = tpu.memref_slice %arg10[%dma_wait3A_201, %dma_wait3A_202] : memref<834x50xf32, #tpu.memory_space<vmem>> -> memref<64x50xf32, #tpu.memory_space<vmem>>
      %dma_wait3A_204 = arith.constant 0 : i32
      %dma_wait3A_205 = tpu.memref_slice %arg7[%dma_wait3A_200, %dma_wait3A_204] : memref<13x64xi32, #tpu.memory_space<vmem>> -> memref<1x64xi32, #tpu.memory_space<vmem>>
      %dma_wait3A_206 = tpu.memref_squeeze %dma_wait3A_205 : memref<1x64xi32, #tpu.memory_space<vmem>> -> memref<64xi32, #tpu.memory_space<vmem>>
      %dma_wait3A_207 = arith.constant 0 : i32
      %dma_wait3A_208 = arith.constant 0 : i32
      %dma_wait3A_209 = tpu.memref_slice %arg5[%dma_wait3A_207, %dma_wait3A_208] : memref<2600026x50xf32, #tpu.memory_space<hbm>> -> memref<2600026x50xf32, #tpu.memory_space<hbm>>
      tpu.wait_indirect_dma semaphore(%arg12 : memref<!tpu.dma_semaphore, #tpu.memory_space<semaphore_mem>>) src(%dma_wait3A_209 : memref<2600026x50xf32, #tpu.memory_space<hbm>>) dst(%dma_wait3A_203 : memref<64x50xf32, #tpu.memory_space<vmem>>)
      %dma_wait3A_210 = arith.constant 7 : i32
      %dma_wait3A_211 = arith.constant 448 : i32
      %dma_wait3A_212 = arith.constant 0 : i32
      %dma_wait3A_213 = tpu.memref_slice %arg10[%dma_wait3A_211, %dma_wait3A_212] : memref<834x50xf32, #tpu.memory_space<vmem>> -> memref<64x50xf32, #tpu.memory_space<vmem>>
      %dma_wait3A_214 = arith.constant 0 : i32
      %dma_wait3A_215 = tpu.memref_slice %arg7[%dma_wait3A_210, %dma_wait3A_214] : memref<13x64xi32, #tpu.memory_space<vmem>> -> memref<1x64xi32, #tpu.memory_space<vmem>>
      %dma_wait3A_216 = tpu.memref_squeeze %dma_wait3A_215 : memref<1x64xi32, #tpu.memory_space<vmem>> -> memref<64xi32, #tpu.memory_space<vmem>>
      %dma_wait3A_217 = arith.constant 0 : i32
      %dma_wait3A_218 = arith.constant 0 : i32
      %dma_wait3A_219 = tpu.memref_slice %arg5[%dma_wait3A_217, %dma_wait3A_218] : memref<2600026x50xf32, #tpu.memory_space<hbm>> -> memref<2600026x50xf32, #tpu.memory_space<hbm>>
      tpu.wait_indirect_dma semaphore(%arg12 : memref<!tpu.dma_semaphore, #tpu.memory_space<semaphore_mem>>) src(%dma_wait3A_219 : memref<2600026x50xf32, #tpu.memory_space<hbm>>) dst(%dma_wait3A_213 : memref<64x50xf32, #tpu.memory_space<vmem>>)
      %dma_wait3A_220 = arith.constant 8 : i32
      %dma_wait3A_221 = arith.constant 512 : i32
      %dma_wait3A_222 = arith.constant 0 : i32
      %dma_wait3A_223 = tpu.memref_slice %arg10[%dma_wait3A_221, %dma_wait3A_222] : memref<834x50xf32, #tpu.memory_space<vmem>> -> memref<64x50xf32, #tpu.memory_space<vmem>>
      %dma_wait3A_224 = arith.constant 0 : i32
      %dma_wait3A_225 = tpu.memref_slice %arg7[%dma_wait3A_220, %dma_wait3A_224] : memref<13x64xi32, #tpu.memory_space<vmem>> -> memref<1x64xi32, #tpu.memory_space<vmem>>
      %dma_wait3A_226 = tpu.memref_squeeze %dma_wait3A_225 : memref<1x64xi32, #tpu.memory_space<vmem>> -> memref<64xi32, #tpu.memory_space<vmem>>
      %dma_wait3A_227 = arith.constant 0 : i32
      %dma_wait3A_228 = arith.constant 0 : i32
      %dma_wait3A_229 = tpu.memref_slice %arg5[%dma_wait3A_227, %dma_wait3A_228] : memref<2600026x50xf32, #tpu.memory_space<hbm>> -> memref<2600026x50xf32, #tpu.memory_space<hbm>>
      tpu.wait_indirect_dma semaphore(%arg12 : memref<!tpu.dma_semaphore, #tpu.memory_space<semaphore_mem>>) src(%dma_wait3A_229 : memref<2600026x50xf32, #tpu.memory_space<hbm>>) dst(%dma_wait3A_223 : memref<64x50xf32, #tpu.memory_space<vmem>>)
      %dma_wait3A_230 = arith.constant 9 : i32
      %dma_wait3A_231 = arith.constant 576 : i32
      %dma_wait3A_232 = arith.constant 0 : i32
      %dma_wait3A_233 = tpu.memref_slice %arg10[%dma_wait3A_231, %dma_wait3A_232] : memref<834x50xf32, #tpu.memory_space<vmem>> -> memref<64x50xf32, #tpu.memory_space<vmem>>
      %dma_wait3A_234 = arith.constant 0 : i32
      %dma_wait3A_235 = tpu.memref_slice %arg7[%dma_wait3A_230, %dma_wait3A_234] : memref<13x64xi32, #tpu.memory_space<vmem>> -> memref<1x64xi32, #tpu.memory_space<vmem>>
      %dma_wait3A_236 = tpu.memref_squeeze %dma_wait3A_235 : memref<1x64xi32, #tpu.memory_space<vmem>> -> memref<64xi32, #tpu.memory_space<vmem>>
      %dma_wait3A_237 = arith.constant 0 : i32
      %dma_wait3A_238 = arith.constant 0 : i32
      %dma_wait3A_239 = tpu.memref_slice %arg5[%dma_wait3A_237, %dma_wait3A_238] : memref<2600026x50xf32, #tpu.memory_space<hbm>> -> memref<2600026x50xf32, #tpu.memory_space<hbm>>
      tpu.wait_indirect_dma semaphore(%arg12 : memref<!tpu.dma_semaphore, #tpu.memory_space<semaphore_mem>>) src(%dma_wait3A_239 : memref<2600026x50xf32, #tpu.memory_space<hbm>>) dst(%dma_wait3A_233 : memref<64x50xf32, #tpu.memory_space<vmem>>)
      %dma_wait3A_240 = arith.constant 10 : i32
      %dma_wait3A_241 = arith.constant 640 : i32
      %dma_wait3A_242 = arith.constant 0 : i32
      %dma_wait3A_243 = tpu.memref_slice %arg10[%dma_wait3A_241, %dma_wait3A_242] : memref<834x50xf32, #tpu.memory_space<vmem>> -> memref<64x50xf32, #tpu.memory_space<vmem>>
      %dma_wait3A_244 = arith.constant 0 : i32
      %dma_wait3A_245 = tpu.memref_slice %arg7[%dma_wait3A_240, %dma_wait3A_244] : memref<13x64xi32, #tpu.memory_space<vmem>> -> memref<1x64xi32, #tpu.memory_space<vmem>>
      %dma_wait3A_246 = tpu.memref_squeeze %dma_wait3A_245 : memref<1x64xi32, #tpu.memory_space<vmem>> -> memref<64xi32, #tpu.memory_space<vmem>>
      %dma_wait3A_247 = arith.constant 0 : i32
      %dma_wait3A_248 = arith.constant 0 : i32
      %dma_wait3A_249 = tpu.memref_slice %arg5[%dma_wait3A_247, %dma_wait3A_248] : memref<2600026x50xf32, #tpu.memory_space<hbm>> -> memref<2600026x50xf32, #tpu.memory_space<hbm>>
      tpu.wait_indirect_dma semaphore(%arg12 : memref<!tpu.dma_semaphore, #tpu.memory_space<semaphore_mem>>) src(%dma_wait3A_249 : memref<2600026x50xf32, #tpu.memory_space<hbm>>) dst(%dma_wait3A_243 : memref<64x50xf32, #tpu.memory_space<vmem>>)
      %dma_wait3A_250 = arith.constant 11 : i32
      %dma_wait3A_251 = arith.constant 704 : i32
      %dma_wait3A_252 = arith.constant 0 : i32
      %dma_wait3A_253 = tpu.memref_slice %arg10[%dma_wait3A_251, %dma_wait3A_252] : memref<834x50xf32, #tpu.memory_space<vmem>> -> memref<64x50xf32, #tpu.memory_space<vmem>>
      %dma_wait3A_254 = arith.constant 0 : i32
      %dma_wait3A_255 = tpu.memref_slice %arg7[%dma_wait3A_250, %dma_wait3A_254] : memref<13x64xi32, #tpu.memory_space<vmem>> -> memref<1x64xi32, #tpu.memory_space<vmem>>
      %dma_wait3A_256 = tpu.memref_squeeze %dma_wait3A_255 : memref<1x64xi32, #tpu.memory_space<vmem>> -> memref<64xi32, #tpu.memory_space<vmem>>
      %dma_wait3A_257 = arith.constant 0 : i32
      %dma_wait3A_258 = arith.constant 0 : i32
      %dma_wait3A_259 = tpu.memref_slice %arg5[%dma_wait3A_257, %dma_wait3A_258] : memref<2600026x50xf32, #tpu.memory_space<hbm>> -> memref<2600026x50xf32, #tpu.memory_space<hbm>>
      tpu.wait_indirect_dma semaphore(%arg12 : memref<!tpu.dma_semaphore, #tpu.memory_space<semaphore_mem>>) src(%dma_wait3A_259 : memref<2600026x50xf32, #tpu.memory_space<hbm>>) dst(%dma_wait3A_253 : memref<64x50xf32, #tpu.memory_space<vmem>>)
      %dma_wait3A_260 = arith.constant 12 : i32
      %dma_wait3A_261 = arith.constant 768 : i32
      %dma_wait3A_262 = arith.constant 0 : i32
      %dma_wait3A_263 = tpu.memref_slice %arg10[%dma_wait3A_261, %dma_wait3A_262] : memref<834x50xf32, #tpu.memory_space<vmem>> -> memref<64x50xf32, #tpu.memory_space<vmem>>
      %dma_wait3A_264 = arith.constant 0 : i32
      %dma_wait3A_265 = tpu.memref_slice %arg7[%dma_wait3A_260, %dma_wait3A_264] : memref<13x64xi32, #tpu.memory_space<vmem>> -> memref<1x64xi32, #tpu.memory_space<vmem>>
      %dma_wait3A_266 = tpu.memref_squeeze %dma_wait3A_265 : memref<1x64xi32, #tpu.memory_space<vmem>> -> memref<64xi32, #tpu.memory_space<vmem>>
      %dma_wait3A_267 = arith.constant 0 : i32
      %dma_wait3A_268 = arith.constant 0 : i32
      %dma_wait3A_269 = tpu.memref_slice %arg5[%dma_wait3A_267, %dma_wait3A_268] : memref<2600026x50xf32, #tpu.memory_space<hbm>> -> memref<2600026x50xf32, #tpu.memory_space<hbm>>
      tpu.wait_indirect_dma semaphore(%arg12 : memref<!tpu.dma_semaphore, #tpu.memory_space<semaphore_mem>>) src(%dma_wait3A_269 : memref<2600026x50xf32, #tpu.memory_space<hbm>>) dst(%dma_wait3A_263 : memref<64x50xf32, #tpu.memory_space<vmem>>)
      %scan3A_270 = arith.constant 0 : i32
      %scan3A_271 = arith.constant 0 : i32
      %scan3A_272 = arith.constant 16 : i32
      %scan3A_273 = arith.addi %scan3A_271, %scan3A_272 : i32
      %scan3A_274 = arith.constant 1 : i32
      %scan3A_275 = scf.for %scan3A_280 = %scan3A_271 to %scan3A_273 step %scan3A_274 iter_args(%scan3A_281 = %scan3A_270) -> (i32)  : i32 {
        %get3A = arith.index_cast %scan3A_280 : i32 to index
        %get3A_282 = arith.constant 0 : index
        %get3A_283 = tpu.vector_load %arg9[%get3A, %get3A_282] {strides = array<i32>} : memref<16x16xf32, #tpu.memory_space<vmem>>, vector<16xf32>,
        %swap3A = arith.index_cast %scan3A_280 : i32 to index
        %swap3A_284 = arith.constant 0 : index
        %swap3A_285 = tpu.vector_load %arg11[%swap3A, %swap3A_284] {strides = array<i32>} : memref<16x1328xf32, #tpu.memory_space<vmem>>, vector<16xf32>,
        tpu.vector_store %arg11[%swap3A, %swap3A_284], %get3A_283 {strides = array<i32>} : memref<16x1328xf32, #tpu.memory_space<vmem>>, vector<16xf32>,
        %mul3A_286 = arith.constant 26 : i32
        %mul3A_287 = arith.muli %scan3A_280, %mul3A_286 : i32
        %add3A_288 = arith.constant 0 : i32
        %add3A_289 = arith.addi %mul3A_287, %add3A_288 : i32
        %get3A_290 = arith.index_cast %add3A_289 : i32 to index
        %get3A_291 = arith.constant 0 : index
        %get3A_292 = tpu.vector_load %arg8[%get3A_290, %get3A_291] {strides = array<i32>} : memref<416x16xi32, #tpu.memory_space<vmem>>, vector<16xi32>,
        %add3A_293 = arith.addi %get3A_292, %iota3A : vector<16xi32>
        %add3A_294 = arith.constant 0 : i32
        %add3A_295 = vector.broadcast %add3A_294 : i32 to vector<16xi32>
        %add3A_296 = arith.addi %add3A_293, %add3A_295 : vector<16xi32>
        %gather3A = tpu.vector_load_idx %arg10[%sub3A, %add3A_296] : memref<834x50xf32, #tpu.memory_space<vmem>>[vector<16xi32>, vector<16xi32>], vector<16xf32>,
        %swap3A_297 = arith.index_cast %scan3A_280 : i32 to index
        %swap3A_298 = arith.constant 13 : index
        %swap3A_299 = tpu.vector_load %arg11[%swap3A_297, %swap3A_298] {strides = array<i32>} : memref<16x1328xf32, #tpu.memory_space<vmem>>, vector<16xf32>,
        tpu.vector_store %arg11[%swap3A_297, %swap3A_298], %gather3A {strides = array<i32>} : memref<16x1328xf32, #tpu.memory_space<vmem>>, vector<16xf32>,
        %add3A_300 = arith.constant 16 : i32
        %add3A_301 = vector.broadcast %add3A_300 : i32 to vector<16xi32>
        %add3A_302 = arith.addi %add3A_293, %add3A_301 : vector<16xi32>
        %gather3A_303 = tpu.vector_load_idx %arg10[%sub3A, %add3A_302] : memref<834x50xf32, #tpu.memory_space<vmem>>[vector<16xi32>, vector<16xi32>], vector<16xf32>,
        %swap3A_304 = arith.index_cast %scan3A_280 : i32 to index
        %swap3A_305 = arith.constant 29 : index
        %swap3A_306 = tpu.vector_load %arg11[%swap3A_304, %swap3A_305] {strides = array<i32>} : memref<16x1328xf32, #tpu.memory_space<vmem>>, vector<16xf32>,
        tpu.vector_store %arg11[%swap3A_304, %swap3A_305], %gather3A_303 {strides = array<i32>} : memref<16x1328xf32, #tpu.memory_space<vmem>>, vector<16xf32>,
        %add3A_307 = arith.constant 32 : i32
        %add3A_308 = vector.broadcast %add3A_307 : i32 to vector<16xi32>
        %add3A_309 = arith.addi %add3A_293, %add3A_308 : vector<16xi32>
        %gather3A_310 = tpu.vector_load_idx %arg10[%sub3A, %add3A_309] : memref<834x50xf32, #tpu.memory_space<vmem>>[vector<16xi32>, vector<16xi32>], vector<16xf32>,
        %swap3A_311 = arith.index_cast %scan3A_280 : i32 to index
        %swap3A_312 = arith.constant 45 : index
        %swap3A_313 = tpu.vector_load %arg11[%swap3A_311, %swap3A_312] {strides = array<i32>} : memref<16x1328xf32, #tpu.memory_space<vmem>>, vector<16xf32>,
        tpu.vector_store %arg11[%swap3A_311, %swap3A_312], %gather3A_310 {strides = array<i32>} : memref<16x1328xf32, #tpu.memory_space<vmem>>, vector<16xf32>,
        %add3A_314 = arith.constant 48 : i32
        %add3A_315 = vector.broadcast %add3A_314 : i32 to vector<16xi32>
        %add3A_316 = arith.addi %add3A_293, %add3A_315 : vector<16xi32>
        %gather3A_317 = tpu.vector_load_idx %arg10[%sub3A, %add3A_316] : memref<834x50xf32, #tpu.memory_space<vmem>>[vector<16xi32>, vector<16xi32>], vector<16xf32>,
        %swap3A_318 = arith.index_cast %scan3A_280 : i32 to index
        %swap3A_319 = arith.constant 61 : index
        %swap3A_320 = tpu.vector_load %arg11[%swap3A_318, %swap3A_319] {strides = array<i32>} : memref<16x1328xf32, #tpu.memory_space<vmem>>, vector<16xf32>,
        tpu.vector_store %arg11[%swap3A_318, %swap3A_319], %gather3A_317 {strides = array<i32>} : memref<16x1328xf32, #tpu.memory_space<vmem>>, vector<16xf32>,
        %add3A_321 = arith.constant 1 : i32
        %add3A_322 = arith.addi %mul3A_287, %add3A_321 : i32
        %get3A_323 = arith.index_cast %add3A_322 : i32 to index
        %get3A_324 = arith.constant 0 : index
        %get3A_325 = tpu.vector_load %arg8[%get3A_323, %get3A_324] {strides = array<i32>} : memref<416x16xi32, #tpu.memory_space<vmem>>, vector<16xi32>,
        %add3A_326 = arith.addi %get3A_325, %iota3A : vector<16xi32>
        %add3A_327 = arith.constant 0 : i32
        %add3A_328 = vector.broadcast %add3A_327 : i32 to vector<16xi32>
        %add3A_329 = arith.addi %add3A_326, %add3A_328 : vector<16xi32>
        %gather3A_330 = tpu.vector_load_idx %arg10[%sub3A, %add3A_329] : memref<834x50xf32, #tpu.memory_space<vmem>>[vector<16xi32>, vector<16xi32>], vector<16xf32>,
        %swap3A_331 = arith.index_cast %scan3A_280 : i32 to index
        %swap3A_332 = arith.constant 63 : index
        %swap3A_333 = tpu.vector_load %arg11[%swap3A_331, %swap3A_332] {strides = array<i32>} : memref<16x1328xf32, #tpu.memory_space<vmem>>, vector<16xf32>,
        tpu.vector_store %arg11[%swap3A_331, %swap3A_332], %gather3A_330 {strides = array<i32>} : memref<16x1328xf32, #tpu.memory_space<vmem>>, vector<16xf32>,
        %add3A_334 = arith.constant 16 : i32
        %add3A_335 = vector.broadcast %add3A_334 : i32 to vector<16xi32>
        %add3A_336 = arith.addi %add3A_326, %add3A_335 : vector<16xi32>
        %gather3A_337 = tpu.vector_load_idx %arg10[%sub3A, %add3A_336] : memref<834x50xf32, #tpu.memory_space<vmem>>[vector<16xi32>, vector<16xi32>], vector<16xf32>,
        %swap3A_338 = arith.index_cast %scan3A_280 : i32 to index
        %swap3A_339 = arith.constant 79 : index
        %swap3A_340 = tpu.vector_load %arg11[%swap3A_338, %swap3A_339] {strides = array<i32>} : memref<16x1328xf32, #tpu.memory_space<vmem>>, vector<16xf32>,
        tpu.vector_store %arg11[%swap3A_338, %swap3A_339], %gather3A_337 {strides = array<i32>} : memref<16x1328xf32, #tpu.memory_space<vmem>>, vector<16xf32>,
        %add3A_341 = arith.constant 32 : i32
        %add3A_342 = vector.broadcast %add3A_341 : i32 to vector<16xi32>
        %add3A_343 = arith.addi %add3A_326, %add3A_342 : vector<16xi32>
        %gather3A_344 = tpu.vector_load_idx %arg10[%sub3A, %add3A_343] : memref<834x50xf32, #tpu.memory_space<vmem>>[vector<16xi32>, vector<16xi32>], vector<16xf32>,
        %swap3A_345 = arith.index_cast %scan3A_280 : i32 to index
        %swap3A_346 = arith.constant 95 : index
        %swap3A_347 = tpu.vector_load %arg11[%swap3A_345, %swap3A_346] {strides = array<i32>} : memref<16x1328xf32, #tpu.memory_space<vmem>>, vector<16xf32>,
        tpu.vector_store %arg11[%swap3A_345, %swap3A_346], %gather3A_344 {strides = array<i32>} : memref<16x1328xf32, #tpu.memory_space<vmem>>, vector<16xf32>,
        %add3A_348 = arith.constant 48 : i32
        %add3A_349 = vector.broadcast %add3A_348 : i32 to vector<16xi32>
        %add3A_350 = arith.addi %add3A_326, %add3A_349 : vector<16xi32>
        %gather3A_351 = tpu.vector_load_idx %arg10[%sub3A, %add3A_350] : memref<834x50xf32, #tpu.memory_space<vmem>>[vector<16xi32>, vector<16xi32>], vector<16xf32>,
        %swap3A_352 = arith.index_cast %scan3A_280 : i32 to index
        %swap3A_353 = arith.constant 111 : index
        %swap3A_354 = tpu.vector_load %arg11[%swap3A_352, %swap3A_353] {strides = array<i32>} : memref<16x1328xf32, #tpu.memory_space<vmem>>, vector<16xf32>,
        tpu.vector_store %arg11[%swap3A_352, %swap3A_353], %gather3A_351 {strides = array<i32>} : memref<16x1328xf32, #tpu.memory_space<vmem>>, vector<16xf32>,
        %add3A_355 = arith.constant 2 : i32
        %add3A_356 = arith.addi %mul3A_287, %add3A_355 : i32
        %get3A_357 = arith.index_cast %add3A_356 : i32 to index
        %get3A_358 = arith.constant 0 : index
        %get3A_359 = tpu.vector_load %arg8[%get3A_357, %get3A_358] {strides = array<i32>} : memref<416x16xi32, #tpu.memory_space<vmem>>, vector<16xi32>,
        %add3A_360 = arith.addi %get3A_359, %iota3A : vector<16xi32>
        %add3A_361 = arith.constant 0 : i32
        %add3A_362 = vector.broadcast %add3A_361 : i32 to vector<16xi32>
        %add3A_363 = arith.addi %add3A_360, %add3A_362 : vector<16xi32>
        %gather3A_364 = tpu.vector_load_idx %arg10[%sub3A, %add3A_363] : memref<834x50xf32, #tpu.memory_space<vmem>>[vector<16xi32>, vector<16xi32>], vector<16xf32>,
        %swap3A_365 = arith.index_cast %scan3A_280 : i32 to index
        %swap3A_366 = arith.constant 113 : index
        %swap3A_367 = tpu.vector_load %arg11[%swap3A_365, %swap3A_366] {strides = array<i32>} : memref<16x1328xf32, #tpu.memory_space<vmem>>, vector<16xf32>,
        tpu.vector_store %arg11[%swap3A_365, %swap3A_366], %gather3A_364 {strides = array<i32>} : memref<16x1328xf32, #tpu.memory_space<vmem>>, vector<16xf32>,
        %add3A_368 = arith.constant 16 : i32
        %add3A_369 = vector.broadcast %add3A_368 : i32 to vector<16xi32>
        %add3A_370 = arith.addi %add3A_360, %add3A_369 : vector<16xi32>
        %gather3A_371 = tpu.vector_load_idx %arg10[%sub3A, %add3A_370] : memref<834x50xf32, #tpu.memory_space<vmem>>[vector<16xi32>, vector<16xi32>], vector<16xf32>,
        %swap3A_372 = arith.index_cast %scan3A_280 : i32 to index
        %swap3A_373 = arith.constant 129 : index
        %swap3A_374 = tpu.vector_load %arg11[%swap3A_372, %swap3A_373] {strides = array<i32>} : memref<16x1328xf32, #tpu.memory_space<vmem>>, vector<16xf32>,
        tpu.vector_store %arg11[%swap3A_372, %swap3A_373], %gather3A_371 {strides = array<i32>} : memref<16x1328xf32, #tpu.memory_space<vmem>>, vector<16xf32>,
        %add3A_375 = arith.constant 32 : i32
        %add3A_376 = vector.broadcast %add3A_375 : i32 to vector<16xi32>
        %add3A_377 = arith.addi %add3A_360, %add3A_376 : vector<16xi32>
        %gather3A_378 = tpu.vector_load_idx %arg10[%sub3A, %add3A_377] : memref<834x50xf32, #tpu.memory_space<vmem>>[vector<16xi32>, vector<16xi32>], vector<16xf32>,
        %swap3A_379 = arith.index_cast %scan3A_280 : i32 to index
        %swap3A_380 = arith.constant 145 : index
        %swap3A_381 = tpu.vector_load %arg11[%swap3A_379, %swap3A_380] {strides = array<i32>} : memref<16x1328xf32, #tpu.memory_space<vmem>>, vector<16xf32>,
        tpu.vector_store %arg11[%swap3A_379, %swap3A_380], %gather3A_378 {strides = array<i32>} : memref<16x1328xf32, #tpu.memory_space<vmem>>, vector<16xf32>,
        %add3A_382 = arith.constant 48 : i32
        %add3A_383 = vector.broadcast %add3A_382 : i32 to vector<16xi32>
        %add3A_384 = arith.addi %add3A_360, %add3A_383 : vector<16xi32>
        %gather3A_385 = tpu.vector_load_idx %arg10[%sub3A, %add3A_384] : memref<834x50xf32, #tpu.memory_space<vmem>>[vector<16xi32>, vector<16xi32>], vector<16xf32>,
        %swap3A_386 = arith.index_cast %scan3A_280 : i32 to index
        %swap3A_387 = arith.constant 161 : index
        %swap3A_388 = tpu.vector_load %arg11[%swap3A_386, %swap3A_387] {strides = array<i32>} : memref<16x1328xf32, #tpu.memory_space<vmem>>, vector<16xf32>,
        tpu.vector_store %arg11[%swap3A_386, %swap3A_387], %gather3A_385 {strides = array<i32>} : memref<16x1328xf32, #tpu.memory_space<vmem>>, vector<16xf32>,
        %add3A_389 = arith.constant 3 : i32
        %add3A_390 = arith.addi %mul3A_287, %add3A_389 : i32
        %get3A_391 = arith.index_cast %add3A_390 : i32 to index
        %get3A_392 = arith.constant 0 : index
        %get3A_393 = tpu.vector_load %arg8[%get3A_391, %get3A_392] {strides = array<i32>} : memref<416x16xi32, #tpu.memory_space<vmem>>, vector<16xi32>,
        %add3A_394 = arith.addi %get3A_393, %iota3A : vector<16xi32>
        %add3A_395 = arith.constant 0 : i32
        %add3A_396 = vector.broadcast %add3A_395 : i32 to vector<16xi32>
        %add3A_397 = arith.addi %add3A_394, %add3A_396 : vector<16xi32>
        %gather3A_398 = tpu.vector_load_idx %arg10[%sub3A, %add3A_397] : memref<834x50xf32, #tpu.memory_space<vmem>>[vector<16xi32>, vector<16xi32>], vector<16xf32>,
        %swap3A_399 = arith.index_cast %scan3A_280 : i32 to index
        %swap3A_400 = arith.constant 163 : index
        %swap3A_401 = tpu.vector_load %arg11[%swap3A_399, %swap3A_400] {strides = array<i32>} : memref<16x1328xf32, #tpu.memory_space<vmem>>, vector<16xf32>,
        tpu.vector_store %arg11[%swap3A_399, %swap3A_400], %gather3A_398 {strides = array<i32>} : memref<16x1328xf32, #tpu.memory_space<vmem>>, vector<16xf32>,
        %add3A_402 = arith.constant 16 : i32
        %add3A_403 = vector.broadcast %add3A_402 : i32 to vector<16xi32>
        %add3A_404 = arith.addi %add3A_394, %add3A_403 : vector<16xi32>
        %gather3A_405 = tpu.vector_load_idx %arg10[%sub3A, %add3A_404] : memref<834x50xf32, #tpu.memory_space<vmem>>[vector<16xi32>, vector<16xi32>], vector<16xf32>,
        %swap3A_406 = arith.index_cast %scan3A_280 : i32 to index
        %swap3A_407 = arith.constant 179 : index
        %swap3A_408 = tpu.vector_load %arg11[%swap3A_406, %swap3A_407] {strides = array<i32>} : memref<16x1328xf32, #tpu.memory_space<vmem>>, vector<16xf32>,
        tpu.vector_store %arg11[%swap3A_406, %swap3A_407], %gather3A_405 {strides = array<i32>} : memref<16x1328xf32, #tpu.memory_space<vmem>>, vector<16xf32>,
        %add3A_409 = arith.constant 32 : i32
        %add3A_410 = vector.broadcast %add3A_409 : i32 to vector<16xi32>
        %add3A_411 = arith.addi %add3A_394, %add3A_410 : vector<16xi32>
        %gather3A_412 = tpu.vector_load_idx %arg10[%sub3A, %add3A_411] : memref<834x50xf32, #tpu.memory_space<vmem>>[vector<16xi32>, vector<16xi32>], vector<16xf32>,
        %swap3A_413 = arith.index_cast %scan3A_280 : i32 to index
        %swap3A_414 = arith.constant 195 : index
        %swap3A_415 = tpu.vector_load %arg11[%swap3A_413, %swap3A_414] {strides = array<i32>} : memref<16x1328xf32, #tpu.memory_space<vmem>>, vector<16xf32>,
        tpu.vector_store %arg11[%swap3A_413, %swap3A_414], %gather3A_412 {strides = array<i32>} : memref<16x1328xf32, #tpu.memory_space<vmem>>, vector<16xf32>,
        %add3A_416 = arith.constant 48 : i32
        %add3A_417 = vector.broadcast %add3A_416 : i32 to vector<16xi32>
        %add3A_418 = arith.addi %add3A_394, %add3A_417 : vector<16xi32>
        %gather3A_419 = tpu.vector_load_idx %arg10[%sub3A, %add3A_418] : memref<834x50xf32, #tpu.memory_space<vmem>>[vector<16xi32>, vector<16xi32>], vector<16xf32>,
        %swap3A_420 = arith.index_cast %scan3A_280 : i32 to index
        %swap3A_421 = arith.constant 211 : index
        %swap3A_422 = tpu.vector_load %arg11[%swap3A_420, %swap3A_421] {strides = array<i32>} : memref<16x1328xf32, #tpu.memory_space<vmem>>, vector<16xf32>,
        tpu.vector_store %arg11[%swap3A_420, %swap3A_421], %gather3A_419 {strides = array<i32>} : memref<16x1328xf32, #tpu.memory_space<vmem>>, vector<16xf32>,
        %add3A_423 = arith.constant 4 : i32
        %add3A_424 = arith.addi %mul3A_287, %add3A_423 : i32
        %get3A_425 = arith.index_cast %add3A_424 : i32 to index
        %get3A_426 = arith.constant 0 : index
        %get3A_427 = tpu.vector_load %arg8[%get3A_425, %get3A_426] {strides = array<i32>} : memref<416x16xi32, #tpu.memory_space<vmem>>, vector<16xi32>,
        %add3A_428 = arith.addi %get3A_427, %iota3A : vector<16xi32>
        %add3A_429 = arith.constant 0 : i32
        %add3A_430 = vector.broadcast %add3A_429 : i32 to vector<16xi32>
        %add3A_431 = arith.addi %add3A_428, %add3A_430 : vector<16xi32>
        %gather3A_432 = tpu.vector_load_idx %arg10[%sub3A, %add3A_431] : memref<834x50xf32, #tpu.memory_space<vmem>>[vector<16xi32>, vector<16xi32>], vector<16xf32>,
        %swap3A_433 = arith.index_cast %scan3A_280 : i32 to index
        %swap3A_434 = arith.constant 213 : index
        %swap3A_435 = tpu.vector_load %arg11[%swap3A_433, %swap3A_434] {strides = array<i32>} : memref<16x1328xf32, #tpu.memory_space<vmem>>, vector<16xf32>,
        tpu.vector_store %arg11[%swap3A_433, %swap3A_434], %gather3A_432 {strides = array<i32>} : memref<16x1328xf32, #tpu.memory_space<vmem>>, vector<16xf32>,
        %add3A_436 = arith.constant 16 : i32
        %add3A_437 = vector.broadcast %add3A_436 : i32 to vector<16xi32>
        %add3A_438 = arith.addi %add3A_428, %add3A_437 : vector<16xi32>
        %gather3A_439 = tpu.vector_load_idx %arg10[%sub3A, %add3A_438] : memref<834x50xf32, #tpu.memory_space<vmem>>[vector<16xi32>, vector<16xi32>], vector<16xf32>,
        %swap3A_440 = arith.index_cast %scan3A_280 : i32 to index
        %swap3A_441 = arith.constant 229 : index
        %swap3A_442 = tpu.vector_load %arg11[%swap3A_440, %swap3A_441] {strides = array<i32>} : memref<16x1328xf32, #tpu.memory_space<vmem>>, vector<16xf32>,
        tpu.vector_store %arg11[%swap3A_440, %swap3A_441], %gather3A_439 {strides = array<i32>} : memref<16x1328xf32, #tpu.memory_space<vmem>>, vector<16xf32>,
        %add3A_443 = arith.constant 32 : i32
        %add3A_444 = vector.broadcast %add3A_443 : i32 to vector<16xi32>
        %add3A_445 = arith.addi %add3A_428, %add3A_444 : vector<16xi32>
        %gather3A_446 = tpu.vector_load_idx %arg10[%sub3A, %add3A_445] : memref<834x50xf32, #tpu.memory_space<vmem>>[vector<16xi32>, vector<16xi32>], vector<16xf32>,
        %swap3A_447 = arith.index_cast %scan3A_280 : i32 to index
        %swap3A_448 = arith.constant 245 : index
        %swap3A_449 = tpu.vector_load %arg11[%swap3A_447, %swap3A_448] {strides = array<i32>} : memref<16x1328xf32, #tpu.memory_space<vmem>>, vector<16xf32>,
        tpu.vector_store %arg11[%swap3A_447, %swap3A_448], %gather3A_446 {strides = array<i32>} : memref<16x1328xf32, #tpu.memory_space<vmem>>, vector<16xf32>,
        %add3A_450 = arith.constant 48 : i32
        %add3A_451 = vector.broadcast %add3A_450 : i32 to vector<16xi32>
        %add3A_452 = arith.addi %add3A_428, %add3A_451 : vector<16xi32>
        %gather3A_453 = tpu.vector_load_idx %arg10[%sub3A, %add3A_452] : memref<834x50xf32, #tpu.memory_space<vmem>>[vector<16xi32>, vector<16xi32>], vector<16xf32>,
        %swap3A_454 = arith.index_cast %scan3A_280 : i32 to index
        %swap3A_455 = arith.constant 261 : index
        %swap3A_456 = tpu.vector_load %arg11[%swap3A_454, %swap3A_455] {strides = array<i32>} : memref<16x1328xf32, #tpu.memory_space<vmem>>, vector<16xf32>,
        tpu.vector_store %arg11[%swap3A_454, %swap3A_455], %gather3A_453 {strides = array<i32>} : memref<16x1328xf32, #tpu.memory_space<vmem>>, vector<16xf32>,
        %add3A_457 = arith.constant 5 : i32
        %add3A_458 = arith.addi %mul3A_287, %add3A_457 : i32
        %get3A_459 = arith.index_cast %add3A_458 : i32 to index
        %get3A_460 = arith.constant 0 : index
        %get3A_461 = tpu.vector_load %arg8[%get3A_459, %get3A_460] {strides = array<i32>} : memref<416x16xi32, #tpu.memory_space<vmem>>, vector<16xi32>,
        %add3A_462 = arith.addi %get3A_461, %iota3A : vector<16xi32>
        %add3A_463 = arith.constant 0 : i32
        %add3A_464 = vector.broadcast %add3A_463 : i32 to vector<16xi32>
        %add3A_465 = arith.addi %add3A_462, %add3A_464 : vector<16xi32>
        %gather3A_466 = tpu.vector_load_idx %arg10[%sub3A, %add3A_465] : memref<834x50xf32, #tpu.memory_space<vmem>>[vector<16xi32>, vector<16xi32>], vector<16xf32>,
        %swap3A_467 = arith.index_cast %scan3A_280 : i32 to index
        %swap3A_468 = arith.constant 263 : index
        %swap3A_469 = tpu.vector_load %arg11[%swap3A_467, %swap3A_468] {strides = array<i32>} : memref<16x1328xf32, #tpu.memory_space<vmem>>, vector<16xf32>,
        tpu.vector_store %arg11[%swap3A_467, %swap3A_468], %gather3A_466 {strides = array<i32>} : memref<16x1328xf32, #tpu.memory_space<vmem>>, vector<16xf32>,
        %add3A_470 = arith.constant 16 : i32
        %add3A_471 = vector.broadcast %add3A_470 : i32 to vector<16xi32>
        %add3A_472 = arith.addi %add3A_462, %add3A_471 : vector<16xi32>
        %gather3A_473 = tpu.vector_load_idx %arg10[%sub3A, %add3A_472] : memref<834x50xf32, #tpu.memory_space<vmem>>[vector<16xi32>, vector<16xi32>], vector<16xf32>,
        %swap3A_474 = arith.index_cast %scan3A_280 : i32 to index
        %swap3A_475 = arith.constant 279 : index
        %swap3A_476 = tpu.vector_load %arg11[%swap3A_474, %swap3A_475] {strides = array<i32>} : memref<16x1328xf32, #tpu.memory_space<vmem>>, vector<16xf32>,
        tpu.vector_store %arg11[%swap3A_474, %swap3A_475], %gather3A_473 {strides = array<i32>} : memref<16x1328xf32, #tpu.memory_space<vmem>>, vector<16xf32>,
        %add3A_477 = arith.constant 32 : i32
        %add3A_478 = vector.broadcast %add3A_477 : i32 to vector<16xi32>
        %add3A_479 = arith.addi %add3A_462, %add3A_478 : vector<16xi32>
        %gather3A_480 = tpu.vector_load_idx %arg10[%sub3A, %add3A_479] : memref<834x50xf32, #tpu.memory_space<vmem>>[vector<16xi32>, vector<16xi32>], vector<16xf32>,
        %swap3A_481 = arith.index_cast %scan3A_280 : i32 to index
        %swap3A_482 = arith.constant 295 : index
        %swap3A_483 = tpu.vector_load %arg11[%swap3A_481, %swap3A_482] {strides = array<i32>} : memref<16x1328xf32, #tpu.memory_space<vmem>>, vector<16xf32>,
        tpu.vector_store %arg11[%swap3A_481, %swap3A_482], %gather3A_480 {strides = array<i32>} : memref<16x1328xf32, #tpu.memory_space<vmem>>, vector<16xf32>,
        %add3A_484 = arith.constant 48 : i32
        %add3A_485 = vector.broadcast %add3A_484 : i32 to vector<16xi32>
        %add3A_486 = arith.addi %add3A_462, %add3A_485 : vector<16xi32>
        %gather3A_487 = tpu.vector_load_idx %arg10[%sub3A, %add3A_486] : memref<834x50xf32, #tpu.memory_space<vmem>>[vector<16xi32>, vector<16xi32>], vector<16xf32>,
        %swap3A_488 = arith.index_cast %scan3A_280 : i32 to index
        %swap3A_489 = arith.constant 311 : index
        %swap3A_490 = tpu.vector_load %arg11[%swap3A_488, %swap3A_489] {strides = array<i32>} : memref<16x1328xf32, #tpu.memory_space<vmem>>, vector<16xf32>,
        tpu.vector_store %arg11[%swap3A_488, %swap3A_489], %gather3A_487 {strides = array<i32>} : memref<16x1328xf32, #tpu.memory_space<vmem>>, vector<16xf32>,
        %add3A_491 = arith.constant 6 : i32
        %add3A_492 = arith.addi %mul3A_287, %add3A_491 : i32
        %get3A_493 = arith.index_cast %add3A_492 : i32 to index
        %get3A_494 = arith.constant 0 : index
        %get3A_495 = tpu.vector_load %arg8[%get3A_493, %get3A_494] {strides = array<i32>} : memref<416x16xi32, #tpu.memory_space<vmem>>, vector<16xi32>,
        %add3A_496 = arith.addi %get3A_495, %iota3A : vector<16xi32>
        %add3A_497 = arith.constant 0 : i32
        %add3A_498 = vector.broadcast %add3A_497 : i32 to vector<16xi32>
        %add3A_499 = arith.addi %add3A_496, %add3A_498 : vector<16xi32>
        %gather3A_500 = tpu.vector_load_idx %arg10[%sub3A, %add3A_499] : memref<834x50xf32, #tpu.memory_space<vmem>>[vector<16xi32>, vector<16xi32>], vector<16xf32>,
        %swap3A_501 = arith.index_cast %scan3A_280 : i32 to index
        %swap3A_502 = arith.constant 313 : index
        %swap3A_503 = tpu.vector_load %arg11[%swap3A_501, %swap3A_502] {strides = array<i32>} : memref<16x1328xf32, #tpu.memory_space<vmem>>, vector<16xf32>,
        tpu.vector_store %arg11[%swap3A_501, %swap3A_502], %gather3A_500 {strides = array<i32>} : memref<16x1328xf32, #tpu.memory_space<vmem>>, vector<16xf32>,
        %add3A_504 = arith.constant 16 : i32
        %add3A_505 = vector.broadcast %add3A_504 : i32 to vector<16xi32>
        %add3A_506 = arith.addi %add3A_496, %add3A_505 : vector<16xi32>
        %gather3A_507 = tpu.vector_load_idx %arg10[%sub3A, %add3A_506] : memref<834x50xf32, #tpu.memory_space<vmem>>[vector<16xi32>, vector<16xi32>], vector<16xf32>,
        %swap3A_508 = arith.index_cast %scan3A_280 : i32 to index
        %swap3A_509 = arith.constant 329 : index
        %swap3A_510 = tpu.vector_load %arg11[%swap3A_508, %swap3A_509] {strides = array<i32>} : memref<16x1328xf32, #tpu.memory_space<vmem>>, vector<16xf32>,
        tpu.vector_store %arg11[%swap3A_508, %swap3A_509], %gather3A_507 {strides = array<i32>} : memref<16x1328xf32, #tpu.memory_space<vmem>>, vector<16xf32>,
        %add3A_511 = arith.constant 32 : i32
        %add3A_512 = vector.broadcast %add3A_511 : i32 to vector<16xi32>
        %add3A_513 = arith.addi %add3A_496, %add3A_512 : vector<16xi32>
        %gather3A_514 = tpu.vector_load_idx %arg10[%sub3A, %add3A_513] : memref<834x50xf32, #tpu.memory_space<vmem>>[vector<16xi32>, vector<16xi32>], vector<16xf32>,
        %swap3A_515 = arith.index_cast %scan3A_280 : i32 to index
        %swap3A_516 = arith.constant 345 : index
        %swap3A_517 = tpu.vector_load %arg11[%swap3A_515, %swap3A_516] {strides = array<i32>} : memref<16x1328xf32, #tpu.memory_space<vmem>>, vector<16xf32>,
        tpu.vector_store %arg11[%swap3A_515, %swap3A_516], %gather3A_514 {strides = array<i32>} : memref<16x1328xf32, #tpu.memory_space<vmem>>, vector<16xf32>,
        %add3A_518 = arith.constant 48 : i32
        %add3A_519 = vector.broadcast %add3A_518 : i32 to vector<16xi32>
        %add3A_520 = arith.addi %add3A_496, %add3A_519 : vector<16xi32>
        %gather3A_521 = tpu.vector_load_idx %arg10[%sub3A, %add3A_520] : memref<834x50xf32, #tpu.memory_space<vmem>>[vector<16xi32>, vector<16xi32>], vector<16xf32>,
        %swap3A_522 = arith.index_cast %scan3A_280 : i32 to index
        %swap3A_523 = arith.constant 361 : index
        %swap3A_524 = tpu.vector_load %arg11[%swap3A_522, %swap3A_523] {strides = array<i32>} : memref<16x1328xf32, #tpu.memory_space<vmem>>, vector<16xf32>,
        tpu.vector_store %arg11[%swap3A_522, %swap3A_523], %gather3A_521 {strides = array<i32>} : memref<16x1328xf32, #tpu.memory_space<vmem>>, vector<16xf32>,
        %add3A_525 = arith.constant 7 : i32
        %add3A_526 = arith.addi %mul3A_287, %add3A_525 : i32
        %get3A_527 = arith.index_cast %add3A_526 : i32 to index
        %get3A_528 = arith.constant 0 : index
        %get3A_529 = tpu.vector_load %arg8[%get3A_527, %get3A_528] {strides = array<i32>} : memref<416x16xi32, #tpu.memory_space<vmem>>, vector<16xi32>,
        %add3A_530 = arith.addi %get3A_529, %iota3A : vector<16xi32>
        %add3A_531 = arith.constant 0 : i32
        %add3A_532 = vector.broadcast %add3A_531 : i32 to vector<16xi32>
        %add3A_533 = arith.addi %add3A_530, %add3A_532 : vector<16xi32>
        %gather3A_534 = tpu.vector_load_idx %arg10[%sub3A, %add3A_533] : memref<834x50xf32, #tpu.memory_space<vmem>>[vector<16xi32>, vector<16xi32>], vector<16xf32>,
        %swap3A_535 = arith.index_cast %scan3A_280 : i32 to index
        %swap3A_536 = arith.constant 363 : index
        %swap3A_537 = tpu.vector_load %arg11[%swap3A_535, %swap3A_536] {strides = array<i32>} : memref<16x1328xf32, #tpu.memory_space<vmem>>, vector<16xf32>,
        tpu.vector_store %arg11[%swap3A_535, %swap3A_536], %gather3A_534 {strides = array<i32>} : memref<16x1328xf32, #tpu.memory_space<vmem>>, vector<16xf32>,
        %add3A_538 = arith.constant 16 : i32
        %add3A_539 = vector.broadcast %add3A_538 : i32 to vector<16xi32>
        %add3A_540 = arith.addi %add3A_530, %add3A_539 : vector<16xi32>
        %gather3A_541 = tpu.vector_load_idx %arg10[%sub3A, %add3A_540] : memref<834x50xf32, #tpu.memory_space<vmem>>[vector<16xi32>, vector<16xi32>], vector<16xf32>,
        %swap3A_542 = arith.index_cast %scan3A_280 : i32 to index
        %swap3A_543 = arith.constant 379 : index
        %swap3A_544 = tpu.vector_load %arg11[%swap3A_542, %swap3A_543] {strides = array<i32>} : memref<16x1328xf32, #tpu.memory_space<vmem>>, vector<16xf32>,
        tpu.vector_store %arg11[%swap3A_542, %swap3A_543], %gather3A_541 {strides = array<i32>} : memref<16x1328xf32, #tpu.memory_space<vmem>>, vector<16xf32>,
        %add3A_545 = arith.constant 32 : i32
        %add3A_546 = vector.broadcast %add3A_545 : i32 to vector<16xi32>
        %add3A_547 = arith.addi %add3A_530, %add3A_546 : vector<16xi32>
        %gather3A_548 = tpu.vector_load_idx %arg10[%sub3A, %add3A_547] : memref<834x50xf32, #tpu.memory_space<vmem>>[vector<16xi32>, vector<16xi32>], vector<16xf32>,
        %swap3A_549 = arith.index_cast %scan3A_280 : i32 to index
        %swap3A_550 = arith.constant 395 : index
        %swap3A_551 = tpu.vector_load %arg11[%swap3A_549, %swap3A_550] {strides = array<i32>} : memref<16x1328xf32, #tpu.memory_space<vmem>>, vector<16xf32>,
        tpu.vector_store %arg11[%swap3A_549, %swap3A_550], %gather3A_548 {strides = array<i32>} : memref<16x1328xf32, #tpu.memory_space<vmem>>, vector<16xf32>,
        %add3A_552 = arith.constant 48 : i32
        %add3A_553 = vector.broadcast %add3A_552 : i32 to vector<16xi32>
        %add3A_554 = arith.addi %add3A_530, %add3A_553 : vector<16xi32>
        %gather3A_555 = tpu.vector_load_idx %arg10[%sub3A, %add3A_554] : memref<834x50xf32, #tpu.memory_space<vmem>>[vector<16xi32>, vector<16xi32>], vector<16xf32>,
        %swap3A_556 = arith.index_cast %scan3A_280 : i32 to index
        %swap3A_557 = arith.constant 411 : index
        %swap3A_558 = tpu.vector_load %arg11[%swap3A_556, %swap3A_557] {strides = array<i32>} : memref<16x1328xf32, #tpu.memory_space<vmem>>, vector<16xf32>,
        tpu.vector_store %arg11[%swap3A_556, %swap3A_557], %gather3A_555 {strides = array<i32>} : memref<16x1328xf32, #tpu.memory_space<vmem>>, vector<16xf32>,
        %add3A_559 = arith.constant 8 : i32
        %add3A_560 = arith.addi %mul3A_287, %add3A_559 : i32
        %get3A_561 = arith.index_cast %add3A_560 : i32 to index
        %get3A_562 = arith.constant 0 : index
        %get3A_563 = tpu.vector_load %arg8[%get3A_561, %get3A_562] {strides = array<i32>} : memref<416x16xi32, #tpu.memory_space<vmem>>, vector<16xi32>,
        %add3A_564 = arith.addi %get3A_563, %iota3A : vector<16xi32>
        %add3A_565 = arith.constant 0 : i32
        %add3A_566 = vector.broadcast %add3A_565 : i32 to vector<16xi32>
        %add3A_567 = arith.addi %add3A_564, %add3A_566 : vector<16xi32>
        %gather3A_568 = tpu.vector_load_idx %arg10[%sub3A, %add3A_567] : memref<834x50xf32, #tpu.memory_space<vmem>>[vector<16xi32>, vector<16xi32>], vector<16xf32>,
        %swap3A_569 = arith.index_cast %scan3A_280 : i32 to index
        %swap3A_570 = arith.constant 413 : index
        %swap3A_571 = tpu.vector_load %arg11[%swap3A_569, %swap3A_570] {strides = array<i32>} : memref<16x1328xf32, #tpu.memory_space<vmem>>, vector<16xf32>,
        tpu.vector_store %arg11[%swap3A_569, %swap3A_570], %gather3A_568 {strides = array<i32>} : memref<16x1328xf32, #tpu.memory_space<vmem>>, vector<16xf32>,
        %add3A_572 = arith.constant 16 : i32
        %add3A_573 = vector.broadcast %add3A_572 : i32 to vector<16xi32>
        %add3A_574 = arith.addi %add3A_564, %add3A_573 : vector<16xi32>
        %gather3A_575 = tpu.vector_load_idx %arg10[%sub3A, %add3A_574] : memref<834x50xf32, #tpu.memory_space<vmem>>[vector<16xi32>, vector<16xi32>], vector<16xf32>,
        %swap3A_576 = arith.index_cast %scan3A_280 : i32 to index
        %swap3A_577 = arith.constant 429 : index
        %swap3A_578 = tpu.vector_load %arg11[%swap3A_576, %swap3A_577] {strides = array<i32>} : memref<16x1328xf32, #tpu.memory_space<vmem>>, vector<16xf32>,
        tpu.vector_store %arg11[%swap3A_576, %swap3A_577], %gather3A_575 {strides = array<i32>} : memref<16x1328xf32, #tpu.memory_space<vmem>>, vector<16xf32>,
        %add3A_579 = arith.constant 32 : i32
        %add3A_580 = vector.broadcast %add3A_579 : i32 to vector<16xi32>
        %add3A_581 = arith.addi %add3A_564, %add3A_580 : vector<16xi32>
        %gather3A_582 = tpu.vector_load_idx %arg10[%sub3A, %add3A_581] : memref<834x50xf32, #tpu.memory_space<vmem>>[vector<16xi32>, vector<16xi32>], vector<16xf32>,
        %swap3A_583 = arith.index_cast %scan3A_280 : i32 to index
        %swap3A_584 = arith.constant 445 : index
        %swap3A_585 = tpu.vector_load %arg11[%swap3A_583, %swap3A_584] {strides = array<i32>} : memref<16x1328xf32, #tpu.memory_space<vmem>>, vector<16xf32>,
        tpu.vector_store %arg11[%swap3A_583, %swap3A_584], %gather3A_582 {strides = array<i32>} : memref<16x1328xf32, #tpu.memory_space<vmem>>, vector<16xf32>,
        %add3A_586 = arith.constant 48 : i32
        %add3A_587 = vector.broadcast %add3A_586 : i32 to vector<16xi32>
        %add3A_588 = arith.addi %add3A_564, %add3A_587 : vector<16xi32>
        %gather3A_589 = tpu.vector_load_idx %arg10[%sub3A, %add3A_588] : memref<834x50xf32, #tpu.memory_space<vmem>>[vector<16xi32>, vector<16xi32>], vector<16xf32>,
        %swap3A_590 = arith.index_cast %scan3A_280 : i32 to index
        %swap3A_591 = arith.constant 461 : index
        %swap3A_592 = tpu.vector_load %arg11[%swap3A_590, %swap3A_591] {strides = array<i32>} : memref<16x1328xf32, #tpu.memory_space<vmem>>, vector<16xf32>,
        tpu.vector_store %arg11[%swap3A_590, %swap3A_591], %gather3A_589 {strides = array<i32>} : memref<16x1328xf32, #tpu.memory_space<vmem>>, vector<16xf32>,
        %add3A_593 = arith.constant 9 : i32
        %add3A_594 = arith.addi %mul3A_287, %add3A_593 : i32
        %get3A_595 = arith.index_cast %add3A_594 : i32 to index
        %get3A_596 = arith.constant 0 : index
        %get3A_597 = tpu.vector_load %arg8[%get3A_595, %get3A_596] {strides = array<i32>} : memref<416x16xi32, #tpu.memory_space<vmem>>, vector<16xi32>,
        %add3A_598 = arith.addi %get3A_597, %iota3A : vector<16xi32>
        %add3A_599 = arith.constant 0 : i32
        %add3A_600 = vector.broadcast %add3A_599 : i32 to vector<16xi32>
        %add3A_601 = arith.addi %add3A_598, %add3A_600 : vector<16xi32>
        %gather3A_602 = tpu.vector_load_idx %arg10[%sub3A, %add3A_601] : memref<834x50xf32, #tpu.memory_space<vmem>>[vector<16xi32>, vector<16xi32>], vector<16xf32>,
        %swap3A_603 = arith.index_cast %scan3A_280 : i32 to index
        %swap3A_604 = arith.constant 463 : index
        %swap3A_605 = tpu.vector_load %arg11[%swap3A_603, %swap3A_604] {strides = array<i32>} : memref<16x1328xf32, #tpu.memory_space<vmem>>, vector<16xf32>,
        tpu.vector_store %arg11[%swap3A_603, %swap3A_604], %gather3A_602 {strides = array<i32>} : memref<16x1328xf32, #tpu.memory_space<vmem>>, vector<16xf32>,
        %add3A_606 = arith.constant 16 : i32
        %add3A_607 = vector.broadcast %add3A_606 : i32 to vector<16xi32>
        %add3A_608 = arith.addi %add3A_598, %add3A_607 : vector<16xi32>
        %gather3A_609 = tpu.vector_load_idx %arg10[%sub3A, %add3A_608] : memref<834x50xf32, #tpu.memory_space<vmem>>[vector<16xi32>, vector<16xi32>], vector<16xf32>,
        %swap3A_610 = arith.index_cast %scan3A_280 : i32 to index
        %swap3A_611 = arith.constant 479 : index
        %swap3A_612 = tpu.vector_load %arg11[%swap3A_610, %swap3A_611] {strides = array<i32>} : memref<16x1328xf32, #tpu.memory_space<vmem>>, vector<16xf32>,
        tpu.vector_store %arg11[%swap3A_610, %swap3A_611], %gather3A_609 {strides = array<i32>} : memref<16x1328xf32, #tpu.memory_space<vmem>>, vector<16xf32>,
        %add3A_613 = arith.constant 32 : i32
        %add3A_614 = vector.broadcast %add3A_613 : i32 to vector<16xi32>
        %add3A_615 = arith.addi %add3A_598, %add3A_614 : vector<16xi32>
        %gather3A_616 = tpu.vector_load_idx %arg10[%sub3A, %add3A_615] : memref<834x50xf32, #tpu.memory_space<vmem>>[vector<16xi32>, vector<16xi32>], vector<16xf32>,
        %swap3A_617 = arith.index_cast %scan3A_280 : i32 to index
        %swap3A_618 = arith.constant 495 : index
        %swap3A_619 = tpu.vector_load %arg11[%swap3A_617, %swap3A_618] {strides = array<i32>} : memref<16x1328xf32, #tpu.memory_space<vmem>>, vector<16xf32>,
        tpu.vector_store %arg11[%swap3A_617, %swap3A_618], %gather3A_616 {strides = array<i32>} : memref<16x1328xf32, #tpu.memory_space<vmem>>, vector<16xf32>,
        %add3A_620 = arith.constant 48 : i32
        %add3A_621 = vector.broadcast %add3A_620 : i32 to vector<16xi32>
        %add3A_622 = arith.addi %add3A_598, %add3A_621 : vector<16xi32>
        %gather3A_623 = tpu.vector_load_idx %arg10[%sub3A, %add3A_622] : memref<834x50xf32, #tpu.memory_space<vmem>>[vector<16xi32>, vector<16xi32>], vector<16xf32>,
        %swap3A_624 = arith.index_cast %scan3A_280 : i32 to index
        %swap3A_625 = arith.constant 511 : index
        %swap3A_626 = tpu.vector_load %arg11[%swap3A_624, %swap3A_625] {strides = array<i32>} : memref<16x1328xf32, #tpu.memory_space<vmem>>, vector<16xf32>,
        tpu.vector_store %arg11[%swap3A_624, %swap3A_625], %gather3A_623 {strides = array<i32>} : memref<16x1328xf32, #tpu.memory_space<vmem>>, vector<16xf32>,
        %add3A_627 = arith.constant 10 : i32
        %add3A_628 = arith.addi %mul3A_287, %add3A_627 : i32
        %get3A_629 = arith.index_cast %add3A_628 : i32 to index
        %get3A_630 = arith.constant 0 : index
        %get3A_631 = tpu.vector_load %arg8[%get3A_629, %get3A_630] {strides = array<i32>} : memref<416x16xi32, #tpu.memory_space<vmem>>, vector<16xi32>,
        %add3A_632 = arith.addi %get3A_631, %iota3A : vector<16xi32>
        %add3A_633 = arith.constant 0 : i32
        %add3A_634 = vector.broadcast %add3A_633 : i32 to vector<16xi32>
        %add3A_635 = arith.addi %add3A_632, %add3A_634 : vector<16xi32>
        %gather3A_636 = tpu.vector_load_idx %arg10[%sub3A, %add3A_635] : memref<834x50xf32, #tpu.memory_space<vmem>>[vector<16xi32>, vector<16xi32>], vector<16xf32>,
        %swap3A_637 = arith.index_cast %scan3A_280 : i32 to index
        %swap3A_638 = arith.constant 513 : index
        %swap3A_639 = tpu.vector_load %arg11[%swap3A_637, %swap3A_638] {strides = array<i32>} : memref<16x1328xf32, #tpu.memory_space<vmem>>, vector<16xf32>,
        tpu.vector_store %arg11[%swap3A_637, %swap3A_638], %gather3A_636 {strides = array<i32>} : memref<16x1328xf32, #tpu.memory_space<vmem>>, vector<16xf32>,
        %add3A_640 = arith.constant 16 : i32
        %add3A_641 = vector.broadcast %add3A_640 : i32 to vector<16xi32>
        %add3A_642 = arith.addi %add3A_632, %add3A_641 : vector<16xi32>
        %gather3A_643 = tpu.vector_load_idx %arg10[%sub3A, %add3A_642] : memref<834x50xf32, #tpu.memory_space<vmem>>[vector<16xi32>, vector<16xi32>], vector<16xf32>,
        %swap3A_644 = arith.index_cast %scan3A_280 : i32 to index
        %swap3A_645 = arith.constant 529 : index
        %swap3A_646 = tpu.vector_load %arg11[%swap3A_644, %swap3A_645] {strides = array<i32>} : memref<16x1328xf32, #tpu.memory_space<vmem>>, vector<16xf32>,
        tpu.vector_store %arg11[%swap3A_644, %swap3A_645], %gather3A_643 {strides = array<i32>} : memref<16x1328xf32, #tpu.memory_space<vmem>>, vector<16xf32>,
        %add3A_647 = arith.constant 32 : i32
        %add3A_648 = vector.broadcast %add3A_647 : i32 to vector<16xi32>
        %add3A_649 = arith.addi %add3A_632, %add3A_648 : vector<16xi32>
        %gather3A_650 = tpu.vector_load_idx %arg10[%sub3A, %add3A_649] : memref<834x50xf32, #tpu.memory_space<vmem>>[vector<16xi32>, vector<16xi32>], vector<16xf32>,
        %swap3A_651 = arith.index_cast %scan3A_280 : i32 to index
        %swap3A_652 = arith.constant 545 : index
        %swap3A_653 = tpu.vector_load %arg11[%swap3A_651, %swap3A_652] {strides = array<i32>} : memref<16x1328xf32, #tpu.memory_space<vmem>>, vector<16xf32>,
        tpu.vector_store %arg11[%swap3A_651, %swap3A_652], %gather3A_650 {strides = array<i32>} : memref<16x1328xf32, #tpu.memory_space<vmem>>, vector<16xf32>,
        %add3A_654 = arith.constant 48 : i32
        %add3A_655 = vector.broadcast %add3A_654 : i32 to vector<16xi32>
        %add3A_656 = arith.addi %add3A_632, %add3A_655 : vector<16xi32>
        %gather3A_657 = tpu.vector_load_idx %arg10[%sub3A, %add3A_656] : memref<834x50xf32, #tpu.memory_space<vmem>>[vector<16xi32>, vector<16xi32>], vector<16xf32>,
        %swap3A_658 = arith.index_cast %scan3A_280 : i32 to index
        %swap3A_659 = arith.constant 561 : index
        %swap3A_660 = tpu.vector_load %arg11[%swap3A_658, %swap3A_659] {strides = array<i32>} : memref<16x1328xf32, #tpu.memory_space<vmem>>, vector<16xf32>,
        tpu.vector_store %arg11[%swap3A_658, %swap3A_659], %gather3A_657 {strides = array<i32>} : memref<16x1328xf32, #tpu.memory_space<vmem>>, vector<16xf32>,
        %add3A_661 = arith.constant 11 : i32
        %add3A_662 = arith.addi %mul3A_287, %add3A_661 : i32
        %get3A_663 = arith.index_cast %add3A_662 : i32 to index
        %get3A_664 = arith.constant 0 : index
        %get3A_665 = tpu.vector_load %arg8[%get3A_663, %get3A_664] {strides = array<i32>} : memref<416x16xi32, #tpu.memory_space<vmem>>, vector<16xi32>,
        %add3A_666 = arith.addi %get3A_665, %iota3A : vector<16xi32>
        %add3A_667 = arith.constant 0 : i32
        %add3A_668 = vector.broadcast %add3A_667 : i32 to vector<16xi32>
        %add3A_669 = arith.addi %add3A_666, %add3A_668 : vector<16xi32>
        %gather3A_670 = tpu.vector_load_idx %arg10[%sub3A, %add3A_669] : memref<834x50xf32, #tpu.memory_space<vmem>>[vector<16xi32>, vector<16xi32>], vector<16xf32>,
        %swap3A_671 = arith.index_cast %scan3A_280 : i32 to index
        %swap3A_672 = arith.constant 563 : index
        %swap3A_673 = tpu.vector_load %arg11[%swap3A_671, %swap3A_672] {strides = array<i32>} : memref<16x1328xf32, #tpu.memory_space<vmem>>, vector<16xf32>,
        tpu.vector_store %arg11[%swap3A_671, %swap3A_672], %gather3A_670 {strides = array<i32>} : memref<16x1328xf32, #tpu.memory_space<vmem>>, vector<16xf32>,
        %add3A_674 = arith.constant 16 : i32
        %add3A_675 = vector.broadcast %add3A_674 : i32 to vector<16xi32>
        %add3A_676 = arith.addi %add3A_666, %add3A_675 : vector<16xi32>
        %gather3A_677 = tpu.vector_load_idx %arg10[%sub3A, %add3A_676] : memref<834x50xf32, #tpu.memory_space<vmem>>[vector<16xi32>, vector<16xi32>], vector<16xf32>,
        %swap3A_678 = arith.index_cast %scan3A_280 : i32 to index
        %swap3A_679 = arith.constant 579 : index
        %swap3A_680 = tpu.vector_load %arg11[%swap3A_678, %swap3A_679] {strides = array<i32>} : memref<16x1328xf32, #tpu.memory_space<vmem>>, vector<16xf32>,
        tpu.vector_store %arg11[%swap3A_678, %swap3A_679], %gather3A_677 {strides = array<i32>} : memref<16x1328xf32, #tpu.memory_space<vmem>>, vector<16xf32>,
        %add3A_681 = arith.constant 32 : i32
        %add3A_682 = vector.broadcast %add3A_681 : i32 to vector<16xi32>
        %add3A_683 = arith.addi %add3A_666, %add3A_682 : vector<16xi32>
        %gather3A_684 = tpu.vector_load_idx %arg10[%sub3A, %add3A_683] : memref<834x50xf32, #tpu.memory_space<vmem>>[vector<16xi32>, vector<16xi32>], vector<16xf32>,
        %swap3A_685 = arith.index_cast %scan3A_280 : i32 to index
        %swap3A_686 = arith.constant 595 : index
        %swap3A_687 = tpu.vector_load %arg11[%swap3A_685, %swap3A_686] {strides = array<i32>} : memref<16x1328xf32, #tpu.memory_space<vmem>>, vector<16xf32>,
        tpu.vector_store %arg11[%swap3A_685, %swap3A_686], %gather3A_684 {strides = array<i32>} : memref<16x1328xf32, #tpu.memory_space<vmem>>, vector<16xf32>,
        %add3A_688 = arith.constant 48 : i32
        %add3A_689 = vector.broadcast %add3A_688 : i32 to vector<16xi32>
        %add3A_690 = arith.addi %add3A_666, %add3A_689 : vector<16xi32>
        %gather3A_691 = tpu.vector_load_idx %arg10[%sub3A, %add3A_690] : memref<834x50xf32, #tpu.memory_space<vmem>>[vector<16xi32>, vector<16xi32>], vector<16xf32>,
        %swap3A_692 = arith.index_cast %scan3A_280 : i32 to index
        %swap3A_693 = arith.constant 611 : index
        %swap3A_694 = tpu.vector_load %arg11[%swap3A_692, %swap3A_693] {strides = array<i32>} : memref<16x1328xf32, #tpu.memory_space<vmem>>, vector<16xf32>,
        tpu.vector_store %arg11[%swap3A_692, %swap3A_693], %gather3A_691 {strides = array<i32>} : memref<16x1328xf32, #tpu.memory_space<vmem>>, vector<16xf32>,
        %add3A_695 = arith.constant 12 : i32
        %add3A_696 = arith.addi %mul3A_287, %add3A_695 : i32
        %get3A_697 = arith.index_cast %add3A_696 : i32 to index
        %get3A_698 = arith.constant 0 : index
        %get3A_699 = tpu.vector_load %arg8[%get3A_697, %get3A_698] {strides = array<i32>} : memref<416x16xi32, #tpu.memory_space<vmem>>, vector<16xi32>,
        %add3A_700 = arith.addi %get3A_699, %iota3A : vector<16xi32>
        %add3A_701 = arith.constant 0 : i32
        %add3A_702 = vector.broadcast %add3A_701 : i32 to vector<16xi32>
        %add3A_703 = arith.addi %add3A_700, %add3A_702 : vector<16xi32>
        %gather3A_704 = tpu.vector_load_idx %arg10[%sub3A, %add3A_703] : memref<834x50xf32, #tpu.memory_space<vmem>>[vector<16xi32>, vector<16xi32>], vector<16xf32>,
        %swap3A_705 = arith.index_cast %scan3A_280 : i32 to index
        %swap3A_706 = arith.constant 613 : index
        %swap3A_707 = tpu.vector_load %arg11[%swap3A_705, %swap3A_706] {strides = array<i32>} : memref<16x1328xf32, #tpu.memory_space<vmem>>, vector<16xf32>,
        tpu.vector_store %arg11[%swap3A_705, %swap3A_706], %gather3A_704 {strides = array<i32>} : memref<16x1328xf32, #tpu.memory_space<vmem>>, vector<16xf32>,
        %add3A_708 = arith.constant 16 : i32
        %add3A_709 = vector.broadcast %add3A_708 : i32 to vector<16xi32>
        %add3A_710 = arith.addi %add3A_700, %add3A_709 : vector<16xi32>
        %gather3A_711 = tpu.vector_load_idx %arg10[%sub3A, %add3A_710] : memref<834x50xf32, #tpu.memory_space<vmem>>[vector<16xi32>, vector<16xi32>], vector<16xf32>,
        %swap3A_712 = arith.index_cast %scan3A_280 : i32 to index
        %swap3A_713 = arith.constant 629 : index
        %swap3A_714 = tpu.vector_load %arg11[%swap3A_712, %swap3A_713] {strides = array<i32>} : memref<16x1328xf32, #tpu.memory_space<vmem>>, vector<16xf32>,
        tpu.vector_store %arg11[%swap3A_712, %swap3A_713], %gather3A_711 {strides = array<i32>} : memref<16x1328xf32, #tpu.memory_space<vmem>>, vector<16xf32>,
        %add3A_715 = arith.constant 32 : i32
        %add3A_716 = vector.broadcast %add3A_715 : i32 to vector<16xi32>
        %add3A_717 = arith.addi %add3A_700, %add3A_716 : vector<16xi32>
        %gather3A_718 = tpu.vector_load_idx %arg10[%sub3A, %add3A_717] : memref<834x50xf32, #tpu.memory_space<vmem>>[vector<16xi32>, vector<16xi32>], vector<16xf32>,
        %swap3A_719 = arith.index_cast %scan3A_280 : i32 to index
        %swap3A_720 = arith.constant 645 : index
        %swap3A_721 = tpu.vector_load %arg11[%swap3A_719, %swap3A_720] {strides = array<i32>} : memref<16x1328xf32, #tpu.memory_space<vmem>>, vector<16xf32>,
        tpu.vector_store %arg11[%swap3A_719, %swap3A_720], %gather3A_718 {strides = array<i32>} : memref<16x1328xf32, #tpu.memory_space<vmem>>, vector<16xf32>,
        %add3A_722 = arith.constant 48 : i32
        %add3A_723 = vector.broadcast %add3A_722 : i32 to vector<16xi32>
        %add3A_724 = arith.addi %add3A_700, %add3A_723 : vector<16xi32>
        %gather3A_725 = tpu.vector_load_idx %arg10[%sub3A, %add3A_724] : memref<834x50xf32, #tpu.memory_space<vmem>>[vector<16xi32>, vector<16xi32>], vector<16xf32>,
        %swap3A_726 = arith.index_cast %scan3A_280 : i32 to index
        %swap3A_727 = arith.constant 661 : index
        %swap3A_728 = tpu.vector_load %arg11[%swap3A_726, %swap3A_727] {strides = array<i32>} : memref<16x1328xf32, #tpu.memory_space<vmem>>, vector<16xf32>,
        tpu.vector_store %arg11[%swap3A_726, %swap3A_727], %gather3A_725 {strides = array<i32>} : memref<16x1328xf32, #tpu.memory_space<vmem>>, vector<16xf32>,
        %add3A_729 = arith.constant 13 : i32
        %add3A_730 = arith.addi %mul3A_287, %add3A_729 : i32
        %get3A_731 = arith.index_cast %add3A_730 : i32 to index
        %get3A_732 = arith.constant 0 : index
        %get3A_733 = tpu.vector_load %arg8[%get3A_731, %get3A_732] {strides = array<i32>} : memref<416x16xi32, #tpu.memory_space<vmem>>, vector<16xi32>,
        %add3A_734 = arith.addi %get3A_733, %iota3A : vector<16xi32>
        %add3A_735 = arith.constant 0 : i32
        %add3A_736 = vector.broadcast %add3A_735 : i32 to vector<16xi32>
        %add3A_737 = arith.addi %add3A_734, %add3A_736 : vector<16xi32>
        %gather3A_738 = tpu.vector_load_idx %arg10[%sub3A, %add3A_737] : memref<834x50xf32, #tpu.memory_space<vmem>>[vector<16xi32>, vector<16xi32>], vector<16xf32>,
        %swap3A_739 = arith.index_cast %scan3A_280 : i32 to index
        %swap3A_740 = arith.constant 663 : index
        %swap3A_741 = tpu.vector_load %arg11[%swap3A_739, %swap3A_740] {strides = array<i32>} : memref<16x1328xf32, #tpu.memory_space<vmem>>, vector<16xf32>,
        tpu.vector_store %arg11[%swap3A_739, %swap3A_740], %gather3A_738 {strides = array<i32>} : memref<16x1328xf32, #tpu.memory_space<vmem>>, vector<16xf32>,
        %add3A_742 = arith.constant 16 : i32
        %add3A_743 = vector.broadcast %add3A_742 : i32 to vector<16xi32>
        %add3A_744 = arith.addi %add3A_734, %add3A_743 : vector<16xi32>
        %gather3A_745 = tpu.vector_load_idx %arg10[%sub3A, %add3A_744] : memref<834x50xf32, #tpu.memory_space<vmem>>[vector<16xi32>, vector<16xi32>], vector<16xf32>,
        %swap3A_746 = arith.index_cast %scan3A_280 : i32 to index
        %swap3A_747 = arith.constant 679 : index
        %swap3A_748 = tpu.vector_load %arg11[%swap3A_746, %swap3A_747] {strides = array<i32>} : memref<16x1328xf32, #tpu.memory_space<vmem>>, vector<16xf32>,
        tpu.vector_store %arg11[%swap3A_746, %swap3A_747], %gather3A_745 {strides = array<i32>} : memref<16x1328xf32, #tpu.memory_space<vmem>>, vector<16xf32>,
        %add3A_749 = arith.constant 32 : i32
        %add3A_750 = vector.broadcast %add3A_749 : i32 to vector<16xi32>
        %add3A_751 = arith.addi %add3A_734, %add3A_750 : vector<16xi32>
        %gather3A_752 = tpu.vector_load_idx %arg10[%sub3A, %add3A_751] : memref<834x50xf32, #tpu.memory_space<vmem>>[vector<16xi32>, vector<16xi32>], vector<16xf32>,
        %swap3A_753 = arith.index_cast %scan3A_280 : i32 to index
        %swap3A_754 = arith.constant 695 : index
        %swap3A_755 = tpu.vector_load %arg11[%swap3A_753, %swap3A_754] {strides = array<i32>} : memref<16x1328xf32, #tpu.memory_space<vmem>>, vector<16xf32>,
        tpu.vector_store %arg11[%swap3A_753, %swap3A_754], %gather3A_752 {strides = array<i32>} : memref<16x1328xf32, #tpu.memory_space<vmem>>, vector<16xf32>,
        %add3A_756 = arith.constant 48 : i32
        %add3A_757 = vector.broadcast %add3A_756 : i32 to vector<16xi32>
        %add3A_758 = arith.addi %add3A_734, %add3A_757 : vector<16xi32>
        %gather3A_759 = tpu.vector_load_idx %arg10[%sub3A, %add3A_758] : memref<834x50xf32, #tpu.memory_space<vmem>>[vector<16xi32>, vector<16xi32>], vector<16xf32>,
        %swap3A_760 = arith.index_cast %scan3A_280 : i32 to index
        %swap3A_761 = arith.constant 711 : index
        %swap3A_762 = tpu.vector_load %arg11[%swap3A_760, %swap3A_761] {strides = array<i32>} : memref<16x1328xf32, #tpu.memory_space<vmem>>, vector<16xf32>,
        tpu.vector_store %arg11[%swap3A_760, %swap3A_761], %gather3A_759 {strides = array<i32>} : memref<16x1328xf32, #tpu.memory_space<vmem>>, vector<16xf32>,
        %add3A_763 = arith.constant 14 : i32
        %add3A_764 = arith.addi %mul3A_287, %add3A_763 : i32
        %get3A_765 = arith.index_cast %add3A_764 : i32 to index
        %get3A_766 = arith.constant 0 : index
        %get3A_767 = tpu.vector_load %arg8[%get3A_765, %get3A_766] {strides = array<i32>} : memref<416x16xi32, #tpu.memory_space<vmem>>, vector<16xi32>,
        %add3A_768 = arith.addi %get3A_767, %iota3A : vector<16xi32>
        %add3A_769 = arith.constant 0 : i32
        %add3A_770 = vector.broadcast %add3A_769 : i32 to vector<16xi32>
        %add3A_771 = arith.addi %add3A_768, %add3A_770 : vector<16xi32>
        %gather3A_772 = tpu.vector_load_idx %arg10[%sub3A, %add3A_771] : memref<834x50xf32, #tpu.memory_space<vmem>>[vector<16xi32>, vector<16xi32>], vector<16xf32>,
        %swap3A_773 = arith.index_cast %scan3A_280 : i32 to index
        %swap3A_774 = arith.constant 713 : index
        %swap3A_775 = tpu.vector_load %arg11[%swap3A_773, %swap3A_774] {strides = array<i32>} : memref<16x1328xf32, #tpu.memory_space<vmem>>, vector<16xf32>,
        tpu.vector_store %arg11[%swap3A_773, %swap3A_774], %gather3A_772 {strides = array<i32>} : memref<16x1328xf32, #tpu.memory_space<vmem>>, vector<16xf32>,
        %add3A_776 = arith.constant 16 : i32
        %add3A_777 = vector.broadcast %add3A_776 : i32 to vector<16xi32>
        %add3A_778 = arith.addi %add3A_768, %add3A_777 : vector<16xi32>
        %gather3A_779 = tpu.vector_load_idx %arg10[%sub3A, %add3A_778] : memref<834x50xf32, #tpu.memory_space<vmem>>[vector<16xi32>, vector<16xi32>], vector<16xf32>,
        %swap3A_780 = arith.index_cast %scan3A_280 : i32 to index
        %swap3A_781 = arith.constant 729 : index
        %swap3A_782 = tpu.vector_load %arg11[%swap3A_780, %swap3A_781] {strides = array<i32>} : memref<16x1328xf32, #tpu.memory_space<vmem>>, vector<16xf32>,
        tpu.vector_store %arg11[%swap3A_780, %swap3A_781], %gather3A_779 {strides = array<i32>} : memref<16x1328xf32, #tpu.memory_space<vmem>>, vector<16xf32>,
        %add3A_783 = arith.constant 32 : i32
        %add3A_784 = vector.broadcast %add3A_783 : i32 to vector<16xi32>
        %add3A_785 = arith.addi %add3A_768, %add3A_784 : vector<16xi32>
        %gather3A_786 = tpu.vector_load_idx %arg10[%sub3A, %add3A_785] : memref<834x50xf32, #tpu.memory_space<vmem>>[vector<16xi32>, vector<16xi32>], vector<16xf32>,
        %swap3A_787 = arith.index_cast %scan3A_280 : i32 to index
        %swap3A_788 = arith.constant 745 : index
        %swap3A_789 = tpu.vector_load %arg11[%swap3A_787, %swap3A_788] {strides = array<i32>} : memref<16x1328xf32, #tpu.memory_space<vmem>>, vector<16xf32>,
        tpu.vector_store %arg11[%swap3A_787, %swap3A_788], %gather3A_786 {strides = array<i32>} : memref<16x1328xf32, #tpu.memory_space<vmem>>, vector<16xf32>,
        %add3A_790 = arith.constant 48 : i32
        %add3A_791 = vector.broadcast %add3A_790 : i32 to vector<16xi32>
        %add3A_792 = arith.addi %add3A_768, %add3A_791 : vector<16xi32>
        %gather3A_793 = tpu.vector_load_idx %arg10[%sub3A, %add3A_792] : memref<834x50xf32, #tpu.memory_space<vmem>>[vector<16xi32>, vector<16xi32>], vector<16xf32>,
        %swap3A_794 = arith.index_cast %scan3A_280 : i32 to index
        %swap3A_795 = arith.constant 761 : index
        %swap3A_796 = tpu.vector_load %arg11[%swap3A_794, %swap3A_795] {strides = array<i32>} : memref<16x1328xf32, #tpu.memory_space<vmem>>, vector<16xf32>,
        tpu.vector_store %arg11[%swap3A_794, %swap3A_795], %gather3A_793 {strides = array<i32>} : memref<16x1328xf32, #tpu.memory_space<vmem>>, vector<16xf32>,
        %add3A_797 = arith.constant 15 : i32
        %add3A_798 = arith.addi %mul3A_287, %add3A_797 : i32
        %get3A_799 = arith.index_cast %add3A_798 : i32 to index
        %get3A_800 = arith.constant 0 : index
        %get3A_801 = tpu.vector_load %arg8[%get3A_799, %get3A_800] {strides = array<i32>} : memref<416x16xi32, #tpu.memory_space<vmem>>, vector<16xi32>,
        %add3A_802 = arith.addi %get3A_801, %iota3A : vector<16xi32>
        %add3A_803 = arith.constant 0 : i32
        %add3A_804 = vector.broadcast %add3A_803 : i32 to vector<16xi32>
        %add3A_805 = arith.addi %add3A_802, %add3A_804 : vector<16xi32>
        %gather3A_806 = tpu.vector_load_idx %arg10[%sub3A, %add3A_805] : memref<834x50xf32, #tpu.memory_space<vmem>>[vector<16xi32>, vector<16xi32>], vector<16xf32>,
        %swap3A_807 = arith.index_cast %scan3A_280 : i32 to index
        %swap3A_808 = arith.constant 763 : index
        %swap3A_809 = tpu.vector_load %arg11[%swap3A_807, %swap3A_808] {strides = array<i32>} : memref<16x1328xf32, #tpu.memory_space<vmem>>, vector<16xf32>,
        tpu.vector_store %arg11[%swap3A_807, %swap3A_808], %gather3A_806 {strides = array<i32>} : memref<16x1328xf32, #tpu.memory_space<vmem>>, vector<16xf32>,
        %add3A_810 = arith.constant 16 : i32
        %add3A_811 = vector.broadcast %add3A_810 : i32 to vector<16xi32>
        %add3A_812 = arith.addi %add3A_802, %add3A_811 : vector<16xi32>
        %gather3A_813 = tpu.vector_load_idx %arg10[%sub3A, %add3A_812] : memref<834x50xf32, #tpu.memory_space<vmem>>[vector<16xi32>, vector<16xi32>], vector<16xf32>,
        %swap3A_814 = arith.index_cast %scan3A_280 : i32 to index
        %swap3A_815 = arith.constant 779 : index
        %swap3A_816 = tpu.vector_load %arg11[%swap3A_814, %swap3A_815] {strides = array<i32>} : memref<16x1328xf32, #tpu.memory_space<vmem>>, vector<16xf32>,
        tpu.vector_store %arg11[%swap3A_814, %swap3A_815], %gather3A_813 {strides = array<i32>} : memref<16x1328xf32, #tpu.memory_space<vmem>>, vector<16xf32>,
        %add3A_817 = arith.constant 32 : i32
        %add3A_818 = vector.broadcast %add3A_817 : i32 to vector<16xi32>
        %add3A_819 = arith.addi %add3A_802, %add3A_818 : vector<16xi32>
        %gather3A_820 = tpu.vector_load_idx %arg10[%sub3A, %add3A_819] : memref<834x50xf32, #tpu.memory_space<vmem>>[vector<16xi32>, vector<16xi32>], vector<16xf32>,
        %swap3A_821 = arith.index_cast %scan3A_280 : i32 to index
        %swap3A_822 = arith.constant 795 : index
        %swap3A_823 = tpu.vector_load %arg11[%swap3A_821, %swap3A_822] {strides = array<i32>} : memref<16x1328xf32, #tpu.memory_space<vmem>>, vector<16xf32>,
        tpu.vector_store %arg11[%swap3A_821, %swap3A_822], %gather3A_820 {strides = array<i32>} : memref<16x1328xf32, #tpu.memory_space<vmem>>, vector<16xf32>,
        %add3A_824 = arith.constant 48 : i32
        %add3A_825 = vector.broadcast %add3A_824 : i32 to vector<16xi32>
        %add3A_826 = arith.addi %add3A_802, %add3A_825 : vector<16xi32>
        %gather3A_827 = tpu.vector_load_idx %arg10[%sub3A, %add3A_826] : memref<834x50xf32, #tpu.memory_space<vmem>>[vector<16xi32>, vector<16xi32>], vector<16xf32>,
        %swap3A_828 = arith.index_cast %scan3A_280 : i32 to index
        %swap3A_829 = arith.constant 811 : index
        %swap3A_830 = tpu.vector_load %arg11[%swap3A_828, %swap3A_829] {strides = array<i32>} : memref<16x1328xf32, #tpu.memory_space<vmem>>, vector<16xf32>,
        tpu.vector_store %arg11[%swap3A_828, %swap3A_829], %gather3A_827 {strides = array<i32>} : memref<16x1328xf32, #tpu.memory_space<vmem>>, vector<16xf32>,
        %add3A_831 = arith.constant 16 : i32
        %add3A_832 = arith.addi %mul3A_287, %add3A_831 : i32
        %get3A_833 = arith.index_cast %add3A_832 : i32 to index
        %get3A_834 = arith.constant 0 : index
        %get3A_835 = tpu.vector_load %arg8[%get3A_833, %get3A_834] {strides = array<i32>} : memref<416x16xi32, #tpu.memory_space<vmem>>, vector<16xi32>,
        %add3A_836 = arith.addi %get3A_835, %iota3A : vector<16xi32>
        %add3A_837 = arith.constant 0 : i32
        %add3A_838 = vector.broadcast %add3A_837 : i32 to vector<16xi32>
        %add3A_839 = arith.addi %add3A_836, %add3A_838 : vector<16xi32>
        %gather3A_840 = tpu.vector_load_idx %arg10[%sub3A, %add3A_839] : memref<834x50xf32, #tpu.memory_space<vmem>>[vector<16xi32>, vector<16xi32>], vector<16xf32>,
        %swap3A_841 = arith.index_cast %scan3A_280 : i32 to index
        %swap3A_842 = arith.constant 813 : index
        %swap3A_843 = tpu.vector_load %arg11[%swap3A_841, %swap3A_842] {strides = array<i32>} : memref<16x1328xf32, #tpu.memory_space<vmem>>, vector<16xf32>,
        tpu.vector_store %arg11[%swap3A_841, %swap3A_842], %gather3A_840 {strides = array<i32>} : memref<16x1328xf32, #tpu.memory_space<vmem>>, vector<16xf32>,
        %add3A_844 = arith.constant 16 : i32
        %add3A_845 = vector.broadcast %add3A_844 : i32 to vector<16xi32>
        %add3A_846 = arith.addi %add3A_836, %add3A_845 : vector<16xi32>
        %gather3A_847 = tpu.vector_load_idx %arg10[%sub3A, %add3A_846] : memref<834x50xf32, #tpu.memory_space<vmem>>[vector<16xi32>, vector<16xi32>], vector<16xf32>,
        %swap3A_848 = arith.index_cast %scan3A_280 : i32 to index
        %swap3A_849 = arith.constant 829 : index
        %swap3A_850 = tpu.vector_load %arg11[%swap3A_848, %swap3A_849] {strides = array<i32>} : memref<16x1328xf32, #tpu.memory_space<vmem>>, vector<16xf32>,
        tpu.vector_store %arg11[%swap3A_848, %swap3A_849], %gather3A_847 {strides = array<i32>} : memref<16x1328xf32, #tpu.memory_space<vmem>>, vector<16xf32>,
        %add3A_851 = arith.constant 32 : i32
        %add3A_852 = vector.broadcast %add3A_851 : i32 to vector<16xi32>
        %add3A_853 = arith.addi %add3A_836, %add3A_852 : vector<16xi32>
        %gather3A_854 = tpu.vector_load_idx %arg10[%sub3A, %add3A_853] : memref<834x50xf32, #tpu.memory_space<vmem>>[vector<16xi32>, vector<16xi32>], vector<16xf32>,
        %swap3A_855 = arith.index_cast %scan3A_280 : i32 to index
        %swap3A_856 = arith.constant 845 : index
        %swap3A_857 = tpu.vector_load %arg11[%swap3A_855, %swap3A_856] {strides = array<i32>} : memref<16x1328xf32, #tpu.memory_space<vmem>>, vector<16xf32>,
        tpu.vector_store %arg11[%swap3A_855, %swap3A_856], %gather3A_854 {strides = array<i32>} : memref<16x1328xf32, #tpu.memory_space<vmem>>, vector<16xf32>,
        %add3A_858 = arith.constant 48 : i32
        %add3A_859 = vector.broadcast %add3A_858 : i32 to vector<16xi32>
        %add3A_860 = arith.addi %add3A_836, %add3A_859 : vector<16xi32>
        %gather3A_861 = tpu.vector_load_idx %arg10[%sub3A, %add3A_860] : memref<834x50xf32, #tpu.memory_space<vmem>>[vector<16xi32>, vector<16xi32>], vector<16xf32>,
        %swap3A_862 = arith.index_cast %scan3A_280 : i32 to index
        %swap3A_863 = arith.constant 861 : index
        %swap3A_864 = tpu.vector_load %arg11[%swap3A_862, %swap3A_863] {strides = array<i32>} : memref<16x1328xf32, #tpu.memory_space<vmem>>, vector<16xf32>,
        tpu.vector_store %arg11[%swap3A_862, %swap3A_863], %gather3A_861 {strides = array<i32>} : memref<16x1328xf32, #tpu.memory_space<vmem>>, vector<16xf32>,
        %add3A_865 = arith.constant 17 : i32
        %add3A_866 = arith.addi %mul3A_287, %add3A_865 : i32
        %get3A_867 = arith.index_cast %add3A_866 : i32 to index
        %get3A_868 = arith.constant 0 : index
        %get3A_869 = tpu.vector_load %arg8[%get3A_867, %get3A_868] {strides = array<i32>} : memref<416x16xi32, #tpu.memory_space<vmem>>, vector<16xi32>,
        %add3A_870 = arith.addi %get3A_869, %iota3A : vector<16xi32>
        %add3A_871 = arith.constant 0 : i32
        %add3A_872 = vector.broadcast %add3A_871 : i32 to vector<16xi32>
        %add3A_873 = arith.addi %add3A_870, %add3A_872 : vector<16xi32>
        %gather3A_874 = tpu.vector_load_idx %arg10[%sub3A, %add3A_873] : memref<834x50xf32, #tpu.memory_space<vmem>>[vector<16xi32>, vector<16xi32>], vector<16xf32>,
        %swap3A_875 = arith.index_cast %scan3A_280 : i32 to index
        %swap3A_876 = arith.constant 863 : index
        %swap3A_877 = tpu.vector_load %arg11[%swap3A_875, %swap3A_876] {strides = array<i32>} : memref<16x1328xf32, #tpu.memory_space<vmem>>, vector<16xf32>,
        tpu.vector_store %arg11[%swap3A_875, %swap3A_876], %gather3A_874 {strides = array<i32>} : memref<16x1328xf32, #tpu.memory_space<vmem>>, vector<16xf32>,
        %add3A_878 = arith.constant 16 : i32
        %add3A_879 = vector.broadcast %add3A_878 : i32 to vector<16xi32>
        %add3A_880 = arith.addi %add3A_870, %add3A_879 : vector<16xi32>
        %gather3A_881 = tpu.vector_load_idx %arg10[%sub3A, %add3A_880] : memref<834x50xf32, #tpu.memory_space<vmem>>[vector<16xi32>, vector<16xi32>], vector<16xf32>,
        %swap3A_882 = arith.index_cast %scan3A_280 : i32 to index
        %swap3A_883 = arith.constant 879 : index
        %swap3A_884 = tpu.vector_load %arg11[%swap3A_882, %swap3A_883] {strides = array<i32>} : memref<16x1328xf32, #tpu.memory_space<vmem>>, vector<16xf32>,
        tpu.vector_store %arg11[%swap3A_882, %swap3A_883], %gather3A_881 {strides = array<i32>} : memref<16x1328xf32, #tpu.memory_space<vmem>>, vector<16xf32>,
        %add3A_885 = arith.constant 32 : i32
        %add3A_886 = vector.broadcast %add3A_885 : i32 to vector<16xi32>
        %add3A_887 = arith.addi %add3A_870, %add3A_886 : vector<16xi32>
        %gather3A_888 = tpu.vector_load_idx %arg10[%sub3A, %add3A_887] : memref<834x50xf32, #tpu.memory_space<vmem>>[vector<16xi32>, vector<16xi32>], vector<16xf32>,
        %swap3A_889 = arith.index_cast %scan3A_280 : i32 to index
        %swap3A_890 = arith.constant 895 : index
        %swap3A_891 = tpu.vector_load %arg11[%swap3A_889, %swap3A_890] {strides = array<i32>} : memref<16x1328xf32, #tpu.memory_space<vmem>>, vector<16xf32>,
        tpu.vector_store %arg11[%swap3A_889, %swap3A_890], %gather3A_888 {strides = array<i32>} : memref<16x1328xf32, #tpu.memory_space<vmem>>, vector<16xf32>,
        %add3A_892 = arith.constant 48 : i32
        %add3A_893 = vector.broadcast %add3A_892 : i32 to vector<16xi32>
        %add3A_894 = arith.addi %add3A_870, %add3A_893 : vector<16xi32>
        %gather3A_895 = tpu.vector_load_idx %arg10[%sub3A, %add3A_894] : memref<834x50xf32, #tpu.memory_space<vmem>>[vector<16xi32>, vector<16xi32>], vector<16xf32>,
        %swap3A_896 = arith.index_cast %scan3A_280 : i32 to index
        %swap3A_897 = arith.constant 911 : index
        %swap3A_898 = tpu.vector_load %arg11[%swap3A_896, %swap3A_897] {strides = array<i32>} : memref<16x1328xf32, #tpu.memory_space<vmem>>, vector<16xf32>,
        tpu.vector_store %arg11[%swap3A_896, %swap3A_897], %gather3A_895 {strides = array<i32>} : memref<16x1328xf32, #tpu.memory_space<vmem>>, vector<16xf32>,
        %add3A_899 = arith.constant 18 : i32
        %add3A_900 = arith.addi %mul3A_287, %add3A_899 : i32
        %get3A_901 = arith.index_cast %add3A_900 : i32 to index
        %get3A_902 = arith.constant 0 : index
        %get3A_903 = tpu.vector_load %arg8[%get3A_901, %get3A_902] {strides = array<i32>} : memref<416x16xi32, #tpu.memory_space<vmem>>, vector<16xi32>,
        %add3A_904 = arith.addi %get3A_903, %iota3A : vector<16xi32>
        %add3A_905 = arith.constant 0 : i32
        %add3A_906 = vector.broadcast %add3A_905 : i32 to vector<16xi32>
        %add3A_907 = arith.addi %add3A_904, %add3A_906 : vector<16xi32>
        %gather3A_908 = tpu.vector_load_idx %arg10[%sub3A, %add3A_907] : memref<834x50xf32, #tpu.memory_space<vmem>>[vector<16xi32>, vector<16xi32>], vector<16xf32>,
        %swap3A_909 = arith.index_cast %scan3A_280 : i32 to index
        %swap3A_910 = arith.constant 913 : index
        %swap3A_911 = tpu.vector_load %arg11[%swap3A_909, %swap3A_910] {strides = array<i32>} : memref<16x1328xf32, #tpu.memory_space<vmem>>, vector<16xf32>,
        tpu.vector_store %arg11[%swap3A_909, %swap3A_910], %gather3A_908 {strides = array<i32>} : memref<16x1328xf32, #tpu.memory_space<vmem>>, vector<16xf32>,
        %add3A_912 = arith.constant 16 : i32
        %add3A_913 = vector.broadcast %add3A_912 : i32 to vector<16xi32>
        %add3A_914 = arith.addi %add3A_904, %add3A_913 : vector<16xi32>
        %gather3A_915 = tpu.vector_load_idx %arg10[%sub3A, %add3A_914] : memref<834x50xf32, #tpu.memory_space<vmem>>[vector<16xi32>, vector<16xi32>], vector<16xf32>,
        %swap3A_916 = arith.index_cast %scan3A_280 : i32 to index
        %swap3A_917 = arith.constant 929 : index
        %swap3A_918 = tpu.vector_load %arg11[%swap3A_916, %swap3A_917] {strides = array<i32>} : memref<16x1328xf32, #tpu.memory_space<vmem>>, vector<16xf32>,
        tpu.vector_store %arg11[%swap3A_916, %swap3A_917], %gather3A_915 {strides = array<i32>} : memref<16x1328xf32, #tpu.memory_space<vmem>>, vector<16xf32>,
        %add3A_919 = arith.constant 32 : i32
        %add3A_920 = vector.broadcast %add3A_919 : i32 to vector<16xi32>
        %add3A_921 = arith.addi %add3A_904, %add3A_920 : vector<16xi32>
        %gather3A_922 = tpu.vector_load_idx %arg10[%sub3A, %add3A_921] : memref<834x50xf32, #tpu.memory_space<vmem>>[vector<16xi32>, vector<16xi32>], vector<16xf32>,
        %swap3A_923 = arith.index_cast %scan3A_280 : i32 to index
        %swap3A_924 = arith.constant 945 : index
        %swap3A_925 = tpu.vector_load %arg11[%swap3A_923, %swap3A_924] {strides = array<i32>} : memref<16x1328xf32, #tpu.memory_space<vmem>>, vector<16xf32>,
        tpu.vector_store %arg11[%swap3A_923, %swap3A_924], %gather3A_922 {strides = array<i32>} : memref<16x1328xf32, #tpu.memory_space<vmem>>, vector<16xf32>,
        %add3A_926 = arith.constant 48 : i32
        %add3A_927 = vector.broadcast %add3A_926 : i32 to vector<16xi32>
        %add3A_928 = arith.addi %add3A_904, %add3A_927 : vector<16xi32>
        %gather3A_929 = tpu.vector_load_idx %arg10[%sub3A, %add3A_928] : memref<834x50xf32, #tpu.memory_space<vmem>>[vector<16xi32>, vector<16xi32>], vector<16xf32>,
        %swap3A_930 = arith.index_cast %scan3A_280 : i32 to index
        %swap3A_931 = arith.constant 961 : index
        %swap3A_932 = tpu.vector_load %arg11[%swap3A_930, %swap3A_931] {strides = array<i32>} : memref<16x1328xf32, #tpu.memory_space<vmem>>, vector<16xf32>,
        tpu.vector_store %arg11[%swap3A_930, %swap3A_931], %gather3A_929 {strides = array<i32>} : memref<16x1328xf32, #tpu.memory_space<vmem>>, vector<16xf32>,
        %add3A_933 = arith.constant 19 : i32
        %add3A_934 = arith.addi %mul3A_287, %add3A_933 : i32
        %get3A_935 = arith.index_cast %add3A_934 : i32 to index
        %get3A_936 = arith.constant 0 : index
        %get3A_937 = tpu.vector_load %arg8[%get3A_935, %get3A_936] {strides = array<i32>} : memref<416x16xi32, #tpu.memory_space<vmem>>, vector<16xi32>,
        %add3A_938 = arith.addi %get3A_937, %iota3A : vector<16xi32>
        %add3A_939 = arith.constant 0 : i32
        %add3A_940 = vector.broadcast %add3A_939 : i32 to vector<16xi32>
        %add3A_941 = arith.addi %add3A_938, %add3A_940 : vector<16xi32>
        %gather3A_942 = tpu.vector_load_idx %arg10[%sub3A, %add3A_941] : memref<834x50xf32, #tpu.memory_space<vmem>>[vector<16xi32>, vector<16xi32>], vector<16xf32>,
        %swap3A_943 = arith.index_cast %scan3A_280 : i32 to index
        %swap3A_944 = arith.constant 963 : index
        %swap3A_945 = tpu.vector_load %arg11[%swap3A_943, %swap3A_944] {strides = array<i32>} : memref<16x1328xf32, #tpu.memory_space<vmem>>, vector<16xf32>,
        tpu.vector_store %arg11[%swap3A_943, %swap3A_944], %gather3A_942 {strides = array<i32>} : memref<16x1328xf32, #tpu.memory_space<vmem>>, vector<16xf32>,
        %add3A_946 = arith.constant 16 : i32
        %add3A_947 = vector.broadcast %add3A_946 : i32 to vector<16xi32>
        %add3A_948 = arith.addi %add3A_938, %add3A_947 : vector<16xi32>
        %gather3A_949 = tpu.vector_load_idx %arg10[%sub3A, %add3A_948] : memref<834x50xf32, #tpu.memory_space<vmem>>[vector<16xi32>, vector<16xi32>], vector<16xf32>,
        %swap3A_950 = arith.index_cast %scan3A_280 : i32 to index
        %swap3A_951 = arith.constant 979 : index
        %swap3A_952 = tpu.vector_load %arg11[%swap3A_950, %swap3A_951] {strides = array<i32>} : memref<16x1328xf32, #tpu.memory_space<vmem>>, vector<16xf32>,
        tpu.vector_store %arg11[%swap3A_950, %swap3A_951], %gather3A_949 {strides = array<i32>} : memref<16x1328xf32, #tpu.memory_space<vmem>>, vector<16xf32>,
        %add3A_953 = arith.constant 32 : i32
        %add3A_954 = vector.broadcast %add3A_953 : i32 to vector<16xi32>
        %add3A_955 = arith.addi %add3A_938, %add3A_954 : vector<16xi32>
        %gather3A_956 = tpu.vector_load_idx %arg10[%sub3A, %add3A_955] : memref<834x50xf32, #tpu.memory_space<vmem>>[vector<16xi32>, vector<16xi32>], vector<16xf32>,
        %swap3A_957 = arith.index_cast %scan3A_280 : i32 to index
        %swap3A_958 = arith.constant 995 : index
        %swap3A_959 = tpu.vector_load %arg11[%swap3A_957, %swap3A_958] {strides = array<i32>} : memref<16x1328xf32, #tpu.memory_space<vmem>>, vector<16xf32>,
        tpu.vector_store %arg11[%swap3A_957, %swap3A_958], %gather3A_956 {strides = array<i32>} : memref<16x1328xf32, #tpu.memory_space<vmem>>, vector<16xf32>,
        %add3A_960 = arith.constant 48 : i32
        %add3A_961 = vector.broadcast %add3A_960 : i32 to vector<16xi32>
        %add3A_962 = arith.addi %add3A_938, %add3A_961 : vector<16xi32>
        %gather3A_963 = tpu.vector_load_idx %arg10[%sub3A, %add3A_962] : memref<834x50xf32, #tpu.memory_space<vmem>>[vector<16xi32>, vector<16xi32>], vector<16xf32>,
        %swap3A_964 = arith.index_cast %scan3A_280 : i32 to index
        %swap3A_965 = arith.constant 1011 : index
        %swap3A_966 = tpu.vector_load %arg11[%swap3A_964, %swap3A_965] {strides = array<i32>} : memref<16x1328xf32, #tpu.memory_space<vmem>>, vector<16xf32>,
        tpu.vector_store %arg11[%swap3A_964, %swap3A_965], %gather3A_963 {strides = array<i32>} : memref<16x1328xf32, #tpu.memory_space<vmem>>, vector<16xf32>,
        %add3A_967 = arith.constant 20 : i32
        %add3A_968 = arith.addi %mul3A_287, %add3A_967 : i32
        %get3A_969 = arith.index_cast %add3A_968 : i32 to index
        %get3A_970 = arith.constant 0 : index
        %get3A_971 = tpu.vector_load %arg8[%get3A_969, %get3A_970] {strides = array<i32>} : memref<416x16xi32, #tpu.memory_space<vmem>>, vector<16xi32>,
        %add3A_972 = arith.addi %get3A_971, %iota3A : vector<16xi32>
        %add3A_973 = arith.constant 0 : i32
        %add3A_974 = vector.broadcast %add3A_973 : i32 to vector<16xi32>
        %add3A_975 = arith.addi %add3A_972, %add3A_974 : vector<16xi32>
        %gather3A_976 = tpu.vector_load_idx %arg10[%sub3A, %add3A_975] : memref<834x50xf32, #tpu.memory_space<vmem>>[vector<16xi32>, vector<16xi32>], vector<16xf32>,
        %swap3A_977 = arith.index_cast %scan3A_280 : i32 to index
        %swap3A_978 = arith.constant 1013 : index
        %swap3A_979 = tpu.vector_load %arg11[%swap3A_977, %swap3A_978] {strides = array<i32>} : memref<16x1328xf32, #tpu.memory_space<vmem>>, vector<16xf32>,
        tpu.vector_store %arg11[%swap3A_977, %swap3A_978], %gather3A_976 {strides = array<i32>} : memref<16x1328xf32, #tpu.memory_space<vmem>>, vector<16xf32>,
        %add3A_980 = arith.constant 16 : i32
        %add3A_981 = vector.broadcast %add3A_980 : i32 to vector<16xi32>
        %add3A_982 = arith.addi %add3A_972, %add3A_981 : vector<16xi32>
        %gather3A_983 = tpu.vector_load_idx %arg10[%sub3A, %add3A_982] : memref<834x50xf32, #tpu.memory_space<vmem>>[vector<16xi32>, vector<16xi32>], vector<16xf32>,
        %swap3A_984 = arith.index_cast %scan3A_280 : i32 to index
        %swap3A_985 = arith.constant 1029 : index
        %swap3A_986 = tpu.vector_load %arg11[%swap3A_984, %swap3A_985] {strides = array<i32>} : memref<16x1328xf32, #tpu.memory_space<vmem>>, vector<16xf32>,
        tpu.vector_store %arg11[%swap3A_984, %swap3A_985], %gather3A_983 {strides = array<i32>} : memref<16x1328xf32, #tpu.memory_space<vmem>>, vector<16xf32>,
        %add3A_987 = arith.constant 32 : i32
        %add3A_988 = vector.broadcast %add3A_987 : i32 to vector<16xi32>
        %add3A_989 = arith.addi %add3A_972, %add3A_988 : vector<16xi32>
        %gather3A_990 = tpu.vector_load_idx %arg10[%sub3A, %add3A_989] : memref<834x50xf32, #tpu.memory_space<vmem>>[vector<16xi32>, vector<16xi32>], vector<16xf32>,
        %swap3A_991 = arith.index_cast %scan3A_280 : i32 to index
        %swap3A_992 = arith.constant 1045 : index
        %swap3A_993 = tpu.vector_load %arg11[%swap3A_991, %swap3A_992] {strides = array<i32>} : memref<16x1328xf32, #tpu.memory_space<vmem>>, vector<16xf32>,
        tpu.vector_store %arg11[%swap3A_991, %swap3A_992], %gather3A_990 {strides = array<i32>} : memref<16x1328xf32, #tpu.memory_space<vmem>>, vector<16xf32>,
        %add3A_994 = arith.constant 48 : i32
        %add3A_995 = vector.broadcast %add3A_994 : i32 to vector<16xi32>
        %add3A_996 = arith.addi %add3A_972, %add3A_995 : vector<16xi32>
        %gather3A_997 = tpu.vector_load_idx %arg10[%sub3A, %add3A_996] : memref<834x50xf32, #tpu.memory_space<vmem>>[vector<16xi32>, vector<16xi32>], vector<16xf32>,
        %swap3A_998 = arith.index_cast %scan3A_280 : i32 to index
        %swap3A_999 = arith.constant 1061 : index
        %swap3A_1000 = tpu.vector_load %arg11[%swap3A_998, %swap3A_999] {strides = array<i32>} : memref<16x1328xf32, #tpu.memory_space<vmem>>, vector<16xf32>,
        tpu.vector_store %arg11[%swap3A_998, %swap3A_999], %gather3A_997 {strides = array<i32>} : memref<16x1328xf32, #tpu.memory_space<vmem>>, vector<16xf32>,
        %add3A_1001 = arith.constant 21 : i32
        %add3A_1002 = arith.addi %mul3A_287, %add3A_1001 : i32
        %get3A_1003 = arith.index_cast %add3A_1002 : i32 to index
        %get3A_1004 = arith.constant 0 : index
        %get3A_1005 = tpu.vector_load %arg8[%get3A_1003, %get3A_1004] {strides = array<i32>} : memref<416x16xi32, #tpu.memory_space<vmem>>, vector<16xi32>,
        %add3A_1006 = arith.addi %get3A_1005, %iota3A : vector<16xi32>
        %add3A_1007 = arith.constant 0 : i32
        %add3A_1008 = vector.broadcast %add3A_1007 : i32 to vector<16xi32>
        %add3A_1009 = arith.addi %add3A_1006, %add3A_1008 : vector<16xi32>
        %gather3A_1010 = tpu.vector_load_idx %arg10[%sub3A, %add3A_1009] : memref<834x50xf32, #tpu.memory_space<vmem>>[vector<16xi32>, vector<16xi32>], vector<16xf32>,
        %swap3A_1011 = arith.index_cast %scan3A_280 : i32 to index
        %swap3A_1012 = arith.constant 1063 : index
        %swap3A_1013 = tpu.vector_load %arg11[%swap3A_1011, %swap3A_1012] {strides = array<i32>} : memref<16x1328xf32, #tpu.memory_space<vmem>>, vector<16xf32>,
        tpu.vector_store %arg11[%swap3A_1011, %swap3A_1012], %gather3A_1010 {strides = array<i32>} : memref<16x1328xf32, #tpu.memory_space<vmem>>, vector<16xf32>,
        %add3A_1014 = arith.constant 16 : i32
        %add3A_1015 = vector.broadcast %add3A_1014 : i32 to vector<16xi32>
        %add3A_1016 = arith.addi %add3A_1006, %add3A_1015 : vector<16xi32>
        %gather3A_1017 = tpu.vector_load_idx %arg10[%sub3A, %add3A_1016] : memref<834x50xf32, #tpu.memory_space<vmem>>[vector<16xi32>, vector<16xi32>], vector<16xf32>,
        %swap3A_1018 = arith.index_cast %scan3A_280 : i32 to index
        %swap3A_1019 = arith.constant 1079 : index
        %swap3A_1020 = tpu.vector_load %arg11[%swap3A_1018, %swap3A_1019] {strides = array<i32>} : memref<16x1328xf32, #tpu.memory_space<vmem>>, vector<16xf32>,
        tpu.vector_store %arg11[%swap3A_1018, %swap3A_1019], %gather3A_1017 {strides = array<i32>} : memref<16x1328xf32, #tpu.memory_space<vmem>>, vector<16xf32>,
        %add3A_1021 = arith.constant 32 : i32
        %add3A_1022 = vector.broadcast %add3A_1021 : i32 to vector<16xi32>
        %add3A_1023 = arith.addi %add3A_1006, %add3A_1022 : vector<16xi32>
        %gather3A_1024 = tpu.vector_load_idx %arg10[%sub3A, %add3A_1023] : memref<834x50xf32, #tpu.memory_space<vmem>>[vector<16xi32>, vector<16xi32>], vector<16xf32>,
        %swap3A_1025 = arith.index_cast %scan3A_280 : i32 to index
        %swap3A_1026 = arith.constant 1095 : index
        %swap3A_1027 = tpu.vector_load %arg11[%swap3A_1025, %swap3A_1026] {strides = array<i32>} : memref<16x1328xf32, #tpu.memory_space<vmem>>, vector<16xf32>,
        tpu.vector_store %arg11[%swap3A_1025, %swap3A_1026], %gather3A_1024 {strides = array<i32>} : memref<16x1328xf32, #tpu.memory_space<vmem>>, vector<16xf32>,
        %add3A_1028 = arith.constant 48 : i32
        %add3A_1029 = vector.broadcast %add3A_1028 : i32 to vector<16xi32>
        %add3A_1030 = arith.addi %add3A_1006, %add3A_1029 : vector<16xi32>
        %gather3A_1031 = tpu.vector_load_idx %arg10[%sub3A, %add3A_1030] : memref<834x50xf32, #tpu.memory_space<vmem>>[vector<16xi32>, vector<16xi32>], vector<16xf32>,
        %swap3A_1032 = arith.index_cast %scan3A_280 : i32 to index
        %swap3A_1033 = arith.constant 1111 : index
        %swap3A_1034 = tpu.vector_load %arg11[%swap3A_1032, %swap3A_1033] {strides = array<i32>} : memref<16x1328xf32, #tpu.memory_space<vmem>>, vector<16xf32>,
        tpu.vector_store %arg11[%swap3A_1032, %swap3A_1033], %gather3A_1031 {strides = array<i32>} : memref<16x1328xf32, #tpu.memory_space<vmem>>, vector<16xf32>,
        %add3A_1035 = arith.constant 22 : i32
        %add3A_1036 = arith.addi %mul3A_287, %add3A_1035 : i32
        %get3A_1037 = arith.index_cast %add3A_1036 : i32 to index
        %get3A_1038 = arith.constant 0 : index
        %get3A_1039 = tpu.vector_load %arg8[%get3A_1037, %get3A_1038] {strides = array<i32>} : memref<416x16xi32, #tpu.memory_space<vmem>>, vector<16xi32>,
        %add3A_1040 = arith.addi %get3A_1039, %iota3A : vector<16xi32>
        %add3A_1041 = arith.constant 0 : i32
        %add3A_1042 = vector.broadcast %add3A_1041 : i32 to vector<16xi32>
        %add3A_1043 = arith.addi %add3A_1040, %add3A_1042 : vector<16xi32>
        %gather3A_1044 = tpu.vector_load_idx %arg10[%sub3A, %add3A_1043] : memref<834x50xf32, #tpu.memory_space<vmem>>[vector<16xi32>, vector<16xi32>], vector<16xf32>,
        %swap3A_1045 = arith.index_cast %scan3A_280 : i32 to index
        %swap3A_1046 = arith.constant 1113 : index
        %swap3A_1047 = tpu.vector_load %arg11[%swap3A_1045, %swap3A_1046] {strides = array<i32>} : memref<16x1328xf32, #tpu.memory_space<vmem>>, vector<16xf32>,
        tpu.vector_store %arg11[%swap3A_1045, %swap3A_1046], %gather3A_1044 {strides = array<i32>} : memref<16x1328xf32, #tpu.memory_space<vmem>>, vector<16xf32>,
        %add3A_1048 = arith.constant 16 : i32
        %add3A_1049 = vector.broadcast %add3A_1048 : i32 to vector<16xi32>
        %add3A_1050 = arith.addi %add3A_1040, %add3A_1049 : vector<16xi32>
        %gather3A_1051 = tpu.vector_load_idx %arg10[%sub3A, %add3A_1050] : memref<834x50xf32, #tpu.memory_space<vmem>>[vector<16xi32>, vector<16xi32>], vector<16xf32>,
        %swap3A_1052 = arith.index_cast %scan3A_280 : i32 to index
        %swap3A_1053 = arith.constant 1129 : index
        %swap3A_1054 = tpu.vector_load %arg11[%swap3A_1052, %swap3A_1053] {strides = array<i32>} : memref<16x1328xf32, #tpu.memory_space<vmem>>, vector<16xf32>,
        tpu.vector_store %arg11[%swap3A_1052, %swap3A_1053], %gather3A_1051 {strides = array<i32>} : memref<16x1328xf32, #tpu.memory_space<vmem>>, vector<16xf32>,
        %add3A_1055 = arith.constant 32 : i32
        %add3A_1056 = vector.broadcast %add3A_1055 : i32 to vector<16xi32>
        %add3A_1057 = arith.addi %add3A_1040, %add3A_1056 : vector<16xi32>
        %gather3A_1058 = tpu.vector_load_idx %arg10[%sub3A, %add3A_1057] : memref<834x50xf32, #tpu.memory_space<vmem>>[vector<16xi32>, vector<16xi32>], vector<16xf32>,
        %swap3A_1059 = arith.index_cast %scan3A_280 : i32 to index
        %swap3A_1060 = arith.constant 1145 : index
        %swap3A_1061 = tpu.vector_load %arg11[%swap3A_1059, %swap3A_1060] {strides = array<i32>} : memref<16x1328xf32, #tpu.memory_space<vmem>>, vector<16xf32>,
        tpu.vector_store %arg11[%swap3A_1059, %swap3A_1060], %gather3A_1058 {strides = array<i32>} : memref<16x1328xf32, #tpu.memory_space<vmem>>, vector<16xf32>,
        %add3A_1062 = arith.constant 48 : i32
        %add3A_1063 = vector.broadcast %add3A_1062 : i32 to vector<16xi32>
        %add3A_1064 = arith.addi %add3A_1040, %add3A_1063 : vector<16xi32>
        %gather3A_1065 = tpu.vector_load_idx %arg10[%sub3A, %add3A_1064] : memref<834x50xf32, #tpu.memory_space<vmem>>[vector<16xi32>, vector<16xi32>], vector<16xf32>,
        %swap3A_1066 = arith.index_cast %scan3A_280 : i32 to index
        %swap3A_1067 = arith.constant 1161 : index
        %swap3A_1068 = tpu.vector_load %arg11[%swap3A_1066, %swap3A_1067] {strides = array<i32>} : memref<16x1328xf32, #tpu.memory_space<vmem>>, vector<16xf32>,
        tpu.vector_store %arg11[%swap3A_1066, %swap3A_1067], %gather3A_1065 {strides = array<i32>} : memref<16x1328xf32, #tpu.memory_space<vmem>>, vector<16xf32>,
        %add3A_1069 = arith.constant 23 : i32
        %add3A_1070 = arith.addi %mul3A_287, %add3A_1069 : i32
        %get3A_1071 = arith.index_cast %add3A_1070 : i32 to index
        %get3A_1072 = arith.constant 0 : index
        %get3A_1073 = tpu.vector_load %arg8[%get3A_1071, %get3A_1072] {strides = array<i32>} : memref<416x16xi32, #tpu.memory_space<vmem>>, vector<16xi32>,
        %add3A_1074 = arith.addi %get3A_1073, %iota3A : vector<16xi32>
        %add3A_1075 = arith.constant 0 : i32
        %add3A_1076 = vector.broadcast %add3A_1075 : i32 to vector<16xi32>
        %add3A_1077 = arith.addi %add3A_1074, %add3A_1076 : vector<16xi32>
        %gather3A_1078 = tpu.vector_load_idx %arg10[%sub3A, %add3A_1077] : memref<834x50xf32, #tpu.memory_space<vmem>>[vector<16xi32>, vector<16xi32>], vector<16xf32>,
        %swap3A_1079 = arith.index_cast %scan3A_280 : i32 to index
        %swap3A_1080 = arith.constant 1163 : index
        %swap3A_1081 = tpu.vector_load %arg11[%swap3A_1079, %swap3A_1080] {strides = array<i32>} : memref<16x1328xf32, #tpu.memory_space<vmem>>, vector<16xf32>,
        tpu.vector_store %arg11[%swap3A_1079, %swap3A_1080], %gather3A_1078 {strides = array<i32>} : memref<16x1328xf32, #tpu.memory_space<vmem>>, vector<16xf32>,
        %add3A_1082 = arith.constant 16 : i32
        %add3A_1083 = vector.broadcast %add3A_1082 : i32 to vector<16xi32>
        %add3A_1084 = arith.addi %add3A_1074, %add3A_1083 : vector<16xi32>
        %gather3A_1085 = tpu.vector_load_idx %arg10[%sub3A, %add3A_1084] : memref<834x50xf32, #tpu.memory_space<vmem>>[vector<16xi32>, vector<16xi32>], vector<16xf32>,
        %swap3A_1086 = arith.index_cast %scan3A_280 : i32 to index
        %swap3A_1087 = arith.constant 1179 : index
        %swap3A_1088 = tpu.vector_load %arg11[%swap3A_1086, %swap3A_1087] {strides = array<i32>} : memref<16x1328xf32, #tpu.memory_space<vmem>>, vector<16xf32>,
        tpu.vector_store %arg11[%swap3A_1086, %swap3A_1087], %gather3A_1085 {strides = array<i32>} : memref<16x1328xf32, #tpu.memory_space<vmem>>, vector<16xf32>,
        %add3A_1089 = arith.constant 32 : i32
        %add3A_1090 = vector.broadcast %add3A_1089 : i32 to vector<16xi32>
        %add3A_1091 = arith.addi %add3A_1074, %add3A_1090 : vector<16xi32>
        %gather3A_1092 = tpu.vector_load_idx %arg10[%sub3A, %add3A_1091] : memref<834x50xf32, #tpu.memory_space<vmem>>[vector<16xi32>, vector<16xi32>], vector<16xf32>,
        %swap3A_1093 = arith.index_cast %scan3A_280 : i32 to index
        %swap3A_1094 = arith.constant 1195 : index
        %swap3A_1095 = tpu.vector_load %arg11[%swap3A_1093, %swap3A_1094] {strides = array<i32>} : memref<16x1328xf32, #tpu.memory_space<vmem>>, vector<16xf32>,
        tpu.vector_store %arg11[%swap3A_1093, %swap3A_1094], %gather3A_1092 {strides = array<i32>} : memref<16x1328xf32, #tpu.memory_space<vmem>>, vector<16xf32>,
        %add3A_1096 = arith.constant 48 : i32
        %add3A_1097 = vector.broadcast %add3A_1096 : i32 to vector<16xi32>
        %add3A_1098 = arith.addi %add3A_1074, %add3A_1097 : vector<16xi32>
        %gather3A_1099 = tpu.vector_load_idx %arg10[%sub3A, %add3A_1098] : memref<834x50xf32, #tpu.memory_space<vmem>>[vector<16xi32>, vector<16xi32>], vector<16xf32>,
        %swap3A_1100 = arith.index_cast %scan3A_280 : i32 to index
        %swap3A_1101 = arith.constant 1211 : index
        %swap3A_1102 = tpu.vector_load %arg11[%swap3A_1100, %swap3A_1101] {strides = array<i32>} : memref<16x1328xf32, #tpu.memory_space<vmem>>, vector<16xf32>,
        tpu.vector_store %arg11[%swap3A_1100, %swap3A_1101], %gather3A_1099 {strides = array<i32>} : memref<16x1328xf32, #tpu.memory_space<vmem>>, vector<16xf32>,
        %add3A_1103 = arith.constant 24 : i32
        %add3A_1104 = arith.addi %mul3A_287, %add3A_1103 : i32
        %get3A_1105 = arith.index_cast %add3A_1104 : i32 to index
        %get3A_1106 = arith.constant 0 : index
        %get3A_1107 = tpu.vector_load %arg8[%get3A_1105, %get3A_1106] {strides = array<i32>} : memref<416x16xi32, #tpu.memory_space<vmem>>, vector<16xi32>,
        %add3A_1108 = arith.addi %get3A_1107, %iota3A : vector<16xi32>
        %add3A_1109 = arith.constant 0 : i32
        %add3A_1110 = vector.broadcast %add3A_1109 : i32 to vector<16xi32>
        %add3A_1111 = arith.addi %add3A_1108, %add3A_1110 : vector<16xi32>
        %gather3A_1112 = tpu.vector_load_idx %arg10[%sub3A, %add3A_1111] : memref<834x50xf32, #tpu.memory_space<vmem>>[vector<16xi32>, vector<16xi32>], vector<16xf32>,
        %swap3A_1113 = arith.index_cast %scan3A_280 : i32 to index
        %swap3A_1114 = arith.constant 1213 : index
        %swap3A_1115 = tpu.vector_load %arg11[%swap3A_1113, %swap3A_1114] {strides = array<i32>} : memref<16x1328xf32, #tpu.memory_space<vmem>>, vector<16xf32>,
        tpu.vector_store %arg11[%swap3A_1113, %swap3A_1114], %gather3A_1112 {strides = array<i32>} : memref<16x1328xf32, #tpu.memory_space<vmem>>, vector<16xf32>,
        %add3A_1116 = arith.constant 16 : i32
        %add3A_1117 = vector.broadcast %add3A_1116 : i32 to vector<16xi32>
        %add3A_1118 = arith.addi %add3A_1108, %add3A_1117 : vector<16xi32>
        %gather3A_1119 = tpu.vector_load_idx %arg10[%sub3A, %add3A_1118] : memref<834x50xf32, #tpu.memory_space<vmem>>[vector<16xi32>, vector<16xi32>], vector<16xf32>,
        %swap3A_1120 = arith.index_cast %scan3A_280 : i32 to index
        %swap3A_1121 = arith.constant 1229 : index
        %swap3A_1122 = tpu.vector_load %arg11[%swap3A_1120, %swap3A_1121] {strides = array<i32>} : memref<16x1328xf32, #tpu.memory_space<vmem>>, vector<16xf32>,
        tpu.vector_store %arg11[%swap3A_1120, %swap3A_1121], %gather3A_1119 {strides = array<i32>} : memref<16x1328xf32, #tpu.memory_space<vmem>>, vector<16xf32>,
        %add3A_1123 = arith.constant 32 : i32
        %add3A_1124 = vector.broadcast %add3A_1123 : i32 to vector<16xi32>
        %add3A_1125 = arith.addi %add3A_1108, %add3A_1124 : vector<16xi32>
        %gather3A_1126 = tpu.vector_load_idx %arg10[%sub3A, %add3A_1125] : memref<834x50xf32, #tpu.memory_space<vmem>>[vector<16xi32>, vector<16xi32>], vector<16xf32>,
        %swap3A_1127 = arith.index_cast %scan3A_280 : i32 to index
        %swap3A_1128 = arith.constant 1245 : index
        %swap3A_1129 = tpu.vector_load %arg11[%swap3A_1127, %swap3A_1128] {strides = array<i32>} : memref<16x1328xf32, #tpu.memory_space<vmem>>, vector<16xf32>,
        tpu.vector_store %arg11[%swap3A_1127, %swap3A_1128], %gather3A_1126 {strides = array<i32>} : memref<16x1328xf32, #tpu.memory_space<vmem>>, vector<16xf32>,
        %add3A_1130 = arith.constant 48 : i32
        %add3A_1131 = vector.broadcast %add3A_1130 : i32 to vector<16xi32>
        %add3A_1132 = arith.addi %add3A_1108, %add3A_1131 : vector<16xi32>
        %gather3A_1133 = tpu.vector_load_idx %arg10[%sub3A, %add3A_1132] : memref<834x50xf32, #tpu.memory_space<vmem>>[vector<16xi32>, vector<16xi32>], vector<16xf32>,
        %swap3A_1134 = arith.index_cast %scan3A_280 : i32 to index
        %swap3A_1135 = arith.constant 1261 : index
        %swap3A_1136 = tpu.vector_load %arg11[%swap3A_1134, %swap3A_1135] {strides = array<i32>} : memref<16x1328xf32, #tpu.memory_space<vmem>>, vector<16xf32>,
        tpu.vector_store %arg11[%swap3A_1134, %swap3A_1135], %gather3A_1133 {strides = array<i32>} : memref<16x1328xf32, #tpu.memory_space<vmem>>, vector<16xf32>,
        %add3A_1137 = arith.constant 25 : i32
        %add3A_1138 = arith.addi %mul3A_287, %add3A_1137 : i32
        %get3A_1139 = arith.index_cast %add3A_1138 : i32 to index
        %get3A_1140 = arith.constant 0 : index
        %get3A_1141 = tpu.vector_load %arg8[%get3A_1139, %get3A_1140] {strides = array<i32>} : memref<416x16xi32, #tpu.memory_space<vmem>>, vector<16xi32>,
        %add3A_1142 = arith.addi %get3A_1141, %iota3A : vector<16xi32>
        %add3A_1143 = arith.constant 0 : i32
        %add3A_1144 = vector.broadcast %add3A_1143 : i32 to vector<16xi32>
        %add3A_1145 = arith.addi %add3A_1142, %add3A_1144 : vector<16xi32>
        %gather3A_1146 = tpu.vector_load_idx %arg10[%sub3A, %add3A_1145] : memref<834x50xf32, #tpu.memory_space<vmem>>[vector<16xi32>, vector<16xi32>], vector<16xf32>,
        %swap3A_1147 = arith.index_cast %scan3A_280 : i32 to index
        %swap3A_1148 = arith.constant 1263 : index
        %swap3A_1149 = tpu.vector_load %arg11[%swap3A_1147, %swap3A_1148] {strides = array<i32>} : memref<16x1328xf32, #tpu.memory_space<vmem>>, vector<16xf32>,
        tpu.vector_store %arg11[%swap3A_1147, %swap3A_1148], %gather3A_1146 {strides = array<i32>} : memref<16x1328xf32, #tpu.memory_space<vmem>>, vector<16xf32>,
        %add3A_1150 = arith.constant 16 : i32
        %add3A_1151 = vector.broadcast %add3A_1150 : i32 to vector<16xi32>
        %add3A_1152 = arith.addi %add3A_1142, %add3A_1151 : vector<16xi32>
        %gather3A_1153 = tpu.vector_load_idx %arg10[%sub3A, %add3A_1152] : memref<834x50xf32, #tpu.memory_space<vmem>>[vector<16xi32>, vector<16xi32>], vector<16xf32>,
        %swap3A_1154 = arith.index_cast %scan3A_280 : i32 to index
        %swap3A_1155 = arith.constant 1279 : index
        %swap3A_1156 = tpu.vector_load %arg11[%swap3A_1154, %swap3A_1155] {strides = array<i32>} : memref<16x1328xf32, #tpu.memory_space<vmem>>, vector<16xf32>,
        tpu.vector_store %arg11[%swap3A_1154, %swap3A_1155], %gather3A_1153 {strides = array<i32>} : memref<16x1328xf32, #tpu.memory_space<vmem>>, vector<16xf32>,
        %add3A_1157 = arith.constant 32 : i32
        %add3A_1158 = vector.broadcast %add3A_1157 : i32 to vector<16xi32>
        %add3A_1159 = arith.addi %add3A_1142, %add3A_1158 : vector<16xi32>
        %gather3A_1160 = tpu.vector_load_idx %arg10[%sub3A, %add3A_1159] : memref<834x50xf32, #tpu.memory_space<vmem>>[vector<16xi32>, vector<16xi32>], vector<16xf32>,
        %swap3A_1161 = arith.index_cast %scan3A_280 : i32 to index
        %swap3A_1162 = arith.constant 1295 : index
        %swap3A_1163 = tpu.vector_load %arg11[%swap3A_1161, %swap3A_1162] {strides = array<i32>} : memref<16x1328xf32, #tpu.memory_space<vmem>>, vector<16xf32>,
        tpu.vector_store %arg11[%swap3A_1161, %swap3A_1162], %gather3A_1160 {strides = array<i32>} : memref<16x1328xf32, #tpu.memory_space<vmem>>, vector<16xf32>,
        %add3A_1164 = arith.constant 48 : i32
        %add3A_1165 = vector.broadcast %add3A_1164 : i32 to vector<16xi32>
        %add3A_1166 = arith.addi %add3A_1142, %add3A_1165 : vector<16xi32>
        %gather3A_1167 = tpu.vector_load_idx %arg10[%sub3A, %add3A_1166] : memref<834x50xf32, #tpu.memory_space<vmem>>[vector<16xi32>, vector<16xi32>], vector<16xf32>,
        %swap3A_1168 = arith.index_cast %scan3A_280 : i32 to index
        %swap3A_1169 = arith.constant 1311 : index
        %swap3A_1170 = tpu.vector_load %arg11[%swap3A_1168, %swap3A_1169] {strides = array<i32>} : memref<16x1328xf32, #tpu.memory_space<vmem>>, vector<16xf32>,
        tpu.vector_store %arg11[%swap3A_1168, %swap3A_1169], %gather3A_1167 {strides = array<i32>} : memref<16x1328xf32, #tpu.memory_space<vmem>>, vector<16xf32>,
        %scan3A_1171 = arith.constant 0 : i32
        scf.yield %scan3A_1171 : i32
      }
      %scan3A_276 = arith.constant 16 : i32
      %mul3A_277 = arith.constant 16 : i32
      %mul3A_278 = arith.muli %add3A_11, %mul3A_277 : i32
      "tpu.region"() ({
        %run_scoped3A = tpu.sem_alloc : memref<!tpu.dma_semaphore, #tpu.memory_space<semaphore_mem>>
        %dma_start3A_280 = arith.constant 0 : i32
        %dma_start3A_281 = tpu.memref_slice %arg6[%mul3A_278, %dma_start3A_280] : memref<16384x1328xf32, #tpu.memory_space<hbm>> -> memref<16x1328xf32, #tpu.memory_space<hbm>>
        %dma_start3A_282 = arith.constant 0 : i32
        %dma_start3A_283 = tpu.memref_slice %arg6[%mul3A_278, %dma_start3A_282] : memref<16384x1328xf32, #tpu.memory_space<hbm>> -> memref<16x1328xf32, #tpu.memory_space<hbm>>
        tpu.enqueue_dma source(%arg11 : memref<16x1328xf32, #tpu.memory_space<vmem>>) target(%dma_start3A_283 : memref<16x1328xf32, #tpu.memory_space<hbm>>) target_semaphore(%run_scoped3A : memref<!tpu.dma_semaphore, #tpu.memory_space<semaphore_mem>>)
        %dma_wait3A_284 = arith.constant 0 : i32
        %dma_wait3A_285 = tpu.memref_slice %arg6[%mul3A_278, %dma_wait3A_284] : memref<16384x1328xf32, #tpu.memory_space<hbm>> -> memref<16x1328xf32, #tpu.memory_space<hbm>>
        %dma_wait3A_286 = arith.constant 0 : i32
        %dma_wait3A_287 = tpu.memref_slice %arg6[%mul3A_278, %dma_wait3A_286] : memref<16384x1328xf32, #tpu.memory_space<hbm>> -> memref<16x1328xf32, #tpu.memory_space<hbm>>
        tpu.wait_dma2 semaphore(%run_scoped3A : memref<!tpu.dma_semaphore, #tpu.memory_space<semaphore_mem>>) src(%arg11 : memref<16x1328xf32, #tpu.memory_space<vmem>>) dst(%dma_wait3A_287 : memref<16x1328xf32, #tpu.memory_space<hbm>>)
        tpu.yield
      }) : () -> ()
      %scan3A_279 = arith.constant 0 : i32
      scf.yield %scan3A_279 : i32
    }
    %scan3A_6 = arith.constant 32 : i32
    return
  }
}

</mosaic_0001>

<sc_bundles>
// kernel: kernel.3.cloned.1.call-start
scs
__scs_entry_jumppad:
0x0: {  	(pc) =	sbr.rel $0x88, $3  }
0x1: {  	(tag) =	ssettag $0x0;
	lr =	simm.s32 $0x1  }
0x2: {  	[smem:$0x3F9E] =	sst lr;
	_ =	strace $0xD0000000  }
0x3: {  	_ = 	snop  }
0x4: {  	_ = 	snop  }
0x5: {  	_ = 	snop  }
0x6: {  	_ = 	snop  }
0x7: {  	_ = 	snop  }
__scs_overlays_trampoline_lowered:
0x8: {  	[smem:$0x3FAD] =	sst s0  }
0x9: {  	[smem:$0x3FAE] =	sst s1  }
0xa: {  	[smem:$0x3FAF] =	sst s2  }
0xb: {  	[smem:$0x3FB0] =	sst s3  }
0xc: {  	[smem:$0x3FB1] =	sst s4  }
0xd: {  	[smem:$0x3FB2] =	sst s5  }
0xe: {  	[smem:$0x3FB3] =	sst s6  }
0xf: {  	[smem:$0x3FB4] =	sst s7  }
0x10: {  	[smem:$0x3FB5] =	sst s8  }
0x11: {  	[smem:$0x3FB6] =	sst s9;
	s0 =	simm.s32 @!p0 $0x0  }
0x12: {  	s1 =	sld [smem:$0x3F9C];
	s0 =	simm.s32 @p0 $0x1  }
0x13: {  	[smem:$0x3FB7] =	sst s0;
	s0 =	simm.s32 @!p1 $0x0  }
0x14: {  	s2 =	sld [smem:$0x3F9B];
	s0 =	simm.s32 @p1 $0x1  }
0x15: {  	[smem:$0x3FB8] =	sst s0;
	s0 =	simm.s32 @!p2 $0x0  }
0x16: {  	s3 =	sld [smem:$0x3FDB];
	s0 =	simm.s32 @p2 $0x1  }
0x17: {  	s4 =	simm.s32 $0x1BF5;
	[smem:$0x3FBA] =	sst s0  }
0x18: {  	s0 =	sld [smem:$0x3F9D];
	_ =	swait.ge [sflag:s4], $0x0  }
0x19: {  	s7 =	sld [smem:$0x3F9E]  }
0x1a: {  	s8 =	sadd.s32 $0xFFFFE003, lr  }
0x1b: {  	s9 =	sadd.s32 $0xFFFFFEF7, lr;
	s5 =	simm.s32 $0xFFFFFFFF;
	p2 =	slt.u32 s8, $0xFFFFF086  }
0x1c: {  	p1 =	slt.u32 s9, $0xF7A;
	s5 =	simm.s32 @!p2 $0x0  }
0x1d: {  	s5 =	simm.s32 @p1 $0x1;
	p0 =	seq.s32 s7, s2  }
0x1e: {  	s7 =	smul.u32 @!p0 $0xF7A, s2;
	p2 =	seq.s32 @!p0 s5, $0x0  }
0x1f: {  	s9 =	smul.u32 $0xF7A, s1;
	s8 =	simm.s32 @!p0 $0x1BF5;
	p2 =	por !p2, p0  }
0x20: {  	[sflag:s8] =	ssyncset.s32 @!p0 $0xFFFFF086;
	s6 =	sadd.s32 @!p0 s3, s7;
	s7 =	simm.s32 @!p0 $0x108  }
0x21: {  	s3 =	sadd.s32 s3, s9;
	s6 =	sadd.s32 @!p0 $0x88, s6;
	s7 =	simm.s32 @p2 $0x1082  }
0x22: {  	[simem:s7], [sflag:s8] =	dma.local @!p0 [hbm:s6], $0xF7A  }
0x23: {  	s9 =	sor.u32 $0xD0000000, s2;
	s6 =	simm.s32 $0x108;
	_ =	swait.ge @!p0 [sflag:s8], $0x0  }
0x24: {  	s3 =	sadd.s32 $0x88, s3;
	s6 =	simm.s32 @!p1 $0x1082;
	[sflag:s4] =	ssyncset.s32 $0xFFFFF086  }
0x25: {  	[simem:s6], [sflag:s4] =	dma.local [hbm:s3], $0xF7A  }
0x26: {  	[smem:$0x3F9E] =	sst s1;
	(tag) =	ssettag s2;
	_ =	strace s9  }
0x27: {  	s1 =	sld [smem:$0x3FAE]  }
0x28: {  	s2 =	sld [smem:$0x3FAF]  }
0x29: {  	s4 =	sld [smem:$0x3FB1]  }
0x2a: {  	p0 =	seq.s32 s5, $0x0;
	s5 =	sld [smem:$0x3FB2]  }
0x2b: {  	s6 =	sld [smem:$0x3FB3]  }
0x2c: {  	s7 =	sld [smem:$0x3FB4]  }
0x2d: {  	s3 =	simm.s32 $0x108;
	s8 =	sld [smem:$0x3FB5]  }
0x2e: {  	s3 =	simm.s32 @!p0 $0x1082;
	s9 =	sld [smem:$0x3FB6]  }
0x2f: {  	lr =	sadd.s32 s0, s3;
	s0 =	sld [smem:$0x3FAD]  }
0x30: {  	s3 =	sld [smem:$0x3FB0]  }
0x31: {  	[smem:$0x3FB9] =	sst s10  }
0x32: {  	s10 =	sld [smem:$0x3FB7];
	_ =	sdelay $0x3  }
0x33: {  	p0 =	seq.s32 s10, $0x1;
	s10 =	sld [smem:$0x3FB9];
	_ =	sdelay $0x3  }
0x34: {  	[smem:$0x3FB9] =	sst s10  }
0x35: {  	s10 =	sld [smem:$0x3FB8];
	_ =	sdelay $0x3  }
0x36: {  	p1 =	seq.s32 s10, $0x1;
	s10 =	sld [smem:$0x3FB9];
	_ =	sdelay $0x3  }
0x37: {  	[smem:$0x3FB9] =	sst s10  }
0x38: {  	s10 =	sld [smem:$0x3FBA]  }
0x39: {  	_ = 	snop;
	(pc) =	sbr.ind lr, $3  }
0x3a: {  	_ = 	snop  }
0x3b: {  	_ = 	snop  }
0x3c: {  	p2 =	seq.s32 s10, $0x1;
	s10 =	sld [smem:$0x3FB9]  }
0x3d: {  	_ =	shalt  }
0x3e: {  	_ =	shalt  }
0x3f: {  	_ =	shalt  }
0x40: {  	_ =	shalt  }
0x41: {  	_ =	shalt  }
0x42: {  	_ =	shalt  }
0x43: {  	_ =	shalt  }
0x44: {  	_ =	shalt  }
0x45: {  	_ =	shalt  }
0x46: {  	_ =	shalt  }
0x47: {  	_ =	shalt  }
0x48: {  	_ =	shalt  }
0x49: {  	_ =	shalt  }
0x4a: {  	_ =	shalt  }
0x4b: {  	_ =	shalt  }
0x4c: {  	_ =	shalt  }
0x4d: {  	_ =	shalt  }
0x4e: {  	_ =	shalt  }
0x4f: {  	_ =	shalt  }
0x50: {  	_ =	shalt  }
0x51: {  	_ =	shalt  }
0x52: {  	_ =	shalt  }
0x53: {  	_ =	shalt  }
0x54: {  	_ =	shalt  }
0x55: {  	_ =	shalt  }
0x56: {  	_ =	shalt  }
0x57: {  	_ =	shalt  }
0x58: {  	_ =	shalt  }
0x59: {  	_ =	shalt  }
0x5a: {  	_ =	shalt  }
0x5b: {  	_ =	shalt  }
0x5c: {  	_ =	shalt  }
0x5d: {  	_ =	shalt  }
0x5e: {  	_ =	shalt  }
0x5f: {  	_ =	shalt  }
0x60: {  	_ =	shalt  }
0x61: {  	_ =	shalt  }
0x62: {  	_ =	shalt  }
0x63: {  	_ =	shalt  }
0x64: {  	_ =	shalt  }
0x65: {  	_ =	shalt  }
0x66: {  	_ =	shalt  }
0x67: {  	_ =	shalt  }
0x68: {  	_ =	shalt  }
0x69: {  	_ =	shalt  }
0x6a: {  	_ =	shalt  }
0x6b: {  	_ =	shalt  }
0x6c: {  	_ =	shalt  }
0x6d: {  	_ =	shalt  }
0x6e: {  	_ =	shalt  }
0x6f: {  	_ =	shalt  }
0x70: {  	_ =	shalt  }
0x71: {  	_ =	shalt  }
0x72: {  	_ =	shalt  }
0x73: {  	_ =	shalt  }
0x74: {  	_ =	shalt  }
0x75: {  	_ =	shalt  }
0x76: {  	_ =	shalt  }
0x77: {  	_ =	shalt  }
0x78: {  	_ =	shalt  }
0x79: {  	_ =	shalt  }
0x7a: {  	_ =	shalt  }
0x7b: {  	_ =	shalt  }
0x7c: {  	_ =	shalt  }
0x7d: {  	_ =	shalt  }
0x7e: {  	_ =	shalt  }
0x7f: {  	_ =	shalt  }
0x80: {  	_ =	shalt  }
0x81: {  	_ =	shalt  }
0x82: {  	_ =	shalt  }
0x83: {  	_ =	shalt  }
0x84: {  	_ =	shalt  }
0x85: {  	_ =	shalt  }
0x86: {  	_ =	shalt  }
0x87: {  	_ =	shalt  }
.Lfunc_end0:
.L_simem_size_0:
called_computation.2_lowered:
.L_overlay_start_0:
0x88: {  	s2 =	sld [smem:$0x3FD9]  }
0x89: {  	s3 =	sld [smem:$0x3FFE];
	_ =	sdelay $0x1  }
0x8a: {  	s1 =	srdreg.scid  }
0x8b: {  	s0 =	sand.u32 $0x1, s1  }
0x8c: {  	s17 =	sshll.u32 s0, $0xA;
	s2 =	sadd.s32 s3, s2  }
0x8d: {  	s2 =	sadd.s32 s2, s17  }
0x8e: {  	[smem:$0x3FC5] =	sst s2  }
0x8f: {  	_ = 	snop  }
0x90: {  	s2 =	sld [smem:$0x3FD0];
	(tm) =	ssettm $0x1  }
0x91: {  	s18 =	sld [smem:$0x3FFB];
	_ =	sdelay $0x3  }
0x92: {  	_ =	strace s18  }
0x93: {  	s3 =	sld [smem:$0x3FFC];
	_ =	sdelay $0x3  }
0x94: {  	_ =	strace s3  }
0x95: {  	s3 =	sld [smem:$0x3FFD];
	_ =	sdelay $0x3  }
0x96: {  	_ =	strace s3  }
0x97: {  	_ =	strace $0x8FFFFFFF  }
0x98: {  	s19 =	sld [smem:$0x3FDB];
	_ =	sdelay $0x1  }
0x99: {  	s4 =	simm.s32 $_scs_section_size  }
0x9a: {  	s5 =	simm.s32 $_size__tile_overlayer_lowered;
	s6 =	simm.s32 $_tile_overlayer_lowered  }
0x9b: {  	s22 =	simm.s32 $0x1BFF;
	s21 =	sshll.u32 s6, $0x1;
	s3 =	sadd.s32 s4, s19  }
0x9c: {  	s7 =	simm.s32 $0x0;
	s20 =	sshll.u32 s5, $0x1;
	s5 =	sadd.s32 s21, s3  }
0x9d: {  	[timem:s7], [sflag:s22] =	dma.local [hbm:s5], s20  }
0x9e: {  	_ =	swait.ge [sflag:s22], s20  }
0x9f: {  	s4 =	ssub.s32 $0x0, s20;
	[sflag:s22] =	ssyncset.done $0x0  }
0xa0: {  	[sflag:s22] =	ssyncadd.s32 s4;
	_ =	sdelay $0x1  }
0xa1: {  	s23 =	simm.s32 $0x1B8B  }
0xa2: {  	_ =	swait.ge [sflag:s23], $0x1  }
0xa3: {  	[sflag:s23] =	ssyncset.done $0x0  }
0xa4: {  	s25 =	simm.s32 $0x1B8E;
	s24 =	sld [smem:$0x3FFE];
	[sflag:s23] =	ssyncadd.s32 $0xFFFFFFFF  }
0xa5: {  	s26 =	simm.s32 $execute0_lowered;
	[smem:$0x3FD2] =	sst s25  }
0xa6: {  	s5 =	sshll.u32 s26, $0x1;
	_ =	strace $0x80000049;
	[dreg:$0x1] =	wrdreg $0xFFFFFFFF  }
0xa7: {  	s28 =	simm.s32 $_size_execute0_lowered;
	s3 =	sadd.s32 s3, s5;
	[dreg:$0x0] =	wrdreg $0x0  }
0xa8: {  	s5 =	sshll.u32 s28, $0x1;
	[dreg:$0x2] =	wrdreg s3  }
0xa9: {  	[dreg:$0x3] =	wrdreg s5  }
0xaa: {  	[dreg:$0x4] =	wrdreg $0xC0  }
0xab: {  	_ =	task [dreg:s7], $0x5FFFF  }
0xac: {  	[dreg:$0x1] =	wrdreg $0xFFFFFFFF  }
0xad: {  	[dreg:$0x0] =	wrdreg $0x60  }
0xae: {  	[dreg:$0x2] =	wrdreg s24  }
0xaf: {  	[dreg:$0x3] =	wrdreg s2  }
0xb0: {  	[dreg:$0x4] =	wrdreg $0x9  }
0xb1: {  	_ =	task.clear_ibuf [dreg:s7], $0x5FFFF;
	_ =	strace $0x90000049  }
0xb2: {  	s29 =	simm.s32 $0x9;
	_ =	strace $0x8000004B  }
0xb3: {  	_ =	swait.ge [sflag:s29], $0x1  }
0xb4: {  	[sflag:s29] =	ssyncadd.s32 $0xFFFFFFFF  }
0xb5: {  	_ =	strace $0x9000004B  }
0xb6: {  	_ =	sfence  }
0xb7: {  	s30 =	sld [smem:$0x0];
	_ =	sdelay $0x2  }
0xb8: {  	s31 =	sshll.u32 s1, $0xD;
	s1 =	sshrl.u32 s1, $0x2  }
0xb9: {  	s3 =	sand.u32 $0x4000, s31;
	s1 =	sadd.s32 s1, s30  }
0xba: {  	s0 =	sor.u32 s3, s0;
	s1 =	sshll.u32 s1, $0x11  }
0xbb: {  	s0 =	sor.u32 s1, s0  }
0xbc: {  	s0 =	sadd.s32 $0x8F2B, s0  }
0xbd: {  	[sflag:s0] =	ssyncadd.remote.s32 $0x1  }
0xbe: {  	_ =	sfence.sel $0xFFFF  }
0xbf: {  	[dreg:$0x0] =	wrdreg $0xFFFFFFFF;
	(pc) =	sbr.abs _section_cstart, $3  }
0xc0: {  	[dreg:$0x1] =	wrdreg $0xFFFFFFFF  }
0xc1: {  	_ =	task.clear_ibuf [dreg:s7], $0x2FFFF;
	_ =	strace $0x9FFFFFFF  }
0xc2: {  	(tm) =	ssettm $0x7FFFFFFF  }
0xc3: {  	_ =	shalt  }
tec
execute0_lowered:
.L_overlay_start_1:
0x0: {  	(tag) =	ssettag $0x1  }
0x1: {  	s0 =	rddreg [dreg:$0x0]  }
0x2: {  	s1 =	simm.s32 $0x0;
	s24 =	srdreg.scid;
	s4 =	stileid.u32  }
0x3: {  	s10 =	simm.s32 $0x2;
	s13 =	simm.s32 $0x40;
	s14 =	simm.s32 $0x1E40  }
0x4: {  	s23 =	simm.s32 $0x6440;
	s28 =	simm.s32 $0x8040;
	s29 =	simm.s32 $0x200  }
0x5: {  	s30 =	simm.s32 $0x8E40;
	s31 =	simm.s32 $0x240;
	s9 =	simm.s32 $0xAA40  }
0x6: {  	s11 =	simm.s32 $0x300;
	s12 =	simm.s32 $0xC640;
	s15 =	simm.s32 $0x1  }
0x7: {  	s16 =	simm.s32 $0xD4B0;
	s18 =	simm.s32 $0x0;
	[smem:$0x7FF] =	sst s1  }
0x8: {  	s3 =	sadd.s32 $0x2FAE800, s0;
	s1 =	sand.u32 $0x1, s24;
	s5 =	sadd.s32 $0x27AE800, s0  }
0x9: {  	s6 =	sadd.s32 $0x2FC8800, s0;
	s7 =	sadd.s32 $0x27B6800, s0;
	s26 =	sshll.u32 s4, $0x6  }
0xa: {  	s24 =	simm.s32 $0x180;
	s4 =	simm.s32 $0x280;
	s2 =	ssub.s32 $0x2, s1  }
0xb: {  	_ =	strace $0x8000004A;
	s1 =	sshll.u32 s1, $0x5;
	s25 =	sshrl.u32 s2, $0x1  }
0xc: {  	s8 =	sor.u32 s1, s26;
	s26 =	simm.s32 $0x1C0;
	s0 =	ssub.s32 s2, s25  }
0xd: {  	v0 =	vlaneseq.u32;
	s1 =	simm.s32 $0x2C0;
	s25 =	simm.s32 $0x7240;
	s0 =	smax.u32 s0, $0x1  }
0xe: {  	v1 =	vor.u32 $0x10, v0;
	v2 =	vor.u32 $0x20, v0;
	v3 =	vor.u32 $0x30, v0;
	s2 =	simm.s32 $0xB840;
	[dreg:$0x3] =	wrdreg s0;
	s0 =	simm.s32 $0x9C40  }
.LBB2_1:
0xf: {  	[dreg:$0x4] =	wrdreg s18;
	s17 =	simm.s32 $0x0  }
.LBB2_2:
0x10: {  	s18 =	sadd.s32 s8, s17  }
0x11: {  	s19 =	smul.u32 $0x68, s18;
	_ =	sdelay $0x1  }
0x12: {  	s20 =	sadd.s32 s3, s19;
	s19 =	simm.s32 $0x0  }
0x13: {  	[tilespmem:s19], [sflag:$0x2] =	stream.linear.gather [hbm4b:s20+s19], $0x340, $0x38;
	[tilespmem:$0x127B0] =	vst v63  }
0x14: {  	_ =	swait.ge [sflag:s10], $0x340  }
0x15: {  	[sflag:s10] =	ssyncset.done $0x0  }
0x16: {  	s22 =	smul.u32 $0x340, s18;
	[sflag:s10] =	ssyncadd.s32 $0xFFFFFCC0  }
0x17: {  	s21 =	rddreg [dreg:$0x1]  }
0x18: {  	s20 =	sadd.s32 s21, s22;
	s22 =	simm.s32 $0x340  }
0x19: {  	[tilespmem:s22], [sflag:$0x2] =	stream.linear.gather [hbm4b:s20+s19], $0x1A00, $0x38;
	[tilespmem:$0x127B0] =	vst v63  }
0x1a: {  	_ =	swait.ge [sflag:s10], $0x1A00  }
0x1b: {  	s21 =	sshll.u32 s18, $0x5;
	[sflag:s10] =	ssyncset.done $0x0  }
0x1c: {  	s20 =	sadd.s32 s5, s21;
	s22 =	simm.s32 $0x1D40;
	[sflag:s10] =	ssyncadd.s32 $0xFFFFE600  }
0x1d: {  	[tilespmem:s22], [sflag:$0x2] =	stream.linear.gather [hbm4b:s20+s19], $0x100, $0x38;
	[tilespmem:$0x127B0] =	vst v63  }
0x1e: {  	_ =	swait.ge [sflag:s10], $0x100  }
0x1f: {  	[sflag:s10] =	ssyncset.done $0x0  }
0x20: {  	[sflag:s10] =	ssyncadd.s32 $0xFFFFFF00  }
0x21: {  	[tilespmem:s14], [sflag:$0x1] =	stream.indirect.gather [hbm4b:s6+s13], $0x32, s19, s13, $0xb8;
	[tilespmem:$0x127B0] =	vst v63  }
0x22: {  	s22 =	simm.s32 $0x2C40  }
0x23: {  	[tilespmem:s22], [sflag:$0x1] =	stream.indirect.gather [hbm4b:s6+s13], $0x32, s13, s13, $0xb8;
	[tilespmem:$0x127B0] =	vst v63  }
0x24: {  	s21 =	simm.s32 $0x80;
	s22 =	simm.s32 $0x3A40  }
0x25: {  	[tilespmem:s22], [sflag:$0x1] =	stream.indirect.gather [hbm4b:s6+s13], $0x32, s21, s13, $0xb8;
	[tilespmem:$0x127B0] =	vst v63  }
0x26: {  	s21 =	simm.s32 $0xC0;
	s22 =	simm.s32 $0x4840  }
0x27: {  	[tilespmem:s22], [sflag:$0x1] =	stream.indirect.gather [hbm4b:s6+s13], $0x32, s21, s13, $0xb8;
	[tilespmem:$0x127B0] =	vst v63  }
0x28: {  	s21 =	simm.s32 $0x100;
	s22 =	simm.s32 $0x5640  }
0x29: {  	[tilespmem:s22], [sflag:$0x1] =	stream.indirect.gather [hbm4b:s6+s13], $0x32, s21, s13, $0xb8;
	[tilespmem:$0x127B0] =	vst v63  }
0x2a: {  	s22 =	simm.s32 $0x140  }
0x2b: {  	[tilespmem:s23], [sflag:$0x1] =	stream.indirect.gather [hbm4b:s6+s13], $0x32, s22, s13, $0xb8;
	[tilespmem:$0x127B0] =	vst v63  }
0x2c: {  	_ = 	snop  }
0x2d: {  	[tilespmem:s25], [sflag:$0x1] =	stream.indirect.gather [hbm4b:s6+s13], $0x32, s24, s13, $0xb8;
	[tilespmem:$0x127B0] =	vst v63  }
0x2e: {  	_ = 	snop  }
0x2f: {  	[tilespmem:s28], [sflag:$0x1] =	stream.indirect.gather [hbm4b:s6+s13], $0x32, s26, s13, $0xb8;
	[tilespmem:$0x127B0] =	vst v63  }
0x30: {  	_ = 	snop  }
0x31: {  	[tilespmem:s30], [sflag:$0x1] =	stream.indirect.gather [hbm4b:s6+s13], $0x32, s29, s13, $0xb8;
	[tilespmem:$0x127B0] =	vst v63  }
0x32: {  	_ = 	snop  }
0x33: {  	[tilespmem:s0], [sflag:$0x1] =	stream.indirect.gather [hbm4b:s6+s13], $0x32, s31, s13, $0xb8;
	[tilespmem:$0x127B0] =	vst v63  }
0x34: {  	_ = 	snop  }
0x35: {  	[tilespmem:s9], [sflag:$0x1] =	stream.indirect.gather [hbm4b:s6+s13], $0x32, s4, s13, $0xb8;
	[tilespmem:$0x127B0] =	vst v63  }
0x36: {  	_ = 	snop  }
0x37: {  	[tilespmem:s2], [sflag:$0x1] =	stream.indirect.gather [hbm4b:s6+s13], $0x32, s1, s13, $0xb8;
	[tilespmem:$0x127B0] =	vst v63  }
0x38: {  	_ = 	snop  }
0x39: {  	[tilespmem:s12], [sflag:$0x1] =	stream.indirect.gather [hbm4b:s6+s13], $0x32, s11, s13, $0xb8;
	[tilespmem:$0x127B0] =	vst v63  }
0x3a: {  	_ =	swait.ge [sflag:s15], $0xC80  }
0x3b: {  	[sflag:s15] =	ssyncset.done $0x0  }
0x3c: {  	[sflag:s15] =	ssyncadd.s32 $0xFFFFF380  }
0x3d: {  	_ =	swait.ge [sflag:s15], $0xC80  }
0x3e: {  	[sflag:s15] =	ssyncset.done $0x0  }
0x3f: {  	[sflag:s15] =	ssyncadd.s32 $0xFFFFF380  }
0x40: {  	_ =	swait.ge [sflag:s15], $0xC80  }
0x41: {  	[sflag:s15] =	ssyncset.done $0x0  }
0x42: {  	[sflag:s15] =	ssyncadd.s32 $0xFFFFF380  }
0x43: {  	_ =	swait.ge [sflag:s15], $0xC80  }
0x44: {  	[sflag:s15] =	ssyncset.done $0x0  }
0x45: {  	[sflag:s15] =	ssyncadd.s32 $0xFFFFF380  }
0x46: {  	_ =	swait.ge [sflag:s15], $0xC80  }
0x47: {  	[sflag:s15] =	ssyncset.done $0x0  }
0x48: {  	[sflag:s15] =	ssyncadd.s32 $0xFFFFF380  }
0x49: {  	_ =	swait.ge [sflag:s15], $0xC80  }
0x4a: {  	[sflag:s15] =	ssyncset.done $0x0  }
0x4b: {  	[sflag:s15] =	ssyncadd.s32 $0xFFFFF380  }
0x4c: {  	_ =	swait.ge [sflag:s15], $0xC80  }
0x4d: {  	[sflag:s15] =	ssyncset.done $0x0  }
0x4e: {  	[sflag:s15] =	ssyncadd.s32 $0xFFFFF380  }
0x4f: {  	_ =	swait.ge [sflag:s15], $0xC80  }
0x50: {  	[sflag:s15] =	ssyncset.done $0x0  }
0x51: {  	[sflag:s15] =	ssyncadd.s32 $0xFFFFF380  }
0x52: {  	_ =	swait.ge [sflag:s15], $0xC80  }
0x53: {  	[sflag:s15] =	ssyncset.done $0x0  }
0x54: {  	[sflag:s15] =	ssyncadd.s32 $0xFFFFF380  }
0x55: {  	_ =	swait.ge [sflag:s15], $0xC80  }
0x56: {  	[sflag:s15] =	ssyncset.done $0x0  }
0x57: {  	[sflag:s15] =	ssyncadd.s32 $0xFFFFF380  }
0x58: {  	_ =	swait.ge [sflag:s15], $0xC80  }
0x59: {  	[sflag:s15] =	ssyncset.done $0x0  }
0x5a: {  	[sflag:s15] =	ssyncadd.s32 $0xFFFFF380  }
0x5b: {  	_ =	swait.ge [sflag:s15], $0xC80  }
0x5c: {  	[sflag:s15] =	ssyncset.done $0x0  }
0x5d: {  	[sflag:s15] =	ssyncadd.s32 $0xFFFFF380  }
0x5e: {  	_ =	swait.ge [sflag:s15], $0xC80  }
0x5f: {  	[sflag:s15] =	ssyncset.done $0x0  }
0x60: {  	s20 =	simm.s32 $0xD745;
	s21 =	simm.s32 $0x410;
	[sflag:s15] =	ssyncadd.s32 $0xFFFFF380  }
.LBB2_3:
0x61: {  	s22 =	sshra.s32 s19, $0x2  }
0x62: {  	v4 =	vld [tilespmem:s22+$0x1D40];
	_ =	sdelay $0x4  }
0x63: {  	[tilespmem:s20+$0xFFFFFD6B] =	vst v4  }
0x64: {  	v4 =	vld [tilespmem:s21+$0xFFFFFF30];
	_ =	sdelay $0x4  }
0x65: {  	v5 =	vadd.s32 v0, v4;
	_ =	sdelay $0x4  }
0x66: {  	v5 =	vld.idx.msk [tilespmem:v5+s14+$0x0], $0xffff  }
0x67: {  	v6 =	vadd.s32 v1, v4;
	_ =	sdelay $0x3  }
0x68: {  	[tilespmem:s20+$0xFFFFFD78] =	vst v5  }
0x69: {  	v5 =	vld.idx.msk [tilespmem:v6+s14+$0x0], $0xffff  }
0x6a: {  	v13 =	vadd.s32 v2, v4;
	_ =	sdelay $0x3  }
0x6b: {  	[tilespmem:s20+$0xFFFFFD88] =	vst v5  }
0x6c: {  	v5 =	vld.idx.msk [tilespmem:v13+s14+$0x0], $0xffff  }
0x6d: {  	v4 =	vadd.s32 v3, v4;
	_ =	sdelay $0x3  }
0x6e: {  	[tilespmem:s20+$0xFFFFFD98] =	vst v5  }
0x6f: {  	v4 =	vld.idx.msk [tilespmem:v4+s14+$0x0], $0xffff;
	_ =	sdelay $0x4  }
0x70: {  	[tilespmem:s20+$0xFFFFFDA8] =	vst v4  }
0x71: {  	v4 =	vld [tilespmem:s21+$0xFFFFFF40];
	_ =	sdelay $0x4  }
0x72: {  	v5 =	vadd.s32 v0, v4;
	_ =	sdelay $0x4  }
0x73: {  	v5 =	vld.idx.msk [tilespmem:v5+s14+$0x0], $0xffff  }
0x74: {  	v14 =	vadd.s32 v1, v4;
	_ =	sdelay $0x3  }
0x75: {  	[tilespmem:s20+$0xFFFFFDAA] =	vst v5  }
0x76: {  	v5 =	vld.idx.msk [tilespmem:v14+s14+$0x0], $0xffff  }
0x77: {  	v15 =	vadd.s32 v2, v4;
	_ =	sdelay $0x3  }
0x78: {  	[tilespmem:s20+$0xFFFFFDBA] =	vst v5  }
0x79: {  	v5 =	vld.idx.msk [tilespmem:v15+s14+$0x0], $0xffff  }
0x7a: {  	v4 =	vadd.s32 v3, v4;
	_ =	sdelay $0x3  }
0x7b: {  	[tilespmem:s20+$0xFFFFFDCA] =	vst v5  }
0x7c: {  	v4 =	vld.idx.msk [tilespmem:v4+s14+$0x0], $0xffff;
	_ =	sdelay $0x4  }
0x7d: {  	[tilespmem:s20+$0xFFFFFDDA] =	vst v4  }
0x7e: {  	v4 =	vld [tilespmem:s21+$0xFFFFFF50];
	_ =	sdelay $0x4  }
0x7f: {  	v5 =	vadd.s32 v0, v4;
	_ =	sdelay $0x4  }
0x80: {  	v5 =	vld.idx.msk [tilespmem:v5+s14+$0x0], $0xffff  }
0x81: {  	v16 =	vadd.s32 v1, v4;
	_ =	sdelay $0x3  }
0x82: {  	[tilespmem:s20+$0xFFFFFDDC] =	vst v5  }
0x83: {  	v5 =	vld.idx.msk [tilespmem:v16+s14+$0x0], $0xffff  }
0x84: {  	v17 =	vadd.s32 v2, v4;
	_ =	sdelay $0x3  }
0x85: {  	[tilespmem:s20+$0xFFFFFDEC] =	vst v5  }
0x86: {  	v5 =	vld.idx.msk [tilespmem:v17+s14+$0x0], $0xffff  }
0x87: {  	v4 =	vadd.s32 v3, v4;
	_ =	sdelay $0x3  }
0x88: {  	[tilespmem:s20+$0xFFFFFDFC] =	vst v5  }
0x89: {  	v4 =	vld.idx.msk [tilespmem:v4+s14+$0x0], $0xffff;
	_ =	sdelay $0x4  }
0x8a: {  	[tilespmem:s20+$0xFFFFFE0C] =	vst v4  }
0x8b: {  	v4 =	vld [tilespmem:s21+$0xFFFFFF60];
	_ =	sdelay $0x4  }
0x8c: {  	v5 =	vadd.s32 v0, v4;
	_ =	sdelay $0x4  }
0x8d: {  	v5 =	vld.idx.msk [tilespmem:v5+s14+$0x0], $0xffff  }
0x8e: {  	v18 =	vadd.s32 v1, v4;
	_ =	sdelay $0x3  }
0x8f: {  	[tilespmem:s20+$0xFFFFFE0E] =	vst v5  }
0x90: {  	v5 =	vld.idx.msk [tilespmem:v18+s14+$0x0], $0xffff  }
0x91: {  	v19 =	vadd.s32 v2, v4;
	_ =	sdelay $0x3  }
0x92: {  	[tilespmem:s20+$0xFFFFFE1E] =	vst v5  }
0x93: {  	v5 =	vld.idx.msk [tilespmem:v19+s14+$0x0], $0xffff  }
0x94: {  	v4 =	vadd.s32 v3, v4;
	_ =	sdelay $0x3  }
0x95: {  	[tilespmem:s20+$0xFFFFFE2E] =	vst v5  }
0x96: {  	v4 =	vld.idx.msk [tilespmem:v4+s14+$0x0], $0xffff;
	_ =	sdelay $0x4  }
0x97: {  	[tilespmem:s20+$0xFFFFFE3E] =	vst v4  }
0x98: {  	v4 =	vld [tilespmem:s21+$0xFFFFFF70];
	_ =	sdelay $0x4  }
0x99: {  	v5 =	vadd.s32 v0, v4;
	_ =	sdelay $0x4  }
0x9a: {  	v5 =	vld.idx.msk [tilespmem:v5+s14+$0x0], $0xffff  }
0x9b: {  	v20 =	vadd.s32 v1, v4;
	_ =	sdelay $0x3  }
0x9c: {  	[tilespmem:s20+$0xFFFFFE40] =	vst v5  }
0x9d: {  	v5 =	vld.idx.msk [tilespmem:v20+s14+$0x0], $0xffff  }
0x9e: {  	v21 =	vadd.s32 v2, v4;
	_ =	sdelay $0x3  }
0x9f: {  	[tilespmem:s20+$0xFFFFFE50] =	vst v5  }
0xa0: {  	v5 =	vld.idx.msk [tilespmem:v21+s14+$0x0], $0xffff  }
0xa1: {  	v4 =	vadd.s32 v3, v4;
	_ =	sdelay $0x3  }
0xa2: {  	[tilespmem:s20+$0xFFFFFE60] =	vst v5  }
0xa3: {  	v4 =	vld.idx.msk [tilespmem:v4+s14+$0x0], $0xffff;
	_ =	sdelay $0x4  }
0xa4: {  	[tilespmem:s20+$0xFFFFFE70] =	vst v4  }
0xa5: {  	v4 =	vld [tilespmem:s21+$0xFFFFFF80];
	_ =	sdelay $0x4  }
0xa6: {  	v5 =	vadd.s32 v0, v4;
	_ =	sdelay $0x4  }
0xa7: {  	v5 =	vld.idx.msk [tilespmem:v5+s14+$0x0], $0xffff  }
0xa8: {  	v22 =	vadd.s32 v1, v4;
	_ =	sdelay $0x3  }
0xa9: {  	[tilespmem:s20+$0xFFFFFE72] =	vst v5  }
0xaa: {  	v5 =	vld.idx.msk [tilespmem:v22+s14+$0x0], $0xffff  }
0xab: {  	v23 =	vadd.s32 v2, v4;
	_ =	sdelay $0x3  }
0xac: {  	[tilespmem:s20+$0xFFFFFE82] =	vst v5  }
0xad: {  	v5 =	vld.idx.msk [tilespmem:v23+s14+$0x0], $0xffff  }
0xae: {  	v4 =	vadd.s32 v3, v4;
	_ =	sdelay $0x3  }
0xaf: {  	[tilespmem:s20+$0xFFFFFE92] =	vst v5  }
0xb0: {  	v4 =	vld.idx.msk [tilespmem:v4+s14+$0x0], $0xffff;
	_ =	sdelay $0x4  }
0xb1: {  	[tilespmem:s20+$0xFFFFFEA2] =	vst v4  }
0xb2: {  	v4 =	vld [tilespmem:s21+$0xFFFFFF90];
	_ =	sdelay $0x4  }
0xb3: {  	v5 =	vadd.s32 v0, v4;
	_ =	sdelay $0x4  }
0xb4: {  	v5 =	vld.idx.msk [tilespmem:v5+s14+$0x0], $0xffff  }
0xb5: {  	v24 =	vadd.s32 v1, v4;
	_ =	sdelay $0x3  }
0xb6: {  	[tilespmem:s20+$0xFFFFFEA4] =	vst v5  }
0xb7: {  	v5 =	vld.idx.msk [tilespmem:v24+s14+$0x0], $0xffff  }
0xb8: {  	v25 =	vadd.s32 v2, v4;
	_ =	sdelay $0x3  }
0xb9: {  	[tilespmem:s20+$0xFFFFFEB4] =	vst v5  }
0xba: {  	v5 =	vld.idx.msk [tilespmem:v25+s14+$0x0], $0xffff  }
0xbb: {  	v4 =	vadd.s32 v3, v4;
	_ =	sdelay $0x3  }
0xbc: {  	[tilespmem:s20+$0xFFFFFEC4] =	vst v5  }
0xbd: {  	v4 =	vld.idx.msk [tilespmem:v4+s14+$0x0], $0xffff;
	_ =	sdelay $0x4  }
0xbe: {  	[tilespmem:s20+$0xFFFFFED4] =	vst v4  }
0xbf: {  	v4 =	vld [tilespmem:s21+$0xFFFFFFA0];
	_ =	sdelay $0x4  }
0xc0: {  	v5 =	vadd.s32 v0, v4;
	_ =	sdelay $0x4  }
0xc1: {  	v5 =	vld.idx.msk [tilespmem:v5+s14+$0x0], $0xffff  }
0xc2: {  	v26 =	vadd.s32 v1, v4;
	_ =	sdelay $0x3  }
0xc3: {  	[tilespmem:s20+$0xFFFFFED6] =	vst v5  }
0xc4: {  	v5 =	vld.idx.msk [tilespmem:v26+s14+$0x0], $0xffff  }
0xc5: {  	v27 =	vadd.s32 v2, v4;
	_ =	sdelay $0x3  }
0xc6: {  	[tilespmem:s20+$0xFFFFFEE6] =	vst v5  }
0xc7: {  	v5 =	vld.idx.msk [tilespmem:v27+s14+$0x0], $0xffff  }
0xc8: {  	v4 =	vadd.s32 v3, v4;
	_ =	sdelay $0x3  }
0xc9: {  	[tilespmem:s20+$0xFFFFFEF6] =	vst v5  }
0xca: {  	v4 =	vld.idx.msk [tilespmem:v4+s14+$0x0], $0xffff;
	_ =	sdelay $0x4  }
0xcb: {  	[tilespmem:s20+$0xFFFFFF06] =	vst v4  }
0xcc: {  	v4 =	vld [tilespmem:s21+$0xFFFFFFB0];
	_ =	sdelay $0x4  }
0xcd: {  	v5 =	vadd.s32 v0, v4;
	_ =	sdelay $0x4  }
0xce: {  	v5 =	vld.idx.msk [tilespmem:v5+s14+$0x0], $0xffff  }
0xcf: {  	v28 =	vadd.s32 v1, v4;
	_ =	sdelay $0x3  }
0xd0: {  	[tilespmem:s20+$0xFFFFFF08] =	vst v5  }
0xd1: {  	v5 =	vld.idx.msk [tilespmem:v28+s14+$0x0], $0xffff  }
0xd2: {  	v29 =	vadd.s32 v2, v4;
	_ =	sdelay $0x3  }
0xd3: {  	[tilespmem:s20+$0xFFFFFF18] =	vst v5  }
0xd4: {  	v5 =	vld.idx.msk [tilespmem:v29+s14+$0x0], $0xffff  }
0xd5: {  	v4 =	vadd.s32 v3, v4;
	_ =	sdelay $0x3  }
0xd6: {  	[tilespmem:s20+$0xFFFFFF28] =	vst v5  }
0xd7: {  	v4 =	vld.idx.msk [tilespmem:v4+s14+$0x0], $0xffff;
	_ =	sdelay $0x4  }
0xd8: {  	[tilespmem:s20+$0xFFFFFF38] =	vst v4  }
0xd9: {  	v4 =	vld [tilespmem:s21+$0xFFFFFFC0];
	_ =	sdelay $0x4  }
0xda: {  	v5 =	vadd.s32 v0, v4;
	_ =	sdelay $0x4  }
0xdb: {  	v5 =	vld.idx.msk [tilespmem:v5+s14+$0x0], $0xffff  }
0xdc: {  	v30 =	vadd.s32 v1, v4;
	_ =	sdelay $0x3  }
0xdd: {  	[tilespmem:s20+$0xFFFFFF3A] =	vst v5  }
0xde: {  	v5 =	vld.idx.msk [tilespmem:v30+s14+$0x0], $0xffff  }
0xdf: {  	v31 =	vadd.s32 v2, v4;
	_ =	sdelay $0x3  }
0xe0: {  	[tilespmem:s20+$0xFFFFFF4A] =	vst v5  }
0xe1: {  	v5 =	vld.idx.msk [tilespmem:v31+s14+$0x0], $0xffff  }
0xe2: {  	v4 =	vadd.s32 v3, v4;
	_ =	sdelay $0x3  }
0xe3: {  	[tilespmem:s20+$0xFFFFFF5A] =	vst v5  }
0xe4: {  	v4 =	vld.idx.msk [tilespmem:v4+s14+$0x0], $0xffff;
	_ =	sdelay $0x4  }
0xe5: {  	[tilespmem:s20+$0xFFFFFF6A] =	vst v4  }
0xe6: {  	v4 =	vld [tilespmem:s21+$0xFFFFFFD0];
	_ =	sdelay $0x4  }
0xe7: {  	v5 =	vadd.s32 v0, v4;
	_ =	sdelay $0x4  }
0xe8: {  	v5 =	vld.idx.msk [tilespmem:v5+s14+$0x0], $0xffff  }
0xe9: {  	v32 =	vadd.s32 v1, v4;
	_ =	sdelay $0x3  }
0xea: {  	[tilespmem:s20+$0xFFFFFF6C] =	vst v5  }
0xeb: {  	v5 =	vld.idx.msk [tilespmem:v32+s14+$0x0], $0xffff  }
0xec: {  	v33 =	vadd.s32 v2, v4;
	_ =	sdelay $0x3  }
0xed: {  	[tilespmem:s20+$0xFFFFFF7C] =	vst v5  }
0xee: {  	v5 =	vld.idx.msk [tilespmem:v33+s14+$0x0], $0xffff  }
0xef: {  	v4 =	vadd.s32 v3, v4;
	_ =	sdelay $0x3  }
0xf0: {  	[tilespmem:s20+$0xFFFFFF8C] =	vst v5  }
0xf1: {  	v4 =	vld.idx.msk [tilespmem:v4+s14+$0x0], $0xffff;
	_ =	sdelay $0x4  }
0xf2: {  	[tilespmem:s20+$0xFFFFFF9C] =	vst v4  }
0xf3: {  	v4 =	vld [tilespmem:s21+$0xFFFFFFE0];
	_ =	sdelay $0x4  }
0xf4: {  	v5 =	vadd.s32 v0, v4;
	_ =	sdelay $0x4  }
0xf5: {  	v5 =	vld.idx.msk [tilespmem:v5+s14+$0x0], $0xffff  }
0xf6: {  	v34 =	vadd.s32 v1, v4;
	_ =	sdelay $0x3  }
0xf7: {  	[tilespmem:s20+$0xFFFFFF9E] =	vst v5  }
0xf8: {  	v5 =	vld.idx.msk [tilespmem:v34+s14+$0x0], $0xffff  }
0xf9: {  	v35 =	vadd.s32 v2, v4;
	_ =	sdelay $0x3  }
0xfa: {  	[tilespmem:s20+$0xFFFFFFAE] =	vst v5  }
0xfb: {  	v5 =	vld.idx.msk [tilespmem:v35+s14+$0x0], $0xffff  }
0xfc: {  	v4 =	vadd.s32 v3, v4;
	_ =	sdelay $0x3  }
0xfd: {  	[tilespmem:s20+$0xFFFFFFBE] =	vst v5  }
0xfe: {  	v4 =	vld.idx.msk [tilespmem:v4+s14+$0x0], $0xffff;
	_ =	sdelay $0x4  }
0xff: {  	[tilespmem:s20+$0xFFFFFFCE] =	vst v4  }
0x100: {  	v4 =	vld [tilespmem:s21+$0xFFFFFFF0];
	_ =	sdelay $0x4  }
0x101: {  	v5 =	vadd.s32 v0, v4;
	_ =	sdelay $0x4  }
0x102: {  	v5 =	vld.idx.msk [tilespmem:v5+s14+$0x0], $0xffff  }
0x103: {  	v36 =	vadd.s32 v1, v4;
	_ =	sdelay $0x3  }
0x104: {  	[tilespmem:s20+$0xFFFFFFD0] =	vst v5  }
0x105: {  	v5 =	vld.idx.msk [tilespmem:v36+s14+$0x0], $0xffff  }
0x106: {  	v37 =	vadd.s32 v2, v4;
	_ =	sdelay $0x3  }
0x107: {  	[tilespmem:s20+$0xFFFFFFE0] =	vst v5  }
0x108: {  	v5 =	vld.idx.msk [tilespmem:v37+s14+$0x0], $0xffff  }
0x109: {  	v4 =	vadd.s32 v3, v4;
	_ =	sdelay $0x3  }
0x10a: {  	[tilespmem:s20+$0xFFFFFFF0] =	vst v5  }
0x10b: {  	v4 =	vld.idx.msk [tilespmem:v4+s14+$0x0], $0xffff;
	_ =	sdelay $0x4  }
0x10c: {  	[tilespmem:s20+$0x0] =	vst v4  }
0x10d: {  	v4 =	vld [tilespmem:s21+$0x0];
	_ =	sdelay $0x4  }
0x10e: {  	v5 =	vadd.s32 v0, v4;
	_ =	sdelay $0x4  }
0x10f: {  	v5 =	vld.idx.msk [tilespmem:v5+s14+$0x0], $0xffff  }
0x110: {  	v38 =	vadd.s32 v1, v4;
	_ =	sdelay $0x3  }
0x111: {  	[tilespmem:s20+$0x2] =	vst v5  }
0x112: {  	v5 =	vld.idx.msk [tilespmem:v38+s14+$0x0], $0xffff  }
0x113: {  	v39 =	vadd.s32 v2, v4;
	_ =	sdelay $0x3  }
0x114: {  	[tilespmem:s20+$0x12] =	vst v5  }
0x115: {  	v5 =	vld.idx.msk [tilespmem:v39+s14+$0x0], $0xffff  }
0x116: {  	v4 =	vadd.s32 v3, v4;
	_ =	sdelay $0x3  }
0x117: {  	[tilespmem:s20+$0x22] =	vst v5  }
0x118: {  	v4 =	vld.idx.msk [tilespmem:v4+s14+$0x0], $0xffff;
	_ =	sdelay $0x4  }
0x119: {  	[tilespmem:s20+$0x32] =	vst v4  }
0x11a: {  	v4 =	vld [tilespmem:s21+$0x10];
	_ =	sdelay $0x4  }
0x11b: {  	v5 =	vadd.s32 v0, v4;
	_ =	sdelay $0x4  }
0x11c: {  	v5 =	vld.idx.msk [tilespmem:v5+s14+$0x0], $0xffff  }
0x11d: {  	v40 =	vadd.s32 v1, v4;
	_ =	sdelay $0x3  }
0x11e: {  	[tilespmem:s20+$0x34] =	vst v5  }
0x11f: {  	v5 =	vld.idx.msk [tilespmem:v40+s14+$0x0], $0xffff  }
0x120: {  	v41 =	vadd.s32 v2, v4;
	_ =	sdelay $0x3  }
0x121: {  	[tilespmem:s20+$0x44] =	vst v5  }
0x122: {  	v5 =	vld.idx.msk [tilespmem:v41+s14+$0x0], $0xffff  }
0x123: {  	v4 =	vadd.s32 v3, v4;
	_ =	sdelay $0x3  }
0x124: {  	[tilespmem:s20+$0x54] =	vst v5  }
0x125: {  	v4 =	vld.idx.msk [tilespmem:v4+s14+$0x0], $0xffff;
	_ =	sdelay $0x4  }
0x126: {  	[tilespmem:s20+$0x64] =	vst v4  }
0x127: {  	v4 =	vld [tilespmem:s21+$0x20];
	_ =	sdelay $0x4  }
0x128: {  	v5 =	vadd.s32 v0, v4;
	_ =	sdelay $0x4  }
0x129: {  	v5 =	vld.idx.msk [tilespmem:v5+s14+$0x0], $0xffff  }
0x12a: {  	v42 =	vadd.s32 v1, v4;
	_ =	sdelay $0x3  }
0x12b: {  	[tilespmem:s20+$0x66] =	vst v5  }
0x12c: {  	v5 =	vld.idx.msk [tilespmem:v42+s14+$0x0], $0xffff  }
0x12d: {  	v43 =	vadd.s32 v2, v4;
	_ =	sdelay $0x3  }
0x12e: {  	[tilespmem:s20+$0x76] =	vst v5  }
0x12f: {  	v5 =	vld.idx.msk [tilespmem:v43+s14+$0x0], $0xffff  }
0x130: {  	v4 =	vadd.s32 v3, v4;
	_ =	sdelay $0x3  }
0x131: {  	[tilespmem:s20+$0x86] =	vst v5  }
0x132: {  	v4 =	vld.idx.msk [tilespmem:v4+s14+$0x0], $0xffff;
	_ =	sdelay $0x4  }
0x133: {  	[tilespmem:s20+$0x96] =	vst v4  }
0x134: {  	v4 =	vld [tilespmem:s21+$0x30];
	_ =	sdelay $0x4  }
0x135: {  	v5 =	vadd.s32 v0, v4;
	_ =	sdelay $0x4  }
0x136: {  	v5 =	vld.idx.msk [tilespmem:v5+s14+$0x0], $0xffff  }
0x137: {  	v44 =	vadd.s32 v1, v4;
	_ =	sdelay $0x3  }
0x138: {  	[tilespmem:s20+$0x98] =	vst v5  }
0x139: {  	v5 =	vld.idx.msk [tilespmem:v44+s14+$0x0], $0xffff  }
0x13a: {  	v45 =	vadd.s32 v2, v4;
	_ =	sdelay $0x3  }
0x13b: {  	[tilespmem:s20+$0xA8] =	vst v5  }
0x13c: {  	v5 =	vld.idx.msk [tilespmem:v45+s14+$0x0], $0xffff  }
0x13d: {  	v4 =	vadd.s32 v3, v4;
	_ =	sdelay $0x3  }
0x13e: {  	[tilespmem:s20+$0xB8] =	vst v5  }
0x13f: {  	v4 =	vld.idx.msk [tilespmem:v4+s14+$0x0], $0xffff;
	_ =	sdelay $0x4  }
0x140: {  	[tilespmem:s20+$0xC8] =	vst v4  }
0x141: {  	v4 =	vld [tilespmem:s21+$0x40];
	_ =	sdelay $0x4  }
0x142: {  	v5 =	vadd.s32 v0, v4;
	_ =	sdelay $0x4  }
0x143: {  	v5 =	vld.idx.msk [tilespmem:v5+s14+$0x0], $0xffff  }
0x144: {  	v46 =	vadd.s32 v1, v4;
	_ =	sdelay $0x3  }
0x145: {  	[tilespmem:s20+$0xCA] =	vst v5  }
0x146: {  	v5 =	vld.idx.msk [tilespmem:v46+s14+$0x0], $0xffff  }
0x147: {  	v47 =	vadd.s32 v2, v4;
	_ =	sdelay $0x3  }
0x148: {  	[tilespmem:s20+$0xDA] =	vst v5  }
0x149: {  	v5 =	vld.idx.msk [tilespmem:v47+s14+$0x0], $0xffff  }
0x14a: {  	v4 =	vadd.s32 v3, v4;
	_ =	sdelay $0x3  }
0x14b: {  	[tilespmem:s20+$0xEA] =	vst v5  }
0x14c: {  	v4 =	vld.idx.msk [tilespmem:v4+s14+$0x0], $0xffff;
	_ =	sdelay $0x4  }
0x14d: {  	[tilespmem:s20+$0xFA] =	vst v4  }
0x14e: {  	v4 =	vld [tilespmem:s21+$0x50];
	_ =	sdelay $0x4  }
0x14f: {  	v5 =	vadd.s32 v0, v4;
	_ =	sdelay $0x4  }
0x150: {  	v5 =	vld.idx.msk [tilespmem:v5+s14+$0x0], $0xffff  }
0x151: {  	v48 =	vadd.s32 v1, v4;
	_ =	sdelay $0x3  }
0x152: {  	[tilespmem:s20+$0xFC] =	vst v5  }
0x153: {  	v5 =	vld.idx.msk [tilespmem:v48+s14+$0x0], $0xffff  }
0x154: {  	v49 =	vadd.s32 v2, v4;
	_ =	sdelay $0x3  }
0x155: {  	[tilespmem:s20+$0x10C] =	vst v5  }
0x156: {  	v5 =	vld.idx.msk [tilespmem:v49+s14+$0x0], $0xffff  }
0x157: {  	v4 =	vadd.s32 v3, v4;
	_ =	sdelay $0x3  }
0x158: {  	[tilespmem:s20+$0x11C] =	vst v5  }
0x159: {  	v4 =	vld.idx.msk [tilespmem:v4+s14+$0x0], $0xffff;
	_ =	sdelay $0x4  }
0x15a: {  	[tilespmem:s20+$0x12C] =	vst v4  }
0x15b: {  	v4 =	vld [tilespmem:s21+$0x60];
	_ =	sdelay $0x4  }
0x15c: {  	v5 =	vadd.s32 v0, v4;
	_ =	sdelay $0x4  }
0x15d: {  	v5 =	vld.idx.msk [tilespmem:v5+s14+$0x0], $0xffff  }
0x15e: {  	v50 =	vadd.s32 v1, v4;
	_ =	sdelay $0x3  }
0x15f: {  	[tilespmem:s20+$0x12E] =	vst v5  }
0x160: {  	v5 =	vld.idx.msk [tilespmem:v50+s14+$0x0], $0xffff  }
0x161: {  	v51 =	vadd.s32 v2, v4;
	_ =	sdelay $0x3  }
0x162: {  	[tilespmem:s20+$0x13E] =	vst v5  }
0x163: {  	v5 =	vld.idx.msk [tilespmem:v51+s14+$0x0], $0xffff  }
0x164: {  	v4 =	vadd.s32 v3, v4;
	_ =	sdelay $0x3  }
0x165: {  	[tilespmem:s20+$0x14E] =	vst v5  }
0x166: {  	v4 =	vld.idx.msk [tilespmem:v4+s14+$0x0], $0xffff;
	_ =	sdelay $0x4  }
0x167: {  	[tilespmem:s20+$0x15E] =	vst v4  }
0x168: {  	v4 =	vld [tilespmem:s21+$0x70];
	_ =	sdelay $0x4  }
0x169: {  	v5 =	vadd.s32 v0, v4;
	_ =	sdelay $0x4  }
0x16a: {  	v5 =	vld.idx.msk [tilespmem:v5+s14+$0x0], $0xffff  }
0x16b: {  	v52 =	vadd.s32 v1, v4;
	_ =	sdelay $0x3  }
0x16c: {  	[tilespmem:s20+$0x160] =	vst v5  }
0x16d: {  	v5 =	vld.idx.msk [tilespmem:v52+s14+$0x0], $0xffff  }
0x16e: {  	v53 =	vadd.s32 v2, v4;
	_ =	sdelay $0x3  }
0x16f: {  	[tilespmem:s20+$0x170] =	vst v5  }
0x170: {  	v5 =	vld.idx.msk [tilespmem:v53+s14+$0x0], $0xffff  }
0x171: {  	v4 =	vadd.s32 v3, v4;
	_ =	sdelay $0x3  }
0x172: {  	[tilespmem:s20+$0x180] =	vst v5  }
0x173: {  	v4 =	vld.idx.msk [tilespmem:v4+s14+$0x0], $0xffff;
	_ =	sdelay $0x4  }
0x174: {  	[tilespmem:s20+$0x190] =	vst v4  }
0x175: {  	v4 =	vld [tilespmem:s21+$0x80];
	_ =	sdelay $0x4  }
0x176: {  	v5 =	vadd.s32 v0, v4;
	_ =	sdelay $0x4  }
0x177: {  	v5 =	vld.idx.msk [tilespmem:v5+s14+$0x0], $0xffff  }
0x178: {  	v54 =	vadd.s32 v1, v4;
	_ =	sdelay $0x3  }
0x179: {  	[tilespmem:s20+$0x192] =	vst v5  }
0x17a: {  	v5 =	vld.idx.msk [tilespmem:v54+s14+$0x0], $0xffff  }
0x17b: {  	v55 =	vadd.s32 v2, v4;
	_ =	sdelay $0x3  }
0x17c: {  	[tilespmem:s20+$0x1A2] =	vst v5  }
0x17d: {  	v5 =	vld.idx.msk [tilespmem:v55+s14+$0x0], $0xffff  }
0x17e: {  	v4 =	vadd.s32 v3, v4;
	_ =	sdelay $0x3  }
0x17f: {  	[tilespmem:s20+$0x1B2] =	vst v5  }
0x180: {  	v4 =	vld.idx.msk [tilespmem:v4+s14+$0x0], $0xffff;
	_ =	sdelay $0x4  }
0x181: {  	[tilespmem:s20+$0x1C2] =	vst v4  }
0x182: {  	v4 =	vld [tilespmem:s21+$0x90];
	_ =	sdelay $0x4  }
0x183: {  	v5 =	vadd.s32 v0, v4;
	_ =	sdelay $0x4  }
0x184: {  	v5 =	vld.idx.msk [tilespmem:v5+s14+$0x0], $0xffff  }
0x185: {  	v56 =	vadd.s32 v1, v4;
	_ =	sdelay $0x3  }
0x186: {  	[tilespmem:s20+$0x1C4] =	vst v5  }
0x187: {  	v5 =	vld.idx.msk [tilespmem:v56+s14+$0x0], $0xffff  }
0x188: {  	v57 =	vadd.s32 v2, v4;
	_ =	sdelay $0x3  }
0x189: {  	[tilespmem:s20+$0x1D4] =	vst v5  }
0x18a: {  	v5 =	vld.idx.msk [tilespmem:v57+s14+$0x0], $0xffff  }
0x18b: {  	v4 =	vadd.s32 v3, v4;
	_ =	sdelay $0x3  }
0x18c: {  	[tilespmem:s20+$0x1E4] =	vst v5  }
0x18d: {  	v4 =	vld.idx.msk [tilespmem:v4+s14+$0x0], $0xffff;
	_ =	sdelay $0x4  }
0x18e: {  	[tilespmem:s20+$0x1F4] =	vst v4  }
0x18f: {  	v4 =	vld [tilespmem:s21+$0xA0];
	_ =	sdelay $0x4  }
0x190: {  	v5 =	vadd.s32 v0, v4;
	_ =	sdelay $0x4  }
0x191: {  	v5 =	vld.idx.msk [tilespmem:v5+s14+$0x0], $0xffff  }
0x192: {  	v58 =	vadd.s32 v1, v4;
	_ =	sdelay $0x3  }
0x193: {  	[tilespmem:s20+$0x1F6] =	vst v5  }
0x194: {  	v5 =	vld.idx.msk [tilespmem:v58+s14+$0x0], $0xffff  }
0x195: {  	v59 =	vadd.s32 v2, v4;
	_ =	sdelay $0x3  }
0x196: {  	[tilespmem:s20+$0x206] =	vst v5  }
0x197: {  	v5 =	vld.idx.msk [tilespmem:v59+s14+$0x0], $0xffff  }
0x198: {  	v4 =	vadd.s32 v3, v4;
	_ =	sdelay $0x3  }
0x199: {  	[tilespmem:s20+$0x216] =	vst v5  }
0x19a: {  	v4 =	vld.idx.msk [tilespmem:v4+s14+$0x0], $0xffff;
	_ =	sdelay $0x4  }
0x19b: {  	[tilespmem:s20+$0x226] =	vst v4  }
0x19c: {  	v4 =	vld [tilespmem:s21+$0xB0];
	_ =	sdelay $0x4  }
0x19d: {  	v5 =	vadd.s32 v0, v4;
	_ =	sdelay $0x4  }
0x19e: {  	v5 =	vld.idx.msk [tilespmem:v5+s14+$0x0], $0xffff  }
0x19f: {  	v60 =	vadd.s32 v1, v4;
	_ =	sdelay $0x3  }
0x1a0: {  	[tilespmem:s20+$0x228] =	vst v5  }
0x1a1: {  	v5 =	vld.idx.msk [tilespmem:v60+s14+$0x0], $0xffff  }
0x1a2: {  	v61 =	vadd.s32 v2, v4;
	_ =	sdelay $0x3  }
0x1a3: {  	[tilespmem:s20+$0x238] =	vst v5  }
0x1a4: {  	v5 =	vld.idx.msk [tilespmem:v61+s14+$0x0], $0xffff  }
0x1a5: {  	v4 =	vadd.s32 v3, v4;
	_ =	sdelay $0x3  }
0x1a6: {  	[tilespmem:s20+$0x248] =	vst v5  }
0x1a7: {  	v4 =	vld.idx.msk [tilespmem:v4+s14+$0x0], $0xffff;
	_ =	sdelay $0x4  }
0x1a8: {  	[tilespmem:s20+$0x258] =	vst v4  }
0x1a9: {  	v4 =	vld [tilespmem:s21+$0xC0];
	_ =	sdelay $0x4  }
0x1aa: {  	v5 =	vadd.s32 v0, v4;
	_ =	sdelay $0x4  }
0x1ab: {  	v5 =	vld.idx.msk [tilespmem:v5+s14+$0x0], $0xffff  }
0x1ac: {  	v62 =	vadd.s32 v1, v4;
	_ =	sdelay $0x3  }
0x1ad: {  	[tilespmem:s20+$0x25A] =	vst v5  }
0x1ae: {  	v5 =	vld.idx.msk [tilespmem:v62+s14+$0x0], $0xffff  }
0x1af: {  	v63 =	vadd.s32 v2, v4;
	_ =	sdelay $0x3  }
0x1b0: {  	[tilespmem:s20+$0x26A] =	vst v5  }
0x1b1: {  	v5 =	vld.idx.msk [tilespmem:v63+s14+$0x0], $0xffff  }
0x1b2: {  	v4 =	vadd.s32 v3, v4;
	_ =	sdelay $0x3  }
0x1b3: {  	[tilespmem:s20+$0x27A] =	vst v5  }
0x1b4: {  	p0 =	sne.s32 s19, $0x3C0;
	v4 =	vld.idx.msk [tilespmem:v4+s14+$0x0], $0xffff  }
.Ltmp0:
0x1b5: {  	_ = 	snop;
	(pc) =	sbr.rel @p0 .LBB2_3-.Ltmp0, $2  }
0x1b6: {  	_ =	sdelay $0x2  }
0x1b7: {  	s19 =	sadd.s32 $0x40, s19;
	s21 =	sadd.s32 $0x1A0, s21;
	[tilespmem:s20+$0x28A] =	vst v4;
	s20 =	sadd.s32 $0x530, s20  }
0x1b8: {  	s18 =	smul.u32 $0xA60, s18;
	s17 =	sadd.s32 $0x1, s17  }
0x1b9: {  	p0 =	sne.s32 s17, $0x20  }
.Ltmp1:
0x1ba: {  	s19 =	simm.s32 $0x0;
	s18 =	sadd.s32 s7, s18;
	(pc) =	sbr.rel @p0 .LBB2_2-.Ltmp1, $4  }
0x1bb: {  	[hbm4b:s18+s19] =	stream.linear.scatter [tilespmem:s16], [sflag:$0x2], $0x5300, $0x38;
	[tilespmem:$0x127B0] =	vst v63  }
0x1bc: {  	_ =	swait.ge [sflag:s10], $0x5300  }
0x1bd: {  	[sflag:s10] =	ssyncset.done $0x0  }
0x1be: {  	[sflag:s10] =	ssyncadd.s32 $0xFFFFAD00  }
0x1bf: {  	s18 =	rddreg [dreg:$0x4]  }
0x1c0: {  	s17 =	rddreg [dreg:$0x3];
	s18 =	sadd.s32 $0x1, s18  }
0x1c1: {  	p0 =	sne.s32 s18, s17  }
.Ltmp2:
0x1c2: {  	_ = 	snop;
	(pc) =	sbr.rel @p0 .LBB2_1-.Ltmp2, $1  }
0x1c3: {  	_ =	sdelay $0x3  }
0x1c4: {  	_ =	sfence.sel $0x180000  }
0x1c5: {  	[bflag:$0x0] =	sbarrier.arrive $0xFFFF  }
0x1c6: {  	_ =	strace $0x9000004A  }
0x1c7: {  	s0 =	stileid.u32;
	[bflag:$0x2] =	sbarrier.arrive $0xFFFF  }
0x1c8: {  	p0 =	sne.s32 s0, $0x0;
	s0 =	rddreg [dreg:$0x2]  }
0x1c9: {  	s0 =	sadd.s32 @!p0 $0x100000, s0  }
0x1ca: {  	[sflag:s0] =	ssyncadd.tile.s32 @!p0 $0x1;
	_ =	shalt  }
.Lfunc_end2:
_tile_overlayer_lowered:
.L_overlay_start_2:
0x1cb: {  	(tag) =	ssettag $0x2  }
0x1cc: {  	s0 =	rddreg [dreg:$0x0];
	s2 =	stileid.u32  }
0x1cd: {  	s1 =	rddreg [dreg:$0x1];
	p0 =	sne.s32 s2, $0x0  }
0x1ce: {  	s3 =	rddreg [dreg:$0x2];
	[bflag:$0x3] =	sbarrier.arrive $0xFFFF;
	s2 =	simm.s32 @!p0 $0x1C02  }
0x1cf: {  	[timem:s3], [sflag:s2] =	dma.local @!p0 [hbm:s0], s1  }
0x1d0: {  	s0 =	simm.s32 @!p0 $0x2  }
0x1d1: {  	_ =	swait.ge @!p0 [sflag:s0], s1  }
0x1d2: {  	s1 =	ssub.s32 @!p0 $0x0, s1;
	[sflag:s0] =	ssyncset.done @!p0 $0x0  }
0x1d3: {  	[sflag:s0] =	ssyncadd.s32 @!p0 s1  }
0x1d4: {  	[bflag:$0x3] =	sbarrier.arrive $0xFFFF  }
0x1d5: {  	_ =	shalt  }

// kernel: sparse-core-data-format-call.1.cloned.1.call-start
scs
called_computation.1_lowered:
.L_overlay_start_0:
0x0: {  	s2 =	sld [smem:$0x3FD9]  }
0x1: {  	s3 =	sld [smem:$0x3FFE];
	_ =	sdelay $0x1  }
0x2: {  	s1 =	srdreg.scid  }
0x3: {  	s0 =	sand.u32 $0x1, s1  }
0x4: {  	s18 =	sshll.u32 s0, $0xA;
	s2 =	sadd.s32 s3, s2  }
0x5: {  	s2 =	sadd.s32 s2, s18  }
0x6: {  	[smem:$0x3FC5] =	sst s2  }
0x7: {  	_ = 	snop  }
0x8: {  	s2 =	sld [smem:$0x3FC7];
	(tm) =	ssettm $0x1  }
0x9: {  	s19 =	sld [smem:$0x3FFB];
	_ =	sdelay $0x3  }
0xa: {  	_ =	strace s19  }
0xb: {  	s3 =	sld [smem:$0x3FFC];
	_ =	sdelay $0x3  }
0xc: {  	_ =	strace s3  }
0xd: {  	s3 =	sld [smem:$0x3FFD];
	_ =	sdelay $0x3  }
0xe: {  	_ =	strace s3  }
0xf: {  	_ =	strace $0x8FFFFFFF  }
0x10: {  	s20 =	sld [smem:$0x3FDB];
	_ =	sdelay $0x1  }
0x11: {  	s4 =	simm.s32 $_scs_section_size  }
0x12: {  	s5 =	simm.s32 $_size__tile_overlayer_lowered;
	s6 =	simm.s32 $_tile_overlayer_lowered  }
0x13: {  	s23 =	simm.s32 $0x1BFF;
	s22 =	sshll.u32 s6, $0x1;
	s3 =	sadd.s32 s4, s20  }
0x14: {  	s7 =	simm.s32 $0x0;
	s21 =	sshll.u32 s5, $0x1;
	s5 =	sadd.s32 s22, s3  }
0x15: {  	[timem:s7], [sflag:s23] =	dma.local [hbm:s5], s21  }
0x16: {  	_ =	swait.ge [sflag:s23], s21  }
0x17: {  	s4 =	ssub.s32 $0x0, s21;
	[sflag:s23] =	ssyncset.done $0x0  }
0x18: {  	[sflag:s23] =	ssyncadd.s32 s4;
	_ =	sdelay $0x1  }
0x19: {  	s24 =	simm.s32 $0x1B8B  }
0x1a: {  	_ =	swait.ge [sflag:s24], $0x1  }
0x1b: {  	[sflag:s24] =	ssyncset.done $0x0  }
0x1c: {  	s26 =	simm.s32 $0x1B8E;
	s25 =	sld [smem:$0x3FFE];
	[sflag:s24] =	ssyncadd.s32 $0xFFFFFFFF  }
0x1d: {  	s27 =	simm.s32 $execute0_lowered;
	[smem:$0x3FD2] =	sst s26  }
0x1e: {  	s5 =	sshll.u32 s27, $0x1;
	_ =	strace $0x80000046;
	[dreg:$0x1] =	wrdreg $0xFFFFFFFF  }
0x1f: {  	s28 =	simm.s32 $_size_execute0_lowered;
	s3 =	sadd.s32 s3, s5;
	[dreg:$0x0] =	wrdreg $0x0  }
0x20: {  	s5 =	sshll.u32 s28, $0x1;
	[dreg:$0x2] =	wrdreg s3  }
0x21: {  	[dreg:$0x3] =	wrdreg s5  }
0x22: {  	[dreg:$0x4] =	wrdreg $0xC0  }
0x23: {  	_ =	task [dreg:s7], $0x5FFFF  }
0x24: {  	[dreg:$0x1] =	wrdreg $0xFFFFFFFF  }
0x25: {  	[dreg:$0x0] =	wrdreg $0x60  }
0x26: {  	[dreg:$0x2] =	wrdreg s2  }
0x27: {  	[dreg:$0x3] =	wrdreg s25  }
0x28: {  	[dreg:$0x4] =	wrdreg $0x9  }
0x29: {  	_ =	task.clear_ibuf [dreg:s7], $0x5FFFF;
	_ =	strace $0x90000046  }
0x2a: {  	s29 =	simm.s32 $0x9;
	_ =	strace $0x80000048  }
0x2b: {  	_ =	swait.ge [sflag:s29], $0x1  }
0x2c: {  	[sflag:s29] =	ssyncadd.s32 $0xFFFFFFFF  }
0x2d: {  	_ =	strace $0x90000048  }
0x2e: {  	_ =	sfence  }
0x2f: {  	s30 =	sld [smem:$0x0];
	_ =	sdelay $0x2  }
0x30: {  	s31 =	sshll.u32 s1, $0xD;
	s1 =	sshrl.u32 s1, $0x2  }
0x31: {  	s3 =	sand.u32 $0x4000, s31;
	s1 =	sadd.s32 s1, s30  }
0x32: {  	s0 =	sor.u32 s3, s0;
	s1 =	sshll.u32 s1, $0x11  }
0x33: {  	s0 =	sor.u32 s1, s0  }
0x34: {  	s0 =	sadd.s32 $0x8F2B, s0  }
0x35: {  	[sflag:s0] =	ssyncadd.remote.s32 $0x1  }
0x36: {  	_ =	sfence.sel $0xFFFF  }
0x37: {  	[dreg:$0x0] =	wrdreg $0xFFFFFFFF;
	(pc) =	sbr.abs _section_cstart, $3  }
0x38: {  	[dreg:$0x1] =	wrdreg $0xFFFFFFFF  }
0x39: {  	_ =	task.clear_ibuf [dreg:s7], $0x2FFFF;
	_ =	strace $0x9FFFFFFF  }
0x3a: {  	(tm) =	ssettm $0x7FFFFFFF  }
0x3b: {  	_ =	shalt  }
tec
execute0_lowered:
.L_overlay_start_1:
0x0: {  	(tag) =	ssettag $0x1  }
0x1: {  	s0 =	srdreg.scid  }
0x2: {  	s0 =	sshll.u32 s0, $0x4  }
0x3: {  	s1 =	stileid.u32;
	s0 =	sand.u32 $0x10, s0  }
0x4: {  	s28 =	rddreg [dreg:$0x1];
	s0 =	sor.u32 s1, s0  }
0x5: {  	_ =	strace $0x80000047;
	s2 =	simm.s32 $0x1;
	s3 =	sshll.u32 s0, $0x8  }
0x6: {  	s30 =	simm.s32 $0x2;
	s16 =	simm.s32 $0x0;
	s29 =	ssub.s32 $0x18600, s3  }
0x7: {  	s17 =	simm.s32 $0x0;
	s18 =	simm.s32 $0x0;
	s1 =	sshrl.u32 s29, $0xD  }
0x8: {  	s9 =	simm.s32 $0x0;
	s10 =	simm.s32 $0x0;
	s1 =	smul.u32 $0x1A, s1  }
.Ltmp0:
0x9: {  	s12 =	simm.s32 $0x0;
	s0 =	sadd.s32 $0x1600, s28;
	(pc) =	sbr.rel .LBB1_1-.Ltmp0, $4  }
0xa: {  	s13 =	simm.s32 $0x0;
	s14 =	simm.s32 $0x0;
	[dreg:$0x7] =	wrdreg s0  }
0xb: {  	s15 =	simm.s32 $0x0;
	[dreg:$0x6] =	wrdreg s3;
	s31 =	sadd.s32 $0x1A, s1  }
0xc: {  	[sflag:s2] =	ssyncpa.u1 $0x0;
	s8 =	sadd.s32 $0x1B, s1;
	[dreg:$0x8] =	wrdreg s31  }
0xd: {  	[sflag:s30] =	ssyncpa.u1 $0x0;
	s11 =	smov.u32 s3;
	[dreg:$0x9] =	wrdreg s8  }
.LBB1_16:
0xe: {  	s9 =	rddreg [dreg:$0xa]  }
0xf: {  	s10 =	rddreg [dreg:$0xb]  }
0x10: {  	s3 =	rddreg [dreg:$0x15]  }
0x11: {  	s5 =	rddreg [dreg:$0x16]  }
0x12: {  	s23 =	rddreg [dreg:$0x14]  }
0x13: {  	s12 =	rddreg [dreg:$0xd]  }
0x14: {  	s26 =	rddreg [dreg:$0x7]  }
0x15: {  	s29 =	rddreg [dreg:$0x17]  }
0x16: {  	s8 =	rddreg [dreg:$0x9]  }
0x17: {  	s11 =	rddreg [dreg:$0xc]  }
0x18: {  	s13 =	rddreg [dreg:$0xe]  }
0x19: {  	s14 =	rddreg [dreg:$0xf]  }
0x1a: {  	s15 =	rddreg [dreg:$0x10]  }
0x1b: {  	s16 =	rddreg [dreg:$0x11]  }
0x1c: {  	s17 =	rddreg [dreg:$0x12]  }
0x1d: {  	s31 =	simm.s32 $0x80;
	s18 =	rddreg [dreg:$0x13]  }
0x1e: {  	s0 =	sshll.u32 s9, $0x7;
	s1 =	sshll.u32 s10, $0x3;
	p0 =	sgt.s32 s10, $0x40  }
0x1f: {  	s24 =	smul.u32 $0x186A80, s12;
	s2 =	sand.u32 $0xFFFFFC00, s0;
	s1 =	sand.u32 $0xFFFFFC00, s1  }
0x20: {  	s0 =	sand.u32 $0x380, s0;
	s1 =	sadd.s32 s1, s2;
	s2 =	smov.u32 s10  }
0x21: {  	s0 =	sor.u32 s0, s1;
	s2 =	simm.s32 @!p0 $0x40;
	p0 =	sgt.s32 s9, $0x185A8  }
0x22: {  	s1 =	smov.u32 s9;
	s0 =	sshrl.u32 s0, $0x7;
	s2 =	sadd.s32 s3, s2  }
0x23: {  	s1 =	simm.s32 @!p0 $0x185A8;
	s21 =	smulhi.u32 $0xA7C23D, s0;
	s4 =	sadd.s32 $0xFFFFFFC0, s2  }
0x24: {  	s1 =	sadd.s32 s5, s1;
	s2 =	ssub.s32 $0x80, s2;
	p0 =	sgt.s32 s4, $0x3F  }
0x25: {  	s22 =	sadd.s32 $0xFFFE7A58, s1;
	s1 =	ssub.s32 $0x186A8, s1;
	s2 =	simm.s32 @p0 $0x0  }
0x26: {  	s3 =	sshrl.u32 s21, $0x8;
	p0 =	sgt.s32 s22, $0xFF;
	s2 =	smul.u32 s23, s2  }
0x27: {  	s27 =	sand.u32 $0x7, s10;
	s3 =	smul.u32 $0x186A8, s3;
	s1 =	simm.s32 @p0 $0x0  }
0x28: {  	s25 =	sshrl.u32 s10, $0x3;
	s28 =	sshll.u32 s27, $0x12;
	s1 =	smul.u32 s1, s2  }
0x29: {  	s0 =	ssub.s32 s0, s3;
	s3 =	sand.u32 $0xF, s25;
	s2 =	sadd.s32 s26, s24  }
0x2a: {  	s30 =	sor.u32 $0x40, s28;
	s0 =	sshll.u32 s0, $0x4;
	s2 =	sadd.s32 s3, s2  }
0x2b: {  	s4 =	sor.u32 $0x8000, s29;
	s1 =	sand.u32 $0x3FFFFFFF, s1;
	s0 =	sadd.s32 s0, s2  }
0x2c: {  	[hbm4b:s0+s30] =	stream.strided.scatter [tilespmem:s4], [sflag:$0x2], s1, s31, s30, $0x18;
	[tilespmem:$0x10200] =	vst v63  }
.LBB1_17:
0x2d: {  	p0 =	slt.u32 s15, $0x2;
	s0 =	smov.u32 s18;
	s2 =	smov.u32 s17  }
0x2e: {  	p1 =	sgt.s32 @!p0 s18, $0x19;
	s1 =	sshra.s32 @!p0 s18, $0x1F;
	p2 =	sgt.s32 @!p0 s16, $0x185A8  }
0x2f: {  	p3 =	sgt.s32 @!p0 s17, $0x40;
	s3 =	sshra.s32 @!p0 s17, $0x1F;
	p1 =	por !p1, p0  }
0x30: {  	s1 =	sand.u32 @!p0 s1, s18;
	p2 =	por !p2, p0;
	p3 =	por !p3, p0  }
0x31: {  	s3 =	sand.u32 @!p0 s3, s17;
	s0 =	simm.s32 @p1 $0x19;
	s2 =	simm.s32 @p3 $0x40  }
0x32: {  	s0 =	ssub.s32 @!p0 s0, s1;
	s2 =	ssub.s32 @!p0 s2, s3;
	s3 =	sshra.s32 @!p0 s16, $0x1F  }
0x33: {  	s1 =	sadd.s32 @!p0 $0xFFFFFFE7, s0;
	s0 =	ssub.s32 @!p0 $0x1A, s0;
	s3 =	sand.u32 @!p0 s3, s16  }
0x34: {  	s4 =	sadd.s32 @!p0 $0xFFFFFFC0, s2;
	p1 =	sgt.s32 @!p0 s1, $0x0;
	s1 =	smov.u32 s16  }
0x35: {  	s2 =	ssub.s32 @!p0 $0x80, s2;
	s1 =	simm.s32 @p2 $0x185A8;
	p1 =	por !p1, p0  }
0x36: {  	s0 =	simm.s32 @!p1 $0x0;
	s1 =	ssub.s32 @!p0 s1, s3;
	p1 =	sgt.s32 @!p0 s4, $0x3F  }
0x37: {  	s4 =	smov.u32 s13;
	s3 =	sadd.s32 @!p0 $0xFFFE7A58, s1;
	p1 =	por !p1, p0  }
0x38: {  	s1 =	ssub.s32 @!p0 $0x186A8, s1;
	s2 =	simm.s32 @!p1 $0x0;
	p1 =	sgt.s32 @!p0 s3, $0xFF  }
0x39: {  	p1 =	por !p1, p0;
	s0 =	smul.u32 @!p0 s0, s2;
	s2 =	sadd.s32 $0x2000, s11  }
0x3a: {  	s3 =	sadd.s32 $0x40, s13;
	s1 =	simm.s32 @!p1 $0x0;
	p1 =	sgt.s32 s2, $0x186A0  }
0x3b: {  	s0 =	smul.u32 @!p0 s1, s0;
	s4 =	smov.u32 @p1 s3;
	s1 =	rddreg [dreg:$0x6]  }
0x3c: {  	s2 =	smov.u32 @p1 s1;
	p1 =	sgt.s32 s4, $0x31;
	s1 =	simm.s32 $0x1  }
0x3d: {  	s1 =	simm.s32 @!p1 $0x0  }
0x3e: {  	s1 =	sadd.s32 s1, s14  }
0x3f: {  	s17 =	smov.u32 s10;
	s4 =	simm.s32 @p1 $0x0;
	p1 =	sgt.s32 s1, $0x19  }
0x40: {  	s18 =	smov.u32 s12;
	s1 =	simm.s32 @p1 $0x0;
	p1 =	sne.s32 s15, s8  }
.Ltmp1:
0x41: {  	s10 =	smov.u32 s13;
	s12 =	smov.u32 s14;
	(pc) =	sbr.rel @!p1 .LBB1_18-.Ltmp1, $4  }
0x42: {  	s16 =	smov.u32 s9;
	s3 =	simm.s32 @!p0 $0x2;
	s0 =	sand.u32 @!p0 $0x3FFFFFFF, s0  }
0x43: {  	s9 =	smov.u32 s11;
	s11 =	smov.u32 s2;
	_ =	swait.ge @!p0 [sflag:s3], s0  }
0x44: {  	s0 =	ssub.s32 @!p0 $0x0, s0;
	s13 =	smov.u32 s4;
	[sflag:s3] =	ssyncset.done @!p0 $0x0  }
0x45: {  	s15 =	sadd.s32 $0x1, s15;
	[sflag:s3] =	ssyncadd.s32 @!p0 s0;
	s14 =	smov.u32 s1  }
.LBB1_1:
0x46: {  	s0 =	rddreg [dreg:$0x8]  }
0x47: {  	p0 =	sge.u32 s15, s0  }
.Ltmp2:
0x48: {  	_ = 	snop;
	(pc) =	sbr.rel @p0 .LBB1_3-.Ltmp2, $1  }
0x49: {  	_ =	sdelay $0x3  }
0x4a: {  	s0 =	sshrl.u32 s13, $0x3;
	s1 =	sshll.u32 s11, $0x3;
	s20 =	sshll.u32 s13, $0x7  }
0x4b: {  	p0 =	sgt.s32 s14, $0x19;
	s2 =	smov.u32 s14;
	s3 =	sshra.s32 s14, $0x1F  }
0x4c: {  	s22 =	sand.u32 $0x7F, s11;
	s5 =	sshra.s32 s13, $0x1F;
	s29 =	smul.u32 $0xAB100, s14  }
0x4d: {  	s6 =	sshra.s32 s11, $0x1F;
	s28 =	sxor.u32 $0xFFFFFFFF, s15;
	s0 =	smul.u32 $0xC3800, s0  }
0x4e: {  	s30 =	rddreg [dreg:$0x0];
	s1 =	sand.u32 $0xFFFFFC00, s1;
	s2 =	simm.s32 @!p0 $0x19  }
0x4f: {  	s21 =	sand.u32 s3, s14;
	s0 =	sadd.s32 s0, s1;
	s1 =	sand.u32 $0x380, s20  }
0x50: {  	s5 =	sand.u32 s5, s13;
	s0 =	sor.u32 s1, s0;
	s1 =	ssub.s32 s2, s21  }
0x51: {  	s6 =	sand.u32 s6, s11;
	s4 =	smulhi.u32 $0xA79C7B17, s0;
	s2 =	sadd.s32 $0xFFFFFFE7, s1  }
0x52: {  	s0 =	sor.u32 s22, s0;
	s1 =	ssub.s32 $0x1A, s1;
	p0 =	sgt.s32 s2, $0x0  }
0x53: {  	s2 =	smov.u32 s13;
	s1 =	simm.s32 @p0 $0x0;
	p0 =	sgt.s32 s13, $0xFFFFFFF8  }
0x54: {  	s24 =	smulhi.u32 $0xA79C7B17, s0;
	s23 =	sshrl.u32 s4, $0x13;
	s2 =	simm.s32 @!p0 $0xFFFFFFF8  }
0x55: {  	s3 =	smul.u32 $0x2493, s23;
	p0 =	sgt.s32 s11, $0x18600;
	s2 =	ssub.s32 s2, s5  }
0x56: {  	s27 =	sshrl.u32 s24, $0x10;
	s5 =	smov.u32 s11;
	s7 =	sadd.s32 $0x8, s2  }
0x57: {  	s5 =	simm.s32 @!p0 $0x18600;
	s2 =	ssub.s32 $0x38, s2;
	p0 =	sgt.s32 s7, $0x3F  }
0x58: {  	s26 =	sshrl.u32 s3, $0x10;
	s3 =	smul.u32 $0x18700, s27;
	s2 =	simm.s32 @p0 $0x0  }
0x59: {  	s31 =	simm.s32 $0xC3800;
	s5 =	ssub.s32 s5, s6;
	s1 =	smul.u32 s1, s2  }
0x5a: {  	s4 =	sshrl.u32 s4, $0x10;
	s25 =	sadd.s32 $0xFFFE7A00, s5;
	s2 =	smul.u32 $0x38, s26  }
0x5b: {  	s5 =	ssub.s32 $0x18700, s5;
	s0 =	ssub.s32 s0, s3;
	p0 =	sgt.s32 s25, $0xFF  }
0x5c: {  	s3 =	sshrl.u32 s0, $0x3;
	s5 =	simm.s32 @p0 $0x0;
	s2 =	ssub.s32 s4, s2  }
0x5d: {  	s0 =	sand.u32 $0x7, s0;
	s1 =	smul.u32 s5, s1;
	s2 =	sand.u32 $0xFFFF, s2  }
0x5e: {  	s0 =	sshll.u32 s0, $0x12;
	s5 =	sadd.s32 s30, s29;
	s2 =	smul.u32 $0x30E0, s2  }
0x5f: {  	s4 =	sshll.u32 s28, $0xE;
	s0 =	sor.u32 $0x800, s0;
	s3 =	sadd.s32 s3, s5  }
0x60: {  	s4 =	sand.u32 $0x4000, s4;
	s1 =	sand.u32 $0x3FFFFFFF, s1;
	s2 =	sadd.s32 s2, s3  }
0x61: {  	[tilespmem:s4], [sflag:$0x1] =	stream.strided.gather [hbm4b:s2+s0], s1, s31, s0, $0x38;
	[tilespmem:$0x10200] =	vst v63  }
.LBB1_3:
0x62: {  	p0 =	seq.s32 s15, $0x0  }
0x63: {  	p1 =	sge.u32 @!p0 s15, s8  }
0x64: {  	p0 =	por p0, p1  }
.Ltmp3:
0x65: {  	_ = 	snop;
	(pc) =	sbr.rel @p0 .LBB1_17-.Ltmp3, $1  }
0x66: {  	_ =	sdelay $0x3  }
0x67: {  	[dreg:$0x13] =	wrdreg s18  }
0x68: {  	[dreg:$0x12] =	wrdreg s17  }
0x69: {  	[dreg:$0x11] =	wrdreg s16  }
0x6a: {  	[dreg:$0xf] =	wrdreg s14  }
0x6b: {  	[dreg:$0xe] =	wrdreg s13  }
0x6c: {  	[dreg:$0xc] =	wrdreg s11;
	p0 =	sgt.s32 s12, $0x19  }
0x6d: {  	s0 =	smov.u32 s12;
	s1 =	sshra.s32 s12, $0x1F;
	s25 =	ssub.s32 $0x0, s10  }
0x6e: {  	s2 =	sshra.s32 s10, $0x1F;
	s3 =	smov.u32 s10;
	p1 =	sgt.s32 s9, $0x18600  }
0x6f: {  	s27 =	ssub.s32 $0x0, s9;
	[dreg:$0xa] =	wrdreg s9;
	s28 =	sshra.s32 s9, $0x1F  }
0x70: {  	[dreg:$0xd] =	wrdreg s12;
	s0 =	simm.s32 @!p0 $0x19;
	s1 =	sand.u32 s1, s12  }
0x71: {  	p0 =	sgt.s32 s10, $0xFFFFFFF8;
	s29 =	sand.u32 s27, s28;
	s0 =	ssub.s32 s0, s1  }
0x72: {  	s1 =	sand.u32 s25, s2;
	s3 =	simm.s32 @!p0 $0xFFFFFFF8;
	s2 =	smov.u32 s9  }
0x73: {  	s4 =	sadd.s32 $0xFFFFFFE7, s0;
	[dreg:$0x15] =	wrdreg s1;
	s1 =	sadd.s32 s1, s3  }
0x74: {  	s5 =	ssub.s32 $0x1A, s0;
	s2 =	simm.s32 @!p1 $0x18600;
	p0 =	sgt.s32 s4, $0x0  }
0x75: {  	s26 =	sadd.s32 $0x8, s1;
	s0 =	ssub.s32 $0x38, s1;
	s1 =	sadd.s32 s29, s2  }
0x76: {  	[dreg:$0xb] =	wrdreg s10;
	s5 =	simm.s32 @p0 $0x0;
	s2 =	sadd.s32 $0xFFFE7A00, s1  }
0x77: {  	s1 =	ssub.s32 $0x18700, s1;
	p0 =	sgt.s32 s2, $0xFF;
	s2 =	sadd.s32 $0x1, s12  }
0x78: {  	s3 =	sadd.s32 $0x40, s10;
	s1 =	simm.s32 @p0 $0x0;
	p0 =	slt.s32 s2, $0x1A  }
0x79: {  	p1 =	sgt.s32 s26, $0x3F;
	s2 =	simm.s32 @!p0 $0x1A;
	p0 =	slt.s32 s3, $0x32  }
0x7a: {  	s0 =	simm.s32 @p1 $0x0;
	s2 =	ssub.s32 s2, s12;
	s3 =	simm.s32 @!p0 $0x32  }
0x7b: {  	s0 =	smul.u32 s5, s0;
	s25 =	ssub.s32 s3, s10;
	p0 =	slt.s32 s2, $0x1  }
0x7c: {  	[dreg:$0x10] =	wrdreg s15;
	p1 =	slt.s32 @!p0 s25, $0x1  }
0x7d: {  	[dreg:$0x16] =	wrdreg s29;
	s0 =	smul.u32 s1, s0;
	p1 =	por p0, p1  }
.Ltmp4:
0x7e: {  	s30 =	simm.s32 $0x1;
	[dreg:$0x14] =	wrdreg s5;
	(pc) =	sbr.rel @p1 .LBB1_16-.Ltmp4, $4  }
0x7f: {  	[dreg:$0x18] =	wrdreg s2;
	s1 =	sand.u32 $0x3FFFFFFF, s0;
	s0 =	sand.u32 $0x1, s15  }
0x80: {  	_ =	swait.ge [sflag:s30], s1;
	s31 =	smul.u32 $0x4100, s0  }
0x81: {  	s1 =	ssub.s32 $0x0, s1;
	[sflag:s30] =	ssyncset.done $0x0  }
0x82: {  	[sflag:s30] =	ssyncadd.s32 s1;
	[dreg:$0x17] =	wrdreg s31  }
0x83: {  	s2 =	rddreg [dreg:$0xa]  }
0x84: {  	s1 =	sadd.s32 $0x100, s2  }
0x85: {  	p1 =	slt.s32 s1, $0x186A1  }
0x86: {  	s28 =	sshll.u32 @!p0 s0, $0xE;
	s1 =	simm.s32 @!p1 $0x186A1  }
.Ltmp5:
0x87: {  	s0 =	rddreg [dreg:$0x17];
	s1 =	ssub.s32 s1, s2;
	(pc) =	sbr.rel .LBB1_6-.Ltmp5, $4  }
0x88: {  	s0 =	sor.u32 @!p0 $0x8000, s0;
	s1 =	sadd.s32 $0xF, s1  }
0x89: {  	s3 =	simm.s32 $0x0;
	[dreg:$0x19] =	wrdreg s0;
	s30 =	sshll.u32 s1, $0x3  }
0x8a: {  	s26 =	sand.u32 $0xFFFFFFF0, s1;
	s27 =	sand.u32 @!p0 $0xFFFFFF00, s1;
	s31 =	sand.u32 $0xFFFFF800, s30  }
0x8b: {  	p0 =	slt.s32 s1, $0x100;
	p1 =	sge.s32 s27, s26;
	[dreg:$0x1a] =	wrdreg s31  }
.LBB1_15:
0x8c: {  	s3 =	rddreg [dreg:$0x1b]  }
0x8d: {  	s0 =	rddreg [dreg:$0x18];
	s3 =	sadd.s32 $0x1, s3  }
0x8e: {  	p2 =	sne.s32 s3, s0  }
.Ltmp6:
0x8f: {  	_ = 	snop;
	(pc) =	sbr.rel @!p2 .LBB1_16-.Ltmp6, $1  }
0x90: {  	_ =	sdelay $0x3  }
.LBB1_6:
0x91: {  	s0 =	smul.u32 $0x10400, s3;
	s30 =	sshll.u32 s3, $0xE  }
.Ltmp7:
0x92: {  	v0 =	vmov s30;
	(pc) =	sbr.rel .LBB1_7-.Ltmp7, $4  }
0x93: {  	s2 =	sshll.u32 s3, $0x10  }
0x94: {  	s1 =	rddreg [dreg:$0x19];
	s31 =	sshra.s32 s2, $0x2;
	s0 =	sshra.s32 s0, $0x2  }
0x95: {  	[dreg:$0x1b] =	wrdreg s3;
	s1 =	sadd.s32 s0, s1;
	s0 =	sadd.s32 s31, s28  }
0x96: {  	s29 =	simm.s32 $0x0;
	s8 =	simm.s32 $0x0;
	[dreg:$0x1c] =	wrdreg s0  }
.LBB1_14:
0x97: {  	s8 =	sadd.s32 $0x1, s8  }
0x98: {  	p2 =	sne.s32 s8, s25  }
.Ltmp8:
0x99: {  	_ = 	snop;
	(pc) =	sbr.rel @!p2 .LBB1_15-.Ltmp8, $2  }
0x9a: {  	_ =	sdelay $0x2  }
0x9b: {  	s29 =	sadd.s32 $0x100, s29  }
.LBB1_7:
.Ltmp9:
0x9c: {  	(pc) =	sbr.rel @p0 .LBB1_11-.Ltmp9, $2  }
0x9d: {  	_ =	sdelay $0x2  }
0x9e: {  	s9 =	sshll.u32 s8, $0x7  }
0x9f: {  	s7 =	sshll.u32 s8, $0x3  }
0xa0: {  	s2 =	sshll.u32 s8, $0x8;
	s5 =	sand.u32 $0x300, s9;
	s14 =	sand.u32 $0x7F, s8  }
0xa1: {  	s10 =	sshrl.u32 s7, $0x7;
	s6 =	sadd.s32 $0x800, s7;
	s12 =	sadd.s32 $0x1000, s7  }
0xa2: {  	s13 =	sadd.s32 $0x1800, s7;
	s17 =	sadd.s32 $0x2000, s7;
	s20 =	sadd.s32 $0x2800, s7  }
0xa3: {  	s11 =	sand.u32 $0xF8, s10;
	s6 =	sshrl.u32 s6, $0x7;
	s12 =	sshrl.u32 s12, $0x7  }
0xa4: {  	s13 =	sshrl.u32 s13, $0x7;
	s3 =	smul.u32 $0x104, s11;
	s6 =	sand.u32 $0xF8, s6  }
0xa5: {  	s19 =	sshrl.u32 s17, $0x7;
	s12 =	sand.u32 $0xF8, s12;
	s6 =	smul.u32 $0x104, s6  }
0xa6: {  	s0 =	sadd.s32 $0x90, s10;
	s13 =	sand.u32 $0xF8, s13;
	s12 =	smul.u32 $0x104, s12  }
0xa7: {  	s11 =	sxor.u32 $0x80, s11;
	s13 =	smul.u32 $0x104, s13;
	s3 =	sshrl.u32 s3, $0x2  }
0xa8: {  	s11 =	smul.u32 $0x104, s11;
	s3 =	sadd.s32 s3, s1;
	s6 =	sshrl.u32 s6, $0x2  }
0xa9: {  	s12 =	sshrl.u32 s12, $0x2;
	s16 =	sshrl.u32 s13, $0x2;
	s13 =	sshrl.u32 s20, $0x7  }
0xaa: {  	s11 =	sshrl.u32 s11, $0x2;
	s3 =	sadd.s32 s14, s3;
	s6 =	sadd.s32 s6, s1  }
0xab: {  	s15 =	sadd.s32 s12, s1;
	s18 =	sadd.s32 s16, s1;
	s12 =	sand.u32 $0xF8, s19  }
0xac: {  	s13 =	sand.u32 $0xF8, s13;
	s11 =	sadd.s32 s11, s1;
	s19 =	sadd.s32 $0xC0, s10  }
0xad: {  	[dreg:$0x3] =	wrdreg s3;
	s3 =	sadd.s32 s14, s6;
	s12 =	smul.u32 $0x104, s12  }
0xae: {  	s13 =	smul.u32 $0x104, s13;
	[dreg:$0x4] =	wrdreg s3;
	s3 =	sadd.s32 s14, s15  }
0xaf: {  	s15 =	sadd.s32 $0x3000, s7;
	s7 =	sadd.s32 $0x3800, s7;
	[dreg:$0x5] =	wrdreg s3  }
0xb0: {  	s3 =	sadd.s32 s14, s18;
	s15 =	sshrl.u32 s15, $0x7;
	s7 =	sshrl.u32 s7, $0x7  }
0xb1: {  	s12 =	sshrl.u32 s12, $0x2;
	s13 =	sshrl.u32 s13, $0x2;
	s15 =	sand.u32 $0xF8, s15  }
0xb2: {  	s7 =	sand.u32 $0xF8, s7;
	s12 =	sadd.s32 s12, s1;
	s15 =	smul.u32 $0x104, s15  }
0xb3: {  	s21 =	sadd.s32 s13, s1;
	s13 =	sadd.s32 $0xA0, s10;
	s16 =	smul.u32 $0x104, s7  }
0xb4: {  	s7 =	sadd.s32 s14, s12;
	s23 =	sadd.s32 s14, s21;
	s12 =	sand.u32 $0xF8, s0  }
0xb5: {  	s22 =	sshrl.u32 s15, $0x2;
	s30 =	sshrl.u32 s16, $0x2;
	s16 =	sor.u32 $0x400, s2  }
0xb6: {  	s2 =	smul.u32 $0x104, s12;
	s12 =	sand.u32 $0xF8, s13;
	s15 =	sadd.s32 $0xB0, s10  }
0xb7: {  	s24 =	sadd.s32 s22, s1;
	s31 =	sadd.s32 s30, s1;
	s12 =	smul.u32 $0x104, s12  }
0xb8: {  	s22 =	sadd.s32 s14, s11;
	s17 =	sand.u32 $0xF8, s15;
	s30 =	sadd.s32 $0xE0, s10  }
0xb9: {  	s21 =	sadd.s32 s14, s24;
	s20 =	sadd.s32 s14, s31;
	s2 =	sshrl.u32 s2, $0x2  }
0xba: {  	s11 =	smul.u32 $0x104, s17;
	s24 =	sadd.s32 $0xD0, s10;
	s15 =	sand.u32 $0xF8, s30  }
0xbb: {  	s10 =	sadd.s32 $0xF0, s10;
	s2 =	sadd.s32 s2, s1;
	s12 =	sshrl.u32 s12, $0x2  }
0xbc: {  	s13 =	sand.u32 $0xF8, s24;
	s24 =	smul.u32 $0x104, s15;
	s10 =	sand.u32 $0xF8, s10  }
0xbd: {  	s17 =	sadd.s32 s14, s2;
	s18 =	sadd.s32 s12, s1;
	s13 =	smul.u32 $0x104, s13  }
0xbe: {  	s11 =	sshrl.u32 s11, $0x2;
	s12 =	sand.u32 $0xF8, s19;
	s10 =	smul.u32 $0x104, s10  }
0xbf: {  	s12 =	smul.u32 $0x104, s12;
	s11 =	sadd.s32 s11, s1;
	s18 =	sadd.s32 s14, s18  }
0xc0: {  	s0 =	sshrl.u32 s24, $0x2;
	s15 =	sadd.s32 s14, s11;
	s31 =	sshrl.u32 s13, $0x2  }
0xc1: {  	s10 =	sshrl.u32 s10, $0x2;
	s11 =	sadd.s32 s0, s1;
	s12 =	sshrl.u32 s12, $0x2  }
0xc2: {  	s2 =	sadd.s32 s31, s1;
	s10 =	sadd.s32 s10, s1;
	s12 =	sadd.s32 s12, s1  }
0xc3: {  	s13 =	sadd.s32 s14, s11;
	s11 =	sand.u32 $0x3800, s29;
	s19 =	sadd.s32 s14, s12  }
0xc4: {  	s12 =	sadd.s32 s14, s2;
	s14 =	sadd.s32 s14, s10;
	s10 =	sand.u32 $0x3C00, s16  }
0xc5: {  	s4 =	sand.u32 $0x380, s9;
	s30 =	sadd.s32 s11, s28;
	s2 =	sadd.s32 s10, s28  }
0xc6: {  	s6 =	sand.u32 $0x80, s9;
	s31 =	sadd.s32 s4, s30;
	s24 =	sadd.s32 s5, s2  }
0xc7: {  	v2 =	vld.idx.msk [tilespmem:v0+s31+$0x0 ss:$0x1], $0xffff;
	s10 =	sadd.s32 s6, s24;
	s24 =	sadd.s32 s5, s30  }
0xc8: {  	v1 =	vld.idx.msk [tilespmem:v0+s10+$0x70 ss:$0x1], $0xffff;
	s0 =	sadd.s32 s6, s24  }
0xc9: {  	v3 =	vld.idx.msk [tilespmem:v0+s0+$0x70 ss:$0x1], $0xffff  }
0xca: {  	v7 =	vld.idx.msk [tilespmem:v0+s0+$0x10 ss:$0x1], $0xffff  }
0xcb: {  	v8 =	vld.idx.msk [tilespmem:v0+s0+$0x20 ss:$0x1], $0xffff  }
0xcc: {  	s30 =	rddreg [dreg:$0x3];
	v9 =	vld.idx.msk [tilespmem:v0+s0+$0x30 ss:$0x1], $0xffff  }
0xcd: {  	p2 =	sgt.s32 s27, $0x100;
	s31 =	rddreg [dreg:$0x4];
	v5 =	vld.idx.msk [tilespmem:v0+s0+$0x40 ss:$0x1], $0xffff;
	[tilespmem:s30+$0x0 ss:$0x41] =	vst.msk $0xffff, v2  }
.Ltmp10:
0xce: {  	v6 =	vld.idx.msk [tilespmem:v0+s0+$0x50 ss:$0x1], $0xffff;
	[tilespmem:s14+$0x0 ss:$0x41] =	vst.msk $0xffff, v1;
	(pc) =	sbr.rel @!p2 .LBB1_10-.Ltmp10, $4  }
0xcf: {  	v4 =	vld.idx.msk [tilespmem:v0+s0+$0x60 ss:$0x1], $0xffff;
	s24 =	rddreg [dreg:$0x5];
	[tilespmem:s20+$0x0 ss:$0x41] =	vst.msk $0xffff, v3  }
0xd0: {  	v2 =	vld.idx.msk [tilespmem:v0+s10+$0x10 ss:$0x1], $0xffff;
	[tilespmem:s31+$0x0 ss:$0x41] =	vst.msk $0xffff, v7  }
0xd1: {  	s16 =	sadd.s32 $0x800, s16;
	v1 =	vld.idx.msk [tilespmem:v0+s10+$0x20 ss:$0x1], $0xffff;
	[tilespmem:s3+$0x0 ss:$0x41] =	vst.msk $0xffff, v9  }
0xd2: {  	s11 =	sadd.s32 s4, s2;
	s2 =	smov.u32 s29;
	v3 =	vld.idx.msk [tilespmem:v0+s10+$0x30 ss:$0x1], $0xffff;
	[tilespmem:s24+$0x0 ss:$0x41] =	vst.msk $0xffff, v8;
	s24 =	simm.s32 $0x100  }
.LBB1_9:
0xd3: {  	s31 =	sand.u32 $0x3C00, s16;
	v7 =	vld.idx.msk [tilespmem:v0+s11+$0x0 ss:$0x1], $0xffff;
	[tilespmem:s7+$0x0 ss:$0x41] =	vst.msk $0xffff, v5  }
0xd4: {  	s2 =	sadd.s32 $0x800, s2;
	s31 =	sadd.s32 s31, s28;
	v5 =	vld.idx.msk [tilespmem:v0+s10+$0x40 ss:$0x1], $0xffff;
	[tilespmem:s23+$0x0 ss:$0x41] =	vst.msk $0xffff, v6  }
0xd5: {  	s30 =	sand.u32 $0x3800, s2;
	s0 =	sadd.s32 s5, s31;
	v6 =	vld.idx.msk [tilespmem:v0+s10+$0x50 ss:$0x1], $0xffff;
	[tilespmem:s21+$0x0 ss:$0x41] =	vst.msk $0xffff, v4  }
0xd6: {  	s30 =	sadd.s32 s30, s28;
	v4 =	vld.idx.msk [tilespmem:v0+s10+$0x60 ss:$0x1], $0xffff;
	s10 =	sadd.s32 s6, s0;
	[tilespmem:s17+$0x0 ss:$0x41] =	vst.msk $0xffff, v2  }
0xd7: {  	s0 =	sadd.s32 s4, s30;
	s30 =	sadd.s32 s5, s30;
	[tilespmem:s18+$0x0 ss:$0x41] =	vst.msk $0xffff, v1;
	v2 =	vld.idx.msk [tilespmem:v0+s10+$0x70 ss:$0x1], $0xffff  }
0xd8: {  	[tilespmem:s15+$0x0 ss:$0x41] =	vst.msk $0xffff, v3;
	v1 =	vld.idx.msk [tilespmem:v0+s0+$0x0 ss:$0x1], $0xffff;
	s0 =	sadd.s32 s6, s30  }
0xd9: {  	[tilespmem:s22+$0x0 ss:$0x41] =	vst.msk $0xffff, v7;
	v3 =	vld.idx.msk [tilespmem:v0+s0+$0x70 ss:$0x1], $0xffff  }
0xda: {  	v8 =	vld.idx.msk [tilespmem:v0+s0+$0x10 ss:$0x1], $0xffff;
	[tilespmem:s19+$0x0 ss:$0x41] =	vst.msk $0xffff, v5  }
0xdb: {  	v9 =	vld.idx.msk [tilespmem:v0+s0+$0x20 ss:$0x1], $0xffff;
	[tilespmem:s12+$0x0 ss:$0x41] =	vst.msk $0xffff, v6  }
0xdc: {  	s24 =	sadd.s32 $0x100, s24;
	v10 =	vld.idx.msk [tilespmem:v0+s0+$0x30 ss:$0x1], $0xffff;
	[tilespmem:s13+$0x0 ss:$0x41] =	vst.msk $0xffff, v4  }
0xdd: {  	p2 =	slt.s32 s24, s27;
	s30 =	rddreg [dreg:$0x3];
	v5 =	vld.idx.msk [tilespmem:v0+s0+$0x40 ss:$0x1], $0xffff;
	[tilespmem:s14+$0x0 ss:$0x41] =	vst.msk $0xffff, v2  }
.Ltmp11:
0xde: {  	v6 =	vld.idx.msk [tilespmem:v0+s0+$0x50 ss:$0x1], $0xffff;
	[tilespmem:s30+$0x0 ss:$0x41] =	vst.msk $0xffff, v1;
	(pc) =	sbr.rel @p2 .LBB1_9-.Ltmp11, $4  }
0xdf: {  	s11 =	sadd.s32 s4, s31;
	s31 =	rddreg [dreg:$0x4];
	v4 =	vld.idx.msk [tilespmem:v0+s0+$0x60 ss:$0x1], $0xffff;
	[tilespmem:s20+$0x0 ss:$0x41] =	vst.msk $0xffff, v3  }
0xe0: {  	s30 =	rddreg [dreg:$0x5];
	v2 =	vld.idx.msk [tilespmem:v0+s10+$0x10 ss:$0x1], $0xffff;
	[tilespmem:s31+$0x0 ss:$0x41] =	vst.msk $0xffff, v8  }
0xe1: {  	v1 =	vld.idx.msk [tilespmem:v0+s10+$0x20 ss:$0x1], $0xffff;
	[tilespmem:s30+$0x0 ss:$0x41] =	vst.msk $0xffff, v9  }
0xe2: {  	s16 =	sadd.s32 $0x800, s16;
	[tilespmem:s3+$0x0 ss:$0x41] =	vst.msk $0xffff, v10;
	v3 =	vld.idx.msk [tilespmem:v0+s10+$0x30 ss:$0x1], $0xffff  }
.LBB1_10:
0xe3: {  	_ =	sdelay $0x2  }
0xe4: {  	[tilespmem:s7+$0x0 ss:$0x41] =	vst.msk $0xffff, v5  }
0xe5: {  	v61 =	vld.idx.msk [tilespmem:v0+s10+$0x40 ss:$0x1], $0xffff;
	[tilespmem:s23+$0x0 ss:$0x41] =	vst.msk $0xffff, v6  }
0xe6: {  	v62 =	vld.idx.msk [tilespmem:v0+s10+$0x50 ss:$0x1], $0xffff;
	[tilespmem:s21+$0x0 ss:$0x41] =	vst.msk $0xffff, v4  }
0xe7: {  	v63 =	vld.idx.msk [tilespmem:v0+s10+$0x60 ss:$0x1], $0xffff;
	[tilespmem:s17+$0x0 ss:$0x41] =	vst.msk $0xffff, v2  }
0xe8: {  	v2 =	vld.idx.msk [tilespmem:v0+s11+$0x0 ss:$0x1], $0xffff;
	[tilespmem:s18+$0x0 ss:$0x41] =	vst.msk $0xffff, v1  }
0xe9: {  	[tilespmem:s15+$0x0 ss:$0x41] =	vst.msk $0xffff, v3  }
0xea: {  	[tilespmem:s19+$0x0 ss:$0x41] =	vst.msk $0xffff, v61  }
0xeb: {  	[tilespmem:s12+$0x0 ss:$0x41] =	vst.msk $0xffff, v62  }
0xec: {  	[tilespmem:s13+$0x0 ss:$0x41] =	vst.msk $0xffff, v63  }
0xed: {  	[tilespmem:s22+$0x0 ss:$0x41] =	vst.msk $0xffff, v2  }
.LBB1_11:
.Ltmp12:
0xee: {  	(pc) =	sbr.rel @p1 .LBB1_14-.Ltmp12, $1  }
0xef: {  	_ =	sdelay $0x3  }
0xf0: {  	s2 =	sshrl.u32 s8, $0x4;
	s3 =	sand.u32 $0x3800, s29;
	s0 =	rddreg [dreg:$0x1c]  }
0xf1: {  	s4 =	sand.u32 $0x300, s9;
	s5 =	sand.u32 $0x80, s9;
	s31 =	rddreg [dreg:$0x1a]  }
0xf2: {  	s6 =	sand.u32 $0x7F, s8;
	s4 =	sadd.s32 s4, s0;
	s3 =	sadd.s32 s3, s31  }
0xf3: {  	s4 =	sadd.s32 s5, s4;
	s5 =	sadd.s32 s6, s1;
	s6 =	smov.u32 s27  }
.LBB1_13:
0xf4: {  	s0 =	sand.u32 $0x3C00, s3  }
0xf5: {  	s7 =	sand.u32 $0x70, s6;
	s30 =	sadd.s32 s6, s2;
	s0 =	sadd.s32 s0, s4  }
0xf6: {  	s6 =	sadd.s32 $0x10, s6;
	s31 =	sand.u32 $0xF8, s30;
	s0 =	sadd.s32 s7, s0  }
0xf7: {  	p2 =	slt.s32 s6, s26;
	v1 =	vld [tilespmem:s0+$0x0];
	s0 =	smul.u32 $0x104, s31  }
.Ltmp13:
0xf8: {  	_ = 	snop;
	(pc) =	sbr.rel @p2 .LBB1_13-.Ltmp13, $4  }
0xf9: {  	_ = 	snop  }
0xfa: {  	s0 =	sshrl.u32 s0, $0x2  }
0xfb: {  	s0 =	sadd.s32 s0, s5  }
0xfc: {  	s3 =	sadd.s32 $0x80, s3;
	[tilespmem:s0+$0x0 ss:$0x41] =	vst.msk $0xffff, v1  }
.Ltmp14:
0xfd: {  	_ = 	snop;
	(pc) =	sbr.rel .LBB1_14-.Ltmp14, $1  }
0xfe: {  	_ =	sdelay $0x3  }
.LBB1_18:
0xff: {  	_ =	sfence.sel $0x180000  }
0x100: {  	s0 =	simm.s32 $0x1;
	[bflag:$0x0] =	sbarrier.arrive $0xFFFF  }
0x101: {  	s30 =	simm.s32 $0x2;
	[sflag:s0] =	ssyncpa.u1 $0x1  }
0x102: {  	[sflag:s30] =	ssyncpa.u1 $0x1  }
0x103: {  	_ =	strace $0x90000047  }
0x104: {  	s31 =	stileid.u32;
	[bflag:$0x2] =	sbarrier.arrive $0xFFFF  }
0x105: {  	p0 =	sne.s32 s31, $0x0;
	s0 =	rddreg [dreg:$0x2]  }
0x106: {  	s0 =	sadd.s32 @!p0 $0x100000, s0  }
0x107: {  	[sflag:s0] =	ssyncadd.tile.s32 @!p0 $0x1;
	_ =	shalt  }
.Lfunc_end1:
_tile_overlayer_lowered:
.L_overlay_start_2:
0x108: {  	(tag) =	ssettag $0x2  }
0x109: {  	s0 =	rddreg [dreg:$0x0];
	s2 =	stileid.u32  }
0x10a: {  	s1 =	rddreg [dreg:$0x1];
	p0 =	sne.s32 s2, $0x0  }
0x10b: {  	s3 =	rddreg [dreg:$0x2];
	[bflag:$0x3] =	sbarrier.arrive $0xFFFF;
	s2 =	simm.s32 @!p0 $0x1C01  }
0x10c: {  	[timem:s3], [sflag:s2] =	dma.local @!p0 [hbm:s0], s1  }
0x10d: {  	s0 =	simm.s32 @!p0 $0x1  }
0x10e: {  	_ =	swait.ge @!p0 [sflag:s0], s1  }
0x10f: {  	s1 =	ssub.s32 @!p0 $0x0, s1;
	[sflag:s0] =	ssyncset.done @!p0 $0x0  }
0x110: {  	[sflag:s0] =	ssyncadd.s32 @!p0 s1  }
0x111: {  	[bflag:$0x3] =	sbarrier.arrive $0xFFFF  }
0x112: {  	_ =	shalt  }

// kernel: sparse-core-data-format-call.cloned.1.call-start
scs
called_computation_lowered:
.L_overlay_start_0:
0x0: {  	s2 =	sld [smem:$0x3FD9]  }
0x1: {  	s3 =	sld [smem:$0x3FFE];
	_ =	sdelay $0x1  }
0x2: {  	s1 =	srdreg.scid  }
0x3: {  	s0 =	sand.u32 $0x1, s1  }
0x4: {  	s18 =	sshll.u32 s0, $0xA;
	s2 =	sadd.s32 s3, s2  }
0x5: {  	s2 =	sadd.s32 s2, s18  }
0x6: {  	[smem:$0x3FC5] =	sst s2  }
0x7: {  	_ = 	snop  }
0x8: {  	s2 =	sld [smem:$0x3FD0];
	(tm) =	ssettm $0x1  }
0x9: {  	s19 =	sld [smem:$0x3FFB];
	_ =	sdelay $0x3  }
0xa: {  	_ =	strace s19  }
0xb: {  	s3 =	sld [smem:$0x3FFC];
	_ =	sdelay $0x3  }
0xc: {  	_ =	strace s3  }
0xd: {  	s3 =	sld [smem:$0x3FFD];
	_ =	sdelay $0x3  }
0xe: {  	_ =	strace s3  }
0xf: {  	_ =	strace $0x8FFFFFFF  }
0x10: {  	s20 =	sld [smem:$0x3FDB];
	_ =	sdelay $0x1  }
0x11: {  	s4 =	simm.s32 $_scs_section_size  }
0x12: {  	s5 =	simm.s32 $_size__tile_overlayer_lowered;
	s6 =	simm.s32 $_tile_overlayer_lowered  }
0x13: {  	s23 =	simm.s32 $0x1BFF;
	s22 =	sshll.u32 s6, $0x1;
	s3 =	sadd.s32 s4, s20  }
0x14: {  	s7 =	simm.s32 $0x0;
	s21 =	sshll.u32 s5, $0x1;
	s5 =	sadd.s32 s22, s3  }
0x15: {  	[timem:s7], [sflag:s23] =	dma.local [hbm:s5], s21  }
0x16: {  	_ =	swait.ge [sflag:s23], s21  }
0x17: {  	s4 =	ssub.s32 $0x0, s21;
	[sflag:s23] =	ssyncset.done $0x0  }
0x18: {  	[sflag:s23] =	ssyncadd.s32 s4;
	_ =	sdelay $0x1  }
0x19: {  	s24 =	simm.s32 $0x1B8B  }
0x1a: {  	_ =	swait.ge [sflag:s24], $0x1  }
0x1b: {  	[sflag:s24] =	ssyncset.done $0x0  }
0x1c: {  	s26 =	simm.s32 $0x1B8E;
	s25 =	sld [smem:$0x3FFE];
	[sflag:s24] =	ssyncadd.s32 $0xFFFFFFFF  }
0x1d: {  	s27 =	simm.s32 $execute0_lowered;
	[smem:$0x3FD2] =	sst s26  }
0x1e: {  	s5 =	sshll.u32 s27, $0x1;
	_ =	strace $0x8000004C;
	[dreg:$0x1] =	wrdreg $0xFFFFFFFF  }
0x1f: {  	s28 =	simm.s32 $_size_execute0_lowered;
	s3 =	sadd.s32 s3, s5;
	[dreg:$0x0] =	wrdreg $0x0  }
0x20: {  	s5 =	sshll.u32 s28, $0x1;
	[dreg:$0x2] =	wrdreg s3  }
0x21: {  	[dreg:$0x3] =	wrdreg s5  }
0x22: {  	[dreg:$0x4] =	wrdreg $0xC0  }
0x23: {  	_ =	task [dreg:s7], $0x5FFFF  }
0x24: {  	[dreg:$0x1] =	wrdreg $0xFFFFFFFF  }
0x25: {  	[dreg:$0x0] =	wrdreg $0x60  }
0x26: {  	[dreg:$0x2] =	wrdreg s25  }
0x27: {  	[dreg:$0x3] =	wrdreg s2  }
0x28: {  	[dreg:$0x4] =	wrdreg $0x9  }
0x29: {  	_ =	task.clear_ibuf [dreg:s7], $0x5FFFF;
	_ =	strace $0x9000004C  }
0x2a: {  	s29 =	simm.s32 $0x9;
	_ =	strace $0x8000004E  }
0x2b: {  	_ =	swait.ge [sflag:s29], $0x1  }
0x2c: {  	[sflag:s29] =	ssyncadd.s32 $0xFFFFFFFF  }
0x2d: {  	_ =	strace $0x9000004E  }
0x2e: {  	_ =	sfence  }
0x2f: {  	s30 =	sld [smem:$0x0];
	_ =	sdelay $0x2  }
0x30: {  	s31 =	sshll.u32 s1, $0xD;
	s1 =	sshrl.u32 s1, $0x2  }
0x31: {  	s3 =	sand.u32 $0x4000, s31;
	s1 =	sadd.s32 s1, s30  }
0x32: {  	s0 =	sor.u32 s3, s0;
	s1 =	sshll.u32 s1, $0x11  }
0x33: {  	s0 =	sor.u32 s1, s0  }
0x34: {  	s0 =	sadd.s32 $0x8F2B, s0  }
0x35: {  	[sflag:s0] =	ssyncadd.remote.s32 $0x1  }
0x36: {  	_ =	sfence.sel $0xFFFF  }
0x37: {  	[dreg:$0x0] =	wrdreg $0xFFFFFFFF;
	(pc) =	sbr.abs _section_cstart, $3  }
0x38: {  	[dreg:$0x1] =	wrdreg $0xFFFFFFFF  }
0x39: {  	_ =	task.clear_ibuf [dreg:s7], $0x2FFFF;
	_ =	strace $0x9FFFFFFF  }
0x3a: {  	(tm) =	ssettm $0x7FFFFFFF  }
0x3b: {  	_ =	shalt  }
tec
execute0_lowered:
.L_overlay_start_1:
0x0: {  	(tag) =	ssettag $0x1  }
0x1: {  	s0 =	srdreg.scid  }
0x2: {  	s1 =	sshll.u32 s0, $0x4  }
0x3: {  	s6 =	rddreg [dreg:$0x0];
	s0 =	stileid.u32;
	s1 =	sand.u32 $0x10, s1  }
0x4: {  	s3 =	rddreg [dreg:$0x1];
	s1 =	sor.u32 s0, s1  }
0x5: {  	s5 =	simm.s32 $0x1;
	s31 =	simm.s32 $0x2;
	s2 =	sshll.u32 s1, $0x7  }
0x6: {  	s15 =	simm.s32 $0x0;
	s8 =	simm.s32 $0x20000;
	s4 =	ssub.s32 $0x4000, s2  }
0x7: {  	s14 =	simm.s32 $0x0;
	s9 =	simm.s32 $0x0;
	s30 =	sand.u32 $0xF80, s4  }
0x8: {  	s10 =	simm.s32 $0x0;
	s11 =	simm.s32 $0x0;
	p0 =	sne.s32 s30, $0x0  }
.Ltmp0:
0x9: {  	s7 =	sshrl.u32 s4, $0xC;
	s5 =	simm.s32 @!p0 $0x0;
	(pc) =	sbr.rel .LBB1_1-.Ltmp0, $4  }
0xa: {  	s13 =	simm.s32 $0x0;
	s1 =	rddreg [dreg:$0x2];
	s5 =	sadd.s32 s5, s7  }
0xb: {  	_ =	strace $0x8000004D;
	s4 =	simm.s32 $0x1;
	s5 =	smul.u32 $0xB, s5  }
0xc: {  	s6 =	sadd.s32 $0x1600, s6;
	s12 =	smov.u32 s2;
	[sflag:s4] =	ssyncpa.u1 $0x0  }
0xd: {  	[sflag:s31] =	ssyncpa.u1 $0x0;
	p0 =	por $0x0, $0x0;
	s7 =	sadd.s32 $0x1, s5  }
.LBB1_4:
0xe: {  	s20 =	sshra.s32 s20, $0x2  }
0xf: {  	s28 =	sand.u32 $0x78, s10;
	s21 =	sshll.u32 s9, $0xE;
	s22 =	sshll.u32 s10, $0x3  }
0x10: {  	s24 =	sshll.u32 s9, $0x7;
	p1 =	sgt.s32 s9, $0x4A8;
	s30 =	sshra.s32 s9, $0x1F  }
0x11: {  	s26 =	sshra.s32 s10, $0x1F;
	s19 =	sadd.s32 s20, s19;
	s21 =	sand.u32 $0xFFFE0000, s21  }
0x12: {  	v5 =	vld [tilespmem:s17+$0xFFFFFFD0];
	[tilespmem:s18+$0x2040 ss:$0x81] =	vst.msk $0xffff, v4;
	s23 =	sand.u32 $0xFFFFFC00, s22;
	s29 =	sand.u32 $0x380, s24;
	s22 =	sand.u32 $0x3C00, s22  }
0x13: {  	v58 =	vld [tilespmem:s17+$0xFFFFFFE0];
	[tilespmem:s18+$0x2850 ss:$0x81] =	vst.msk $0xffff, v3;
	s21 =	sadd.s32 s23, s21;
	s20 =	sor.u32 s28, s22;
	s22 =	smov.u32 s9  }
0x14: {  	v59 =	vld [tilespmem:s17+$0xFFFFFFF0];
	[tilespmem:s18+$0x3060 ss:$0x81] =	vst.msk $0xffff, v2;
	s24 =	sand.u32 s30, s9;
	s21 =	sshrl.u32 s21, $0xE;
	s22 =	simm.s32 @!p1 $0x4A8  }
0x15: {  	v60 =	vld [tilespmem:s17+$0x0];
	[tilespmem:s18+$0x0 ss:$0x81] =	vst.msk $0xffff, v1;
	p1 =	sgt.s32 s10, $0x3F80;
	s31 =	ssub.s32 s22, s24;
	s22 =	smov.u32 s10  }
0x16: {  	v61 =	vld [tilespmem:s17+$0x10];
	[tilespmem:s19+$0x3870 ss:$0x81] =	vst.msk $0xffff, v0;
	s25 =	smulhi.u32 $0x31A604, s21;
	s24 =	sand.u32 s26, s10;
	s22 =	simm.s32 @!p1 $0x3F80  }
0x17: {  	v62 =	vld [tilespmem:s17+$0x20];
	s20 =	sor.u32 s29, s20;
	[tilespmem:s19+$0x810 ss:$0x81] =	vst.msk $0xffff, v5;
	s27 =	sadd.s32 $0xFFFFFB58, s31;
	s22 =	ssub.s32 s22, s24  }
0x18: {  	v63 =	vld [tilespmem:s17+$0xFFFFFFC0];
	[tilespmem:s19+$0x1020 ss:$0x81] =	vst.msk $0xffff, v58;
	s18 =	ssub.s32 $0x528, s31;
	s28 =	smul.u32 $0x528, s25;
	s29 =	sadd.s32 $0xFFFFC080, s22  }
0x19: {  	[tilespmem:s19+$0x1830 ss:$0x81] =	vst.msk $0xffff, v59;
	p1 =	sgt.s32 s27, $0x7F;
	s22 =	ssub.s32 $0x4000, s22;
	p2 =	sgt.s32 s29, $0x7F  }
0x1a: {  	s30 =	sand.u32 $0x7, s10;
	[tilespmem:s19+$0x2040 ss:$0x81] =	vst.msk $0xffff, v60;
	s18 =	simm.s32 @p1 $0x0;
	s22 =	simm.s32 @p2 $0x0  }
0x1b: {  	s20 =	sshrl.u32 s20, $0x3;
	[tilespmem:s19+$0x2850 ss:$0x81] =	vst.msk $0xffff, v61;
	s17 =	ssub.s32 s21, s28;
	s18 =	smul.u32 s22, s18  }
0x1c: {  	[tilespmem:s19+$0x3060 ss:$0x81] =	vst.msk $0xffff, v62;
	s20 =	sadd.s32 s3, s20;
	s21 =	sshll.u32 s30, $0x12;
	s17 =	sshll.u32 s17, $0xB  }
0x1d: {  	[tilespmem:s19+$0x0 ss:$0x81] =	vst.msk $0xffff, v63;
	s31 =	sor.u32 $0x400, s21;
	s17 =	sadd.s32 s17, s20;
	s18 =	sand.u32 $0x3FFFFFFF, s18  }
0x1e: {  	[hbm4b:s17+s31] =	stream.strided.scatter [tilespmem:s16], [sflag:$0x2], s18, s8, s31, $0x20;
	[tilespmem:$0x10100] =	vst v63  }
.LBB1_5:
0x1f: {  	p1 =	slt.u32 s13, $0x2  }
0x20: {  	s17 =	smov.u32 s15;
	p2 =	sgt.s32 @!p1 s15, $0x4A8;
	s16 =	sshra.s32 @!p1 s15, $0x1F  }
0x21: {  	p3 =	sgt.s32 @!p1 s14, $0x3F80;
	s18 =	sshra.s32 @!p1 s14, $0x1F;
	p2 =	por !p2, p1  }
0x22: {  	s15 =	sand.u32 @!p1 s16, s15;
	p3 =	por !p3, p1;
	s16 =	smov.u32 s14  }
0x23: {  	s14 =	sand.u32 @!p1 s18, s14;
	s17 =	simm.s32 @p2 $0x4A8;
	s16 =	simm.s32 @p3 $0x3F80  }
0x24: {  	s15 =	ssub.s32 @!p1 s17, s15;
	s14 =	ssub.s32 @!p1 s16, s14  }
0x25: {  	s18 =	smov.u32 s12;
	s16 =	sadd.s32 @!p1 $0xFFFFFB58, s15;
	s17 =	sadd.s32 @!p1 $0xFFFFC080, s14  }
0x26: {  	s15 =	ssub.s32 @!p1 $0x528, s15;
	p2 =	sgt.s32 @!p1 s16, $0x7F;
	p3 =	sgt.s32 @!p1 s17, $0x7F  }
0x27: {  	s14 =	ssub.s32 @!p1 $0x4000, s14;
	p2 =	por !p2, p1;
	p3 =	por !p3, p1  }
0x28: {  	s16 =	sadd.s32 $0x80, s11;
	s15 =	simm.s32 @!p2 $0x0;
	s14 =	simm.s32 @!p3 $0x0  }
0x29: {  	p2 =	sgt.s32 s16, $0x520;
	s14 =	smul.u32 @!p1 s14, s15;
	s15 =	sadd.s32 $0x1000, s12  }
0x2a: {  	s18 =	smov.u32 @p2 s15  }
0x2b: {  	s16 =	simm.s32 @p2 $0x0;
	p2 =	sgt.s32 s18, $0x3FFF  }
0x2c: {  	s18 =	smov.u32 @p2 s2;
	p2 =	sne.s32 s13, s7  }
.Ltmp1:
0x2d: {  	p0 =	por !p0, !p0;
	s17 =	simm.s32 @!p1 $0x2;
	(pc) =	sbr.rel @!p2 .LBB1_6-.Ltmp1, $4  }
0x2e: {  	s15 =	smov.u32 s9;
	s9 =	smov.u32 s11;
	s14 =	sand.u32 @!p1 $0x3FFFFFFF, s14  }
0x2f: {  	s11 =	smov.u32 s16;
	_ =	swait.ge @!p1 [sflag:s17], s14;
	s19 =	ssub.s32 @!p1 $0x0, s14  }
0x30: {  	s14 =	smov.u32 s10;
	s13 =	sadd.s32 $0x1, s13;
	[sflag:s17] =	ssyncset.done @!p1 $0x0  }
0x31: {  	s10 =	smov.u32 s12;
	s12 =	smov.u32 s18;
	[sflag:s17] =	ssyncadd.s32 @!p1 s19  }
.LBB1_1:
0x32: {  	p1 =	sge.u32 s13, s5  }
0x33: {  	s16 =	sshrl.u32 @!p1 s12, $0x3  }
0x34: {  	s17 =	sshll.u32 @!p1 s11, $0x3;
	s16 =	smul.u32 @!p1 $0x2C00, s16  }
0x35: {  	s18 =	sshll.u32 @!p1 s12, $0x7;
	s17 =	sand.u32 @!p1 $0xFFFFFC00, s17  }
0x36: {  	s16 =	sadd.s32 @!p1 s16, s17;
	s17 =	sand.u32 @!p1 $0x380, s18  }
0x37: {  	s18 =	sand.u32 @!p1 $0x7F, s11;
	s16 =	sor.u32 @!p1 s17, s16  }
0x38: {  	s17 =	sor.u32 @!p1 s18, s16  }
0x39: {  	s18 =	smulhi.u32 @!p1 $0xBA2E8BA3, s17;
	_ =	sdelay $0x1  }
0x3a: {  	s16 =	smulhi.u32 @!p1 $0xBA2E8BA3, s16;
	s18 =	sshrl.u32 @!p1 s18, $0xA  }
0x3b: {  	s18 =	smul.u32 @!p1 $0x580, s18  }
0x3c: {  	s31 =	sadd.s32 $0xFFFFFFFF, s13;
	s19 =	sxor.u32 @!p1 $0xFFFFFFFF, s13;
	s16 =	sshrl.u32 @!p1 s16, $0xA  }
0x3d: {  	s19 =	sshll.u32 @!p1 s19, $0xE;
	s16 =	sand.u32 @!p1 $0x3FFF, s16;
	s17 =	ssub.s32 @!p1 s17, s18  }
0x3e: {  	s16 =	smul.u32 @!p1 $0xB0, s16;
	s18 =	sshrl.u32 @!p1 s17, $0x3;
	s17 =	sand.u32 @!p1 $0x7, s17  }
0x3f: {  	s19 =	sand.u32 @!p1 $0x4000, s19;
	s18 =	sadd.s32 @!p1 s6, s18;
	s17 =	sshll.u32 @!p1 s17, $0x12  }
0x40: {  	s16 =	sadd.s32 @!p1 s16, s18;
	s17 =	sor.u32 @!p1 $0x400, s17;
	s18 =	simm.s32 @!p1 $0x2C00  }
0x41: {  	[tilespmem:s19], [sflag:$0x1] =	stream.strided.gather @!p1 [hbm4b:s16+s17], $0x4000, s18, s17, $0x38;
	[tilespmem:$0x10100] =	vst v63  }
0x42: {  	p1 =	sge.u32 s31, s5  }
.Ltmp2:
0x43: {  	_ = 	snop;
	(pc) =	sbr.rel @p1 .LBB1_5-.Ltmp2, $1  }
0x44: {  	_ =	sdelay $0x3  }
0x45: {  	s16 =	simm.s32 $0x1  }
0x46: {  	_ =	swait.ge [sflag:s4], $0x4000;
	s16 =	simm.s32 @!p0 $0x0  }
0x47: {  	[sflag:s4] =	ssyncset.done $0x0;
	s17 =	sshll.u32 s16, $0xE  }
0x48: {  	[sflag:s4] =	ssyncadd.s32 $0xFFFFC000;
	s17 =	sor.u32 $0x40, s17  }
0x49: {  	s16 =	smul.u32 $0x10200, s16;
	v0 =	vld [tilespmem:s17+$0x30]  }
0x4a: {  	v1 =	vld [tilespmem:s17+$0xFFFFFFD0]  }
0x4b: {  	s16 =	sshrl.u32 s16, $0x2;
	v5 =	vld [tilespmem:s17+$0xFFFFFFE0]  }
0x4c: {  	v6 =	vld [tilespmem:s17+$0xFFFFFFF0];
	s19 =	sor.u32 $0x8000, s16  }
0x4d: {  	s31 =	sand.u32 $0x1, s13;
	v4 =	vld [tilespmem:s17+$0x0];
	s18 =	sadd.s32 $0x0, s19  }
0x4e: {  	v3 =	vld [tilespmem:s17+$0x10];
	s16 =	smul.u32 $0x10200, s31;
	[tilespmem:s18+$0x3870 ss:$0x81] =	vst.msk $0xffff, v0  }
0x4f: {  	v2 =	vld [tilespmem:s17+$0x20];
	[tilespmem:s18+$0x810 ss:$0x81] =	vst.msk $0xffff, v1  }
0x50: {  	s16 =	sshrl.u32 s16, $0x2;
	v1 =	vld [tilespmem:s17+$0xFFFFFFC0];
	[tilespmem:s18+$0x1020 ss:$0x81] =	vst.msk $0xffff, v5;
	s17 =	sadd.s32 $0x80, s17  }
0x51: {  	s20 =	simm.s32 $0x4;
	s21 =	simm.s32 $0x8;
	s16 =	sor.u32 $0x8000, s16;
	[tilespmem:s18+$0x1830 ss:$0x81] =	vst.msk $0xffff, v6;
	v0 =	vld [tilespmem:s17+$0x30]  }
.LBB1_3:
0x52: {  	p1 =	sne.s32 s21, $0x1FC;
	v5 =	vld [tilespmem:s17+$0xFFFFFFD0];
	[tilespmem:s18+$0x2040 ss:$0x81] =	vst.msk $0xffff, v4  }
0x53: {  	v6 =	vld [tilespmem:s17+$0xFFFFFFE0];
	[tilespmem:s18+$0x2850 ss:$0x81] =	vst.msk $0xffff, v3  }
0x54: {  	s22 =	sshra.s32 s20, $0x2;
	s20 =	smov.u32 s21;
	v7 =	vld [tilespmem:s17+$0xFFFFFFF0];
	[tilespmem:s18+$0x3060 ss:$0x81] =	vst.msk $0xffff, v2  }
.Ltmp3:
0x55: {  	v4 =	vld [tilespmem:s17+$0x0];
	[tilespmem:s18+$0x0 ss:$0x81] =	vst.msk $0xffff, v1;
	s18 =	sadd.s32 s22, s19;
	(pc) =	sbr.rel @p1 .LBB1_3-.Ltmp3, $4  }
0x56: {  	v3 =	vld [tilespmem:s17+$0x10];
	[tilespmem:s18+$0x3870 ss:$0x81] =	vst.msk $0xffff, v0  }
0x57: {  	[tilespmem:s18+$0x810 ss:$0x81] =	vst.msk $0xffff, v5;
	v2 =	vld [tilespmem:s17+$0x20]  }
0x58: {  	v1 =	vld [tilespmem:s17+$0xFFFFFFC0];
	[tilespmem:s18+$0x1020 ss:$0x81] =	vst.msk $0xffff, v6;
	s17 =	sadd.s32 $0x80, s17  }
0x59: {  	s21 =	sadd.s32 $0x4, s21;
	v0 =	vld [tilespmem:s17+$0x30];
	[tilespmem:s18+$0x1830 ss:$0x81] =	vst.msk $0xffff, v7  }
.Ltmp4:
0x5a: {  	_ = 	snop;
	(pc) =	sbr.rel .LBB1_4-.Ltmp4, $1  }
0x5b: {  	_ =	sdelay $0x3  }
.LBB1_6:
0x5c: {  	_ =	sfence.sel $0x180000  }
0x5d: {  	s2 =	simm.s32 $0x1;
	[bflag:$0x0] =	sbarrier.arrive $0xFFFF  }
0x5e: {  	s31 =	simm.s32 $0x2;
	[sflag:s2] =	ssyncpa.u1 $0x1  }
0x5f: {  	[sflag:s31] =	ssyncpa.u1 $0x1  }
0x60: {  	p0 =	sne.s32 s0, $0x0;
	_ =	strace $0x9000004D  }
0x61: {  	s0 =	sadd.s32 @!p0 $0x100000, s1;
	[bflag:$0x2] =	sbarrier.arrive $0xFFFF  }
0x62: {  	[sflag:s0] =	ssyncadd.tile.s32 @!p0 $0x1;
	_ =	shalt  }
.Lfunc_end1:
_tile_overlayer_lowered:
.L_overlay_start_2:
0x63: {  	(tag) =	ssettag $0x2  }
0x64: {  	s0 =	rddreg [dreg:$0x0];
	s2 =	stileid.u32  }
0x65: {  	s1 =	rddreg [dreg:$0x1];
	p0 =	sne.s32 s2, $0x0  }
0x66: {  	s3 =	rddreg [dreg:$0x2];
	[bflag:$0x3] =	sbarrier.arrive $0xFFFF;
	s2 =	simm.s32 @!p0 $0x1C01  }
0x67: {  	[timem:s3], [sflag:s2] =	dma.local @!p0 [hbm:s0], s1  }
0x68: {  	s0 =	simm.s32 @!p0 $0x1  }
0x69: {  	_ =	swait.ge @!p0 [sflag:s0], s1  }
0x6a: {  	s1 =	ssub.s32 @!p0 $0x0, s1;
	[sflag:s0] =	ssyncset.done @!p0 $0x0  }
0x6b: {  	[sflag:s0] =	ssyncadd.s32 @!p0 s1  }
0x6c: {  	[bflag:$0x3] =	sbarrier.arrive $0xFFFF  }
0x6d: {  	_ =	shalt  }

</sc_bundles>
